<compile_context>
chip_gen: v7x
topology: tpu7x:2x2x1
jax: 0.10.2.dev20260603
libtpu: 0.0.44.dev20260713+nightly
codegen_flags: <defaults>
</compile_context>

<pallas_src>
import functools

import jax
import jax.numpy as jnp
from jax import lax
from jax.experimental import pallas as pl
from jax.experimental.pallas import tpu as pltpu
from jax.experimental.pallas import tpu_sc as plsc

N = 100000
B = 4096
NODE_DIM = 128
HIDDEN_DIM = 64
NSPECIES = 119

NW = 16
CHUNK = 6400
NCH = 50
NP = NW * CHUNK
CHUNK2 = 3200
NCH2 = 25
LANES = 16
NSEG_W = B // NW


@functools.cache
def _mesh():
    return plsc.VectorSubcoreMesh(
        core_axis_name="c", subcore_axis_name="s", num_cores=1,
        num_subcores=NW)


@functools.cache
def _mesh2():
    return plsc.VectorSubcoreMesh(
        core_axis_name="c", subcore_axis_name="s", num_cores=2,
        num_subcores=NW)


_SC_PARAMS = pltpu.CompilerParams(needs_layout_passes=False)


def _centroid_body(xs, ys, zs, an, batch2d, table,
                   cx, cy, cz,
                   rx, ry, rz, rm, anv, idxv, tablev, stripe,
                   accx, accy, accz, accm, sem):
    wid = lax.axis_index("s")
    base = wid * CHUNK

    pltpu.sync_copy(xs.at[pl.ds(base, CHUNK)], rx)
    pltpu.sync_copy(ys.at[pl.ds(base, CHUNK)], ry)
    pltpu.sync_copy(zs.at[pl.ds(base, CHUNK)], rz)
    pltpu.sync_copy(an.at[pl.ds(base, CHUNK)], anv)
    pltpu.sync_copy(batch2d.at[wid], idxv)
    pltpu.sync_copy(table, tablev)

    for k in range(NSEG_W // LANES):
        stripe[pl.ds(k * LANES, LANES)] = jnp.zeros((LANES,), jnp.float32)
    sbase = wid * NSEG_W
    pltpu.sync_copy(stripe, accx.at[pl.ds(sbase, NSEG_W)])
    pltpu.sync_copy(stripe, accy.at[pl.ds(sbase, NSEG_W)])
    pltpu.sync_copy(stripe, accz.at[pl.ds(sbase, NSEG_W)])
    pltpu.sync_copy(stripe, accm.at[pl.ds(sbase, NSEG_W)])
    plsc.subcore_barrier()

    def chunk_build(j, carry):
        for k in range(8):
            i = j * 8 + k
            sl = pl.ds(i * LANES, LANES)
            m16 = plsc.load_gather(tablev, [anv[sl]])
            rm[sl] = m16
            rx[sl] = rx[sl] * m16
            ry[sl] = ry[sl] * m16
            rz[sl] = rz[sl] * m16
        rows = pl.ds(j * 128, 128)
        idx = idxv.at[j]
        pltpu.async_copy(rx.at[rows], accx.at[idx], sem, add=True)
        pltpu.async_copy(ry.at[rows], accy.at[idx], sem, add=True)
        pltpu.async_copy(rz.at[rows], accz.at[idx], sem, add=True)
        pltpu.async_copy(rm.at[rows], accm.at[idx], sem, add=True)
        return carry

    def chunk_drain(j, carry):
        rows = pl.ds(j * 128, 128)
        idx = idxv.at[j]
        pltpu.make_async_copy(rx.at[rows], accx.at[idx], sem).wait()
        pltpu.make_async_copy(ry.at[rows], accy.at[idx], sem).wait()
        pltpu.make_async_copy(rz.at[rows], accz.at[idx], sem).wait()
        pltpu.make_async_copy(rm.at[rows], accm.at[idx], sem).wait()
        return carry

    lax.fori_loop(0, NCH, chunk_build, 0)
    lax.fori_loop(0, NCH, chunk_drain, 0)
    plsc.subcore_barrier()

    num_x = rx.at[pl.ds(0, NSEG_W)]
    num_y = ry.at[pl.ds(0, NSEG_W)]
    num_z = rz.at[pl.ds(0, NSEG_W)]
    den = rm.at[pl.ds(0, NSEG_W)]
    pltpu.sync_copy(accx.at[pl.ds(sbase, NSEG_W)], num_x)
    pltpu.sync_copy(accy.at[pl.ds(sbase, NSEG_W)], num_y)
    pltpu.sync_copy(accz.at[pl.ds(sbase, NSEG_W)], num_z)
    pltpu.sync_copy(accm.at[pl.ds(sbase, NSEG_W)], den)

    def divide(k, carry):
        sl = pl.ds(k * LANES, LANES)
        inv = 1.0 / den[sl]
        num_x[sl] = num_x[sl] * inv
        num_y[sl] = num_y[sl] * inv
        num_z[sl] = num_z[sl] * inv
        return carry

    lax.fori_loop(0, NSEG_W // LANES, divide, 0)
    pltpu.sync_copy(num_x, cx.at[pl.ds(sbase, NSEG_W)])
    pltpu.sync_copy(num_y, cy.at[pl.ds(sbase, NSEG_W)])
    pltpu.sync_copy(num_z, cz.at[pl.ds(sbase, NSEG_W)])


@functools.cache
def _centroid_kernel(interpret: bool = False):
    return pl.kernel(
        _centroid_body,
        out_type=[jax.ShapeDtypeStruct((B,), jnp.float32)] * 3,
        mesh=_mesh(),
        scratch_types=[
            pltpu.VMEM((CHUNK,), jnp.float32),
            pltpu.VMEM((CHUNK,), jnp.float32),
            pltpu.VMEM((CHUNK,), jnp.float32),
            pltpu.VMEM((CHUNK,), jnp.float32),
            pltpu.VMEM((CHUNK,), jnp.int32),
            pltpu.VMEM((NCH, 128), jnp.int32),
            pltpu.VMEM((128,), jnp.float32),
            pltpu.VMEM((NSEG_W,), jnp.float32),
            pltpu.VMEM_SHARED((B,), jnp.float32),
            pltpu.VMEM_SHARED((B,), jnp.float32),
            pltpu.VMEM_SHARED((B,), jnp.float32),
            pltpu.VMEM_SHARED((B,), jnp.float32),
            pltpu.SemaphoreType.DMA,
        ],
        compiler_params=_SC_PARAMS,
        interpret=interpret,
    )


def _extent_body(xs, ys, zs, so, batch2d, cxh, cyh, czh,
                 out,
                 xv, yv, zv, sov, idxv, cxv, cyv, czv, contrib, stripe, acc,
                 sem):
    cid = lax.axis_index("c")
    sid = lax.axis_index("s")
    wid = cid * NW + sid
    base = wid * CHUNK2

    pltpu.sync_copy(xs.at[pl.ds(base, CHUNK2)], xv)
    pltpu.sync_copy(ys.at[pl.ds(base, CHUNK2)], yv)
    pltpu.sync_copy(zs.at[pl.ds(base, CHUNK2)], zv)
    pltpu.sync_copy(so.at[pl.ds(base, CHUNK2)], sov)
    pltpu.sync_copy(batch2d.at[wid], idxv)
    pltpu.sync_copy(cxh, cxv)
    pltpu.sync_copy(cyh, cyv)
    pltpu.sync_copy(czh, czv)

    nseg = NSEG_W
    sbase = sid * nseg
    for k in range(nseg // LANES):
        stripe[pl.ds(k * LANES, LANES)] = jnp.zeros((LANES,), jnp.float32)
    pltpu.sync_copy(stripe, acc.at[pl.ds(sbase, nseg)])
    plsc.subcore_barrier()

    lane = lax.iota(jnp.int32, LANES)

    def chunk_build(j, carry):
        for k in range(8):
            i = j * 8 + k
            sl = pl.ds(i * LANES, LANES)
            ids = i * LANES + lane
            b16 = idxv[j, pl.ds(k * LANES, LANES)]
            dx = xv[sl] - plsc.load_gather(cxv, [b16])
            dy = yv[sl] - plsc.load_gather(cyv, [b16])
            dz = zv[sl] - plsc.load_gather(czv, [b16])
            sp = dx * dx + dy * dy + dz * dz
            valid = (base + ids) < N
            contrib[sl] = jnp.where(valid, sov[sl] * sp, 0.0)
        pltpu.async_copy(contrib.at[pl.ds(j * 128, 128)], acc.at[idxv.at[j]],
                         sem, add=True)
        return carry

    def chunk_drain(j, carry):
        pltpu.make_async_copy(contrib.at[pl.ds(j * 128, 128)],
                              acc.at[idxv.at[j]], sem).wait()
        return carry

    lax.fori_loop(0, NCH2, chunk_build, 0)
    lax.fori_loop(0, NCH2, chunk_drain, 0)
    plsc.subcore_barrier()
    pltpu.sync_copy(acc.at[pl.ds(sbase, nseg)],
                    out.at[cid, pl.ds(sbase, nseg)])


@functools.cache
def _extent_kernel(interpret: bool = False):
    return pl.kernel(
        _extent_body,
        out_type=jax.ShapeDtypeStruct((2, B), jnp.float32),
        mesh=_mesh2(),
        scratch_types=[
            pltpu.VMEM((CHUNK2,), jnp.float32),
            pltpu.VMEM((CHUNK2,), jnp.float32),
            pltpu.VMEM((CHUNK2,), jnp.float32),
            pltpu.VMEM((CHUNK2,), jnp.float32),
            pltpu.VMEM((NCH2, 128), jnp.int32),
            pltpu.VMEM((B,), jnp.float32),
            pltpu.VMEM((B,), jnp.float32),
            pltpu.VMEM((B,), jnp.float32),
            pltpu.VMEM((CHUNK2,), jnp.float32),
            pltpu.VMEM((NSEG_W,), jnp.float32),
            pltpu.VMEM_SHARED((B,), jnp.float32),
            pltpu.SemaphoreType.DMA,
        ],
        compiler_params=_SC_PARAMS,
        interpret=interpret,
    )


def _mlp_body(x_ref, w1_ref, b1_ref, w2t_ref, b2_ref, o_ref):
    h = jnp.dot(x_ref[...], w1_ref[...], preferred_element_type=jnp.float32)
    h = h + b1_ref[...]
    h = h * jax.nn.sigmoid(h)
    s = lax.dot_general(w2t_ref[...], h, (((1,), (1,)), ((), ())),
                        preferred_element_type=jnp.float32)
    o_ref[...] = (s + b2_ref[...])[None]


_MLP_BLOCK = 6400
_MLP_GRID = NP // _MLP_BLOCK


def _mlp(node_scalar, W1, b1, W2, b2):
    return pl.pallas_call(
        _mlp_body,
        grid=(_MLP_GRID,),
        in_specs=[
            pl.BlockSpec((_MLP_BLOCK, NODE_DIM), lambda i: (i, 0)),
            pl.BlockSpec((NODE_DIM, HIDDEN_DIM), lambda i: (0, 0)),
            pl.BlockSpec((HIDDEN_DIM,), lambda i: (0,)),
            pl.BlockSpec((1, HIDDEN_DIM), lambda i: (0, 0)),
            pl.BlockSpec((1,), lambda i: (0,)),
        ],
        out_specs=pl.BlockSpec((1, 1, _MLP_BLOCK), lambda i: (i, 0, 0)),
        out_shape=jax.ShapeDtypeStruct((_MLP_GRID, 1, _MLP_BLOCK),
                                       jnp.float32),
    )(node_scalar, W1, b1, W2.reshape(1, HIDDEN_DIM), b2)


def kernel(pos, node_scalar, W1, b1, W2, b2, masses_table, batch,
           atomic_numbers):
    pad = NP - N
    batch32 = jnp.concatenate(
        [batch.astype(jnp.int32), jnp.zeros((pad,), jnp.int32)])
    an32 = jnp.concatenate(
        [atomic_numbers.astype(jnp.int32),
         jnp.full((pad,), NSPECIES, jnp.int32)])
    table = jnp.concatenate(
        [masses_table, jnp.zeros((128 - NSPECIES,), jnp.float32)])
    zpad = jnp.zeros((pad,), jnp.float32)
    xs = jnp.concatenate([pos[:, 0], zpad])
    ys = jnp.concatenate([pos[:, 1], zpad])
    zs = jnp.concatenate([pos[:, 2], zpad])
    batch2d = batch32.reshape(NW, NCH, 128)
    batch2d2 = batch32.reshape(2 * NW, NCH2, 128)

    cx, cy, cz = _centroid_kernel()(xs, ys, zs, an32, batch2d, table)
    so = _mlp(node_scalar, W1, b1, W2, b2).reshape(NP)
    out2 = _extent_kernel()(xs, ys, zs, so, batch2d2, cx, cy, cz)
    return (out2[0] + out2[1]).reshape(B, 1)

# --- scband reference (transcript-rebuilt; emitter-appended) ---
"""Pipeline reference for scband-spatial-out-44057774522753 (READ-ONLY COPY).

The authoritative reference and input builder live on the scoring server;
editing this copy changes nothing except your own understanding.
"""

import jax, jax.numpy as jnp
import numpy as np

NUM_SEGMENTS = 4096
N_ATOMS = 100000
NODE_DIM = 128
HIDDEN_DIM = 64
N_SPECIES = 119


def setup_inputs(seed: int = 0) -> dict:
    key = jax.random.key(seed)
    ks = jax.random.split(key, 8)
    batch = jnp.sort(jax.random.randint(ks[0], (N_ATOMS,), 0, NUM_SEGMENTS)).astype(jnp.int64)
    pos = jax.random.normal(ks[1], (N_ATOMS, 3), dtype=jnp.float32)
    atomic_numbers = jax.random.randint(ks[2], (N_ATOMS,), 0, N_SPECIES).astype(jnp.int64)
    node_scalar = jax.random.normal(ks[3], (N_ATOMS, NODE_DIM), dtype=jnp.float32)
    W1 = jax.random.normal(ks[4], (NODE_DIM, HIDDEN_DIM), dtype=jnp.float32) / np.sqrt(NODE_DIM)
    b1 = jnp.zeros((HIDDEN_DIM,), dtype=jnp.float32)  # nn.init.zeros_
    W2 = jax.random.normal(ks[5], (HIDDEN_DIM, 1), dtype=jnp.float32) / np.sqrt(HIDDEN_DIM)
    b2 = jnp.zeros((1,), dtype=jnp.float32)  # nn.init.zeros_
    # qc.ATOM_MASS buffer: positive atomic masses per species
    masses_table = jax.random.uniform(ks[6], (N_SPECIES,), dtype=jnp.float32, minval=1.0, maxval=250.0)
    return {
        'pos': pos,
        'node_scalar': node_scalar,
        'W1': W1,
        'b1': b1,
        'W2': W2,
        'b2': b2,
        'masses_table': masses_table,
        'batch': batch,
        'atomic_numbers': atomic_numbers,
    }


def reference(pos, node_scalar, W1, b1, W2, b2, masses_table, batch, atomic_numbers):
    # masses = self.masses[atomic_numbers]  (gather)
    masses = jnp.take(masses_table, atomic_numbers, axis=0)  # [N]
    # centroids = scatter(masses * pos, batch) / scatter(masses, batch)
    num = jax.ops.segment_sum(masses[:, None] * pos, batch, num_segments=NUM_SEGMENTS)  # [B, 3]
    den = jax.ops.segment_sum(masses, batch, num_segments=NUM_SEGMENTS)  # [B]
    centroids = num / den[:, None]
    # pos -= centroids[batch]  (gather)
    pos_c = pos - jnp.take(centroids, batch, axis=0)
    # scalar_out = MLP(node_scalar): Linear -> SiLU -> Linear
    h = jnp.dot(node_scalar, W1) + b1
    h = h * jax.nn.sigmoid(h)  # silu
    scalar_out = jnp.dot(h, W2) + b2  # [N, 1]
    # spatial = ||pos||^2
    spatial = jnp.sum(jnp.square(pos_c), axis=1, keepdims=True)  # [N, 1]
    # spatial_extent = scatter_sum(scalar_out * spatial, batch)
    spatial_extent = jax.ops.segment_sum(scalar_out * spatial, batch, num_segments=NUM_SEGMENTS)  # [B, 1]
    return spatial_extent

if __name__ == "__main__":
    import jax
    _d = setup_inputs()
    print(jax.jit(kernel)(*tuple(_d.values())))

</pallas_src>

<mosaic_0001>
#map = affine_map<(d0, d1) -> (0)>
#map1 = affine_map<(d0, d1) -> (0, 0, 0)>
module attributes {stable_mosaic.version = 14 : i64} {
  func.func @_centroid_body(%arg0: i32, %arg1: i32, %arg2: memref<102400xf32, #tpu.memory_space<hbm>>, %arg3: memref<102400xf32, #tpu.memory_space<hbm>>, %arg4: memref<102400xf32, #tpu.memory_space<hbm>>, %arg5: memref<102400xi32, #tpu.memory_space<hbm>>, %arg6: memref<16x50x128xi32, #tpu.memory_space<hbm>>, %arg7: memref<128xf32, #tpu.memory_space<hbm>>, %arg8: memref<4096xf32, #tpu.memory_space<hbm>>, %arg9: memref<4096xf32, #tpu.memory_space<hbm>>, %arg10: memref<4096xf32, #tpu.memory_space<hbm>>, %arg11: memref<6400xf32, #tpu.memory_space<vmem>>, %arg12: memref<6400xf32, #tpu.memory_space<vmem>>, %arg13: memref<6400xf32, #tpu.memory_space<vmem>>, %arg14: memref<6400xf32, #tpu.memory_space<vmem>>, %arg15: memref<6400xi32, #tpu.memory_space<vmem>>, %arg16: memref<50x128xi32, #tpu.memory_space<vmem>>, %arg17: memref<128xf32, #tpu.memory_space<vmem>>, %arg18: memref<256xf32, #tpu.memory_space<vmem>>, %arg19: memref<4096xf32, #tpu.memory_space<vmem_shared>>, %arg20: memref<4096xf32, #tpu.memory_space<vmem_shared>>, %arg21: memref<4096xf32, #tpu.memory_space<vmem_shared>>, %arg22: memref<4096xf32, #tpu.memory_space<vmem_shared>>, %arg23: memref<!tpu.dma_semaphore, #tpu.memory_space<semaphore_mem>>) attributes {dimension_semantics = [#tpu.dimension_semantics<core_parallel>, #tpu.dimension_semantics<subcore_parallel>], iteration_bounds = array<i64: 1, 16>, scalar_prefetch = 0 : i64, scratch_operands = 13 : i64, tpu.core_type = #tpu.core_type<sc_vector_subcore>, window_params = [{transform_indices = #map}, {transform_indices = #map}, {transform_indices = #map}, {transform_indices = #map}, {transform_indices = #map1}, {transform_indices = #map}, {transform_indices = #map}, {transform_indices = #map}, {transform_indices = #map}]} {
    %mul3A = arith.constant 6400 : i32
    %mul3A_0 = arith.muli %arg1, %mul3A : i32
    "tpu.region"() ({
      %run_scoped3A = tpu.sem_alloc : memref<!tpu.dma_semaphore, #tpu.memory_space<semaphore_mem>>
      %dma_start3A = tpu.memref_slice %arg2[%mul3A_0] : memref<102400xf32, #tpu.memory_space<hbm>> -> memref<6400xf32, #tpu.memory_space<hbm>>
      %dma_start3A_83 = tpu.memref_slice %arg2[%mul3A_0] : memref<102400xf32, #tpu.memory_space<hbm>> -> memref<6400xf32, #tpu.memory_space<hbm>>
      tpu.enqueue_dma source(%dma_start3A_83 : memref<6400xf32, #tpu.memory_space<hbm>>) target(%arg11 : memref<6400xf32, #tpu.memory_space<vmem>>) target_semaphore(%run_scoped3A : memref<!tpu.dma_semaphore, #tpu.memory_space<semaphore_mem>>)
      %dma_wait3A = tpu.memref_slice %arg2[%mul3A_0] : memref<102400xf32, #tpu.memory_space<hbm>> -> memref<6400xf32, #tpu.memory_space<hbm>>
      %dma_wait3A_84 = tpu.memref_slice %arg2[%mul3A_0] : memref<102400xf32, #tpu.memory_space<hbm>> -> memref<6400xf32, #tpu.memory_space<hbm>>
      tpu.wait_dma2 semaphore(%run_scoped3A : memref<!tpu.dma_semaphore, #tpu.memory_space<semaphore_mem>>) src(%dma_wait3A_84 : memref<6400xf32, #tpu.memory_space<hbm>>) dst(%arg11 : memref<6400xf32, #tpu.memory_space<vmem>>)
      tpu.yield
    }) : () -> ()
    "tpu.region"() ({
      %run_scoped3A = tpu.sem_alloc : memref<!tpu.dma_semaphore, #tpu.memory_space<semaphore_mem>>
      %dma_start3A = tpu.memref_slice %arg3[%mul3A_0] : memref<102400xf32, #tpu.memory_space<hbm>> -> memref<6400xf32, #tpu.memory_space<hbm>>
      %dma_start3A_83 = tpu.memref_slice %arg3[%mul3A_0] : memref<102400xf32, #tpu.memory_space<hbm>> -> memref<6400xf32, #tpu.memory_space<hbm>>
      tpu.enqueue_dma source(%dma_start3A_83 : memref<6400xf32, #tpu.memory_space<hbm>>) target(%arg12 : memref<6400xf32, #tpu.memory_space<vmem>>) target_semaphore(%run_scoped3A : memref<!tpu.dma_semaphore, #tpu.memory_space<semaphore_mem>>)
      %dma_wait3A = tpu.memref_slice %arg3[%mul3A_0] : memref<102400xf32, #tpu.memory_space<hbm>> -> memref<6400xf32, #tpu.memory_space<hbm>>
      %dma_wait3A_84 = tpu.memref_slice %arg3[%mul3A_0] : memref<102400xf32, #tpu.memory_space<hbm>> -> memref<6400xf32, #tpu.memory_space<hbm>>
      tpu.wait_dma2 semaphore(%run_scoped3A : memref<!tpu.dma_semaphore, #tpu.memory_space<semaphore_mem>>) src(%dma_wait3A_84 : memref<6400xf32, #tpu.memory_space<hbm>>) dst(%arg12 : memref<6400xf32, #tpu.memory_space<vmem>>)
      tpu.yield
    }) : () -> ()
    "tpu.region"() ({
      %run_scoped3A = tpu.sem_alloc : memref<!tpu.dma_semaphore, #tpu.memory_space<semaphore_mem>>
      %dma_start3A = tpu.memref_slice %arg4[%mul3A_0] : memref<102400xf32, #tpu.memory_space<hbm>> -> memref<6400xf32, #tpu.memory_space<hbm>>
      %dma_start3A_83 = tpu.memref_slice %arg4[%mul3A_0] : memref<102400xf32, #tpu.memory_space<hbm>> -> memref<6400xf32, #tpu.memory_space<hbm>>
      tpu.enqueue_dma source(%dma_start3A_83 : memref<6400xf32, #tpu.memory_space<hbm>>) target(%arg13 : memref<6400xf32, #tpu.memory_space<vmem>>) target_semaphore(%run_scoped3A : memref<!tpu.dma_semaphore, #tpu.memory_space<semaphore_mem>>)
      %dma_wait3A = tpu.memref_slice %arg4[%mul3A_0] : memref<102400xf32, #tpu.memory_space<hbm>> -> memref<6400xf32, #tpu.memory_space<hbm>>
      %dma_wait3A_84 = tpu.memref_slice %arg4[%mul3A_0] : memref<102400xf32, #tpu.memory_space<hbm>> -> memref<6400xf32, #tpu.memory_space<hbm>>
      tpu.wait_dma2 semaphore(%run_scoped3A : memref<!tpu.dma_semaphore, #tpu.memory_space<semaphore_mem>>) src(%dma_wait3A_84 : memref<6400xf32, #tpu.memory_space<hbm>>) dst(%arg13 : memref<6400xf32, #tpu.memory_space<vmem>>)
      tpu.yield
    }) : () -> ()
    "tpu.region"() ({
      %run_scoped3A = tpu.sem_alloc : memref<!tpu.dma_semaphore, #tpu.memory_space<semaphore_mem>>
      %dma_start3A = tpu.memref_slice %arg5[%mul3A_0] : memref<102400xi32, #tpu.memory_space<hbm>> -> memref<6400xi32, #tpu.memory_space<hbm>>
      %dma_start3A_83 = tpu.memref_slice %arg5[%mul3A_0] : memref<102400xi32, #tpu.memory_space<hbm>> -> memref<6400xi32, #tpu.memory_space<hbm>>
      tpu.enqueue_dma source(%dma_start3A_83 : memref<6400xi32, #tpu.memory_space<hbm>>) target(%arg15 : memref<6400xi32, #tpu.memory_space<vmem>>) target_semaphore(%run_scoped3A : memref<!tpu.dma_semaphore, #tpu.memory_space<semaphore_mem>>)
      %dma_wait3A = tpu.memref_slice %arg5[%mul3A_0] : memref<102400xi32, #tpu.memory_space<hbm>> -> memref<6400xi32, #tpu.memory_space<hbm>>
      %dma_wait3A_84 = tpu.memref_slice %arg5[%mul3A_0] : memref<102400xi32, #tpu.memory_space<hbm>> -> memref<6400xi32, #tpu.memory_space<hbm>>
      tpu.wait_dma2 semaphore(%run_scoped3A : memref<!tpu.dma_semaphore, #tpu.memory_space<semaphore_mem>>) src(%dma_wait3A_84 : memref<6400xi32, #tpu.memory_space<hbm>>) dst(%arg15 : memref<6400xi32, #tpu.memory_space<vmem>>)
      tpu.yield
    }) : () -> ()
    "tpu.region"() ({
      %run_scoped3A = tpu.sem_alloc : memref<!tpu.dma_semaphore, #tpu.memory_space<semaphore_mem>>
      %dma_start3A = arith.constant 0 : i32
      %dma_start3A_83 = arith.constant 0 : i32
      %dma_start3A_84 = tpu.memref_slice %arg6[%arg1, %dma_start3A, %dma_start3A_83] : memref<16x50x128xi32, #tpu.memory_space<hbm>> -> memref<1x50x128xi32, #tpu.memory_space<hbm>>
      %dma_start3A_85 = tpu.memref_squeeze %dma_start3A_84 : memref<1x50x128xi32, #tpu.memory_space<hbm>> -> memref<50x128xi32, #tpu.memory_space<hbm>>
      %dma_start3A_86 = arith.constant 0 : i32
      %dma_start3A_87 = arith.constant 0 : i32
      %dma_start3A_88 = tpu.memref_slice %arg6[%arg1, %dma_start3A_86, %dma_start3A_87] : memref<16x50x128xi32, #tpu.memory_space<hbm>> -> memref<1x50x128xi32, #tpu.memory_space<hbm>>
      %dma_start3A_89 = tpu.memref_squeeze %dma_start3A_88 : memref<1x50x128xi32, #tpu.memory_space<hbm>> -> memref<50x128xi32, #tpu.memory_space<hbm>>
      tpu.enqueue_dma source(%dma_start3A_89 : memref<50x128xi32, #tpu.memory_space<hbm>>) target(%arg16 : memref<50x128xi32, #tpu.memory_space<vmem>>) target_semaphore(%run_scoped3A : memref<!tpu.dma_semaphore, #tpu.memory_space<semaphore_mem>>)
      %dma_wait3A = arith.constant 0 : i32
      %dma_wait3A_90 = arith.constant 0 : i32
      %dma_wait3A_91 = tpu.memref_slice %arg6[%arg1, %dma_wait3A, %dma_wait3A_90] : memref<16x50x128xi32, #tpu.memory_space<hbm>> -> memref<1x50x128xi32, #tpu.memory_space<hbm>>
      %dma_wait3A_92 = tpu.memref_squeeze %dma_wait3A_91 : memref<1x50x128xi32, #tpu.memory_space<hbm>> -> memref<50x128xi32, #tpu.memory_space<hbm>>
      %dma_wait3A_93 = arith.constant 0 : i32
      %dma_wait3A_94 = arith.constant 0 : i32
      %dma_wait3A_95 = tpu.memref_slice %arg6[%arg1, %dma_wait3A_93, %dma_wait3A_94] : memref<16x50x128xi32, #tpu.memory_space<hbm>> -> memref<1x50x128xi32, #tpu.memory_space<hbm>>
      %dma_wait3A_96 = tpu.memref_squeeze %dma_wait3A_95 : memref<1x50x128xi32, #tpu.memory_space<hbm>> -> memref<50x128xi32, #tpu.memory_space<hbm>>
      tpu.wait_dma2 semaphore(%run_scoped3A : memref<!tpu.dma_semaphore, #tpu.memory_space<semaphore_mem>>) src(%dma_wait3A_96 : memref<50x128xi32, #tpu.memory_space<hbm>>) dst(%arg16 : memref<50x128xi32, #tpu.memory_space<vmem>>)
      tpu.yield
    }) : () -> ()
    "tpu.region"() ({
      %run_scoped3A = tpu.sem_alloc : memref<!tpu.dma_semaphore, #tpu.memory_space<semaphore_mem>>
      tpu.enqueue_dma source(%arg7 : memref<128xf32, #tpu.memory_space<hbm>>) target(%arg17 : memref<128xf32, #tpu.memory_space<vmem>>) target_semaphore(%run_scoped3A : memref<!tpu.dma_semaphore, #tpu.memory_space<semaphore_mem>>)
      tpu.wait_dma2 semaphore(%run_scoped3A : memref<!tpu.dma_semaphore, #tpu.memory_space<semaphore_mem>>) src(%arg7 : memref<128xf32, #tpu.memory_space<hbm>>) dst(%arg17 : memref<128xf32, #tpu.memory_space<vmem>>)
      tpu.yield
    }) : () -> ()
    %broadcast_in_dim3A = arith.constant 0.000000e+00 : f32
    %broadcast_in_dim3A_1 = vector.broadcast %broadcast_in_dim3A : f32 to vector<16xf32>
    %swap3A = arith.constant 0 : index
    %swap3A_2 = tpu.vector_load %arg18[%swap3A] {strides = array<i32>} : memref<256xf32, #tpu.memory_space<vmem>>, vector<16xf32>,
    tpu.vector_store %arg18[%swap3A], %broadcast_in_dim3A_1 {strides = array<i32>} : memref<256xf32, #tpu.memory_space<vmem>>, vector<16xf32>,
    %broadcast_in_dim3A_3 = arith.constant 0.000000e+00 : f32
    %broadcast_in_dim3A_4 = vector.broadcast %broadcast_in_dim3A_3 : f32 to vector<16xf32>
    %swap3A_5 = arith.constant 16 : index
    %swap3A_6 = tpu.vector_load %arg18[%swap3A_5] {strides = array<i32>} : memref<256xf32, #tpu.memory_space<vmem>>, vector<16xf32>,
    tpu.vector_store %arg18[%swap3A_5], %broadcast_in_dim3A_4 {strides = array<i32>} : memref<256xf32, #tpu.memory_space<vmem>>, vector<16xf32>,
    %broadcast_in_dim3A_7 = arith.constant 0.000000e+00 : f32
    %broadcast_in_dim3A_8 = vector.broadcast %broadcast_in_dim3A_7 : f32 to vector<16xf32>
    %swap3A_9 = arith.constant 32 : index
    %swap3A_10 = tpu.vector_load %arg18[%swap3A_9] {strides = array<i32>} : memref<256xf32, #tpu.memory_space<vmem>>, vector<16xf32>,
    tpu.vector_store %arg18[%swap3A_9], %broadcast_in_dim3A_8 {strides = array<i32>} : memref<256xf32, #tpu.memory_space<vmem>>, vector<16xf32>,
    %broadcast_in_dim3A_11 = arith.constant 0.000000e+00 : f32
    %broadcast_in_dim3A_12 = vector.broadcast %broadcast_in_dim3A_11 : f32 to vector<16xf32>
    %swap3A_13 = arith.constant 48 : index
    %swap3A_14 = tpu.vector_load %arg18[%swap3A_13] {strides = array<i32>} : memref<256xf32, #tpu.memory_space<vmem>>, vector<16xf32>,
    tpu.vector_store %arg18[%swap3A_13], %broadcast_in_dim3A_12 {strides = array<i32>} : memref<256xf32, #tpu.memory_space<vmem>>, vector<16xf32>,
    %broadcast_in_dim3A_15 = arith.constant 0.000000e+00 : f32
    %broadcast_in_dim3A_16 = vector.broadcast %broadcast_in_dim3A_15 : f32 to vector<16xf32>
    %swap3A_17 = arith.constant 64 : index
    %swap3A_18 = tpu.vector_load %arg18[%swap3A_17] {strides = array<i32>} : memref<256xf32, #tpu.memory_space<vmem>>, vector<16xf32>,
    tpu.vector_store %arg18[%swap3A_17], %broadcast_in_dim3A_16 {strides = array<i32>} : memref<256xf32, #tpu.memory_space<vmem>>, vector<16xf32>,
    %broadcast_in_dim3A_19 = arith.constant 0.000000e+00 : f32
    %broadcast_in_dim3A_20 = vector.broadcast %broadcast_in_dim3A_19 : f32 to vector<16xf32>
    %swap3A_21 = arith.constant 80 : index
    %swap3A_22 = tpu.vector_load %arg18[%swap3A_21] {strides = array<i32>} : memref<256xf32, #tpu.memory_space<vmem>>, vector<16xf32>,
    tpu.vector_store %arg18[%swap3A_21], %broadcast_in_dim3A_20 {strides = array<i32>} : memref<256xf32, #tpu.memory_space<vmem>>, vector<16xf32>,
    %broadcast_in_dim3A_23 = arith.constant 0.000000e+00 : f32
    %broadcast_in_dim3A_24 = vector.broadcast %broadcast_in_dim3A_23 : f32 to vector<16xf32>
    %swap3A_25 = arith.constant 96 : index
    %swap3A_26 = tpu.vector_load %arg18[%swap3A_25] {strides = array<i32>} : memref<256xf32, #tpu.memory_space<vmem>>, vector<16xf32>,
    tpu.vector_store %arg18[%swap3A_25], %broadcast_in_dim3A_24 {strides = array<i32>} : memref<256xf32, #tpu.memory_space<vmem>>, vector<16xf32>,
    %broadcast_in_dim3A_27 = arith.constant 0.000000e+00 : f32
    %broadcast_in_dim3A_28 = vector.broadcast %broadcast_in_dim3A_27 : f32 to vector<16xf32>
    %swap3A_29 = arith.constant 112 : index
    %swap3A_30 = tpu.vector_load %arg18[%swap3A_29] {strides = array<i32>} : memref<256xf32, #tpu.memory_space<vmem>>, vector<16xf32>,
    tpu.vector_store %arg18[%swap3A_29], %broadcast_in_dim3A_28 {strides = array<i32>} : memref<256xf32, #tpu.memory_space<vmem>>, vector<16xf32>,
    %broadcast_in_dim3A_31 = arith.constant 0.000000e+00 : f32
    %broadcast_in_dim3A_32 = vector.broadcast %broadcast_in_dim3A_31 : f32 to vector<16xf32>
    %swap3A_33 = arith.constant 128 : index
    %swap3A_34 = tpu.vector_load %arg18[%swap3A_33] {strides = array<i32>} : memref<256xf32, #tpu.memory_space<vmem>>, vector<16xf32>,
    tpu.vector_store %arg18[%swap3A_33], %broadcast_in_dim3A_32 {strides = array<i32>} : memref<256xf32, #tpu.memory_space<vmem>>, vector<16xf32>,
    %broadcast_in_dim3A_35 = arith.constant 0.000000e+00 : f32
    %broadcast_in_dim3A_36 = vector.broadcast %broadcast_in_dim3A_35 : f32 to vector<16xf32>
    %swap3A_37 = arith.constant 144 : index
    %swap3A_38 = tpu.vector_load %arg18[%swap3A_37] {strides = array<i32>} : memref<256xf32, #tpu.memory_space<vmem>>, vector<16xf32>,
    tpu.vector_store %arg18[%swap3A_37], %broadcast_in_dim3A_36 {strides = array<i32>} : memref<256xf32, #tpu.memory_space<vmem>>, vector<16xf32>,
    %broadcast_in_dim3A_39 = arith.constant 0.000000e+00 : f32
    %broadcast_in_dim3A_40 = vector.broadcast %broadcast_in_dim3A_39 : f32 to vector<16xf32>
    %swap3A_41 = arith.constant 160 : index
    %swap3A_42 = tpu.vector_load %arg18[%swap3A_41] {strides = array<i32>} : memref<256xf32, #tpu.memory_space<vmem>>, vector<16xf32>,
    tpu.vector_store %arg18[%swap3A_41], %broadcast_in_dim3A_40 {strides = array<i32>} : memref<256xf32, #tpu.memory_space<vmem>>, vector<16xf32>,
    %broadcast_in_dim3A_43 = arith.constant 0.000000e+00 : f32
    %broadcast_in_dim3A_44 = vector.broadcast %broadcast_in_dim3A_43 : f32 to vector<16xf32>
    %swap3A_45 = arith.constant 176 : index
    %swap3A_46 = tpu.vector_load %arg18[%swap3A_45] {strides = array<i32>} : memref<256xf32, #tpu.memory_space<vmem>>, vector<16xf32>,
    tpu.vector_store %arg18[%swap3A_45], %broadcast_in_dim3A_44 {strides = array<i32>} : memref<256xf32, #tpu.memory_space<vmem>>, vector<16xf32>,
    %broadcast_in_dim3A_47 = arith.constant 0.000000e+00 : f32
    %broadcast_in_dim3A_48 = vector.broadcast %broadcast_in_dim3A_47 : f32 to vector<16xf32>
    %swap3A_49 = arith.constant 192 : index
    %swap3A_50 = tpu.vector_load %arg18[%swap3A_49] {strides = array<i32>} : memref<256xf32, #tpu.memory_space<vmem>>, vector<16xf32>,
    tpu.vector_store %arg18[%swap3A_49], %broadcast_in_dim3A_48 {strides = array<i32>} : memref<256xf32, #tpu.memory_space<vmem>>, vector<16xf32>,
    %broadcast_in_dim3A_51 = arith.constant 0.000000e+00 : f32
    %broadcast_in_dim3A_52 = vector.broadcast %broadcast_in_dim3A_51 : f32 to vector<16xf32>
    %swap3A_53 = arith.constant 208 : index
    %swap3A_54 = tpu.vector_load %arg18[%swap3A_53] {strides = array<i32>} : memref<256xf32, #tpu.memory_space<vmem>>, vector<16xf32>,
    tpu.vector_store %arg18[%swap3A_53], %broadcast_in_dim3A_52 {strides = array<i32>} : memref<256xf32, #tpu.memory_space<vmem>>, vector<16xf32>,
    %broadcast_in_dim3A_55 = arith.constant 0.000000e+00 : f32
    %broadcast_in_dim3A_56 = vector.broadcast %broadcast_in_dim3A_55 : f32 to vector<16xf32>
    %swap3A_57 = arith.constant 224 : index
    %swap3A_58 = tpu.vector_load %arg18[%swap3A_57] {strides = array<i32>} : memref<256xf32, #tpu.memory_space<vmem>>, vector<16xf32>,
    tpu.vector_store %arg18[%swap3A_57], %broadcast_in_dim3A_56 {strides = array<i32>} : memref<256xf32, #tpu.memory_space<vmem>>, vector<16xf32>,
    %broadcast_in_dim3A_59 = arith.constant 0.000000e+00 : f32
    %broadcast_in_dim3A_60 = vector.broadcast %broadcast_in_dim3A_59 : f32 to vector<16xf32>
    %swap3A_61 = arith.constant 240 : index
    %swap3A_62 = tpu.vector_load %arg18[%swap3A_61] {strides = array<i32>} : memref<256xf32, #tpu.memory_space<vmem>>, vector<16xf32>,
    tpu.vector_store %arg18[%swap3A_61], %broadcast_in_dim3A_60 {strides = array<i32>} : memref<256xf32, #tpu.memory_space<vmem>>, vector<16xf32>,
    %mul3A_63 = arith.constant 256 : i32
    %mul3A_64 = arith.muli %arg1, %mul3A_63 : i32
    "tpu.region"() ({
      %run_scoped3A = tpu.sem_alloc : memref<!tpu.dma_semaphore, #tpu.memory_space<semaphore_mem>>
      %dma_start3A = tpu.memref_slice %arg19[%mul3A_64] : memref<4096xf32, #tpu.memory_space<vmem_shared>> -> memref<256xf32, #tpu.memory_space<vmem_shared>>
      %dma_start3A_83 = tpu.memref_slice %arg19[%mul3A_64] : memref<4096xf32, #tpu.memory_space<vmem_shared>> -> memref<256xf32, #tpu.memory_space<vmem_shared>>
      tpu.enqueue_dma source(%arg18 : memref<256xf32, #tpu.memory_space<vmem>>) target(%dma_start3A_83 : memref<256xf32, #tpu.memory_space<vmem_shared>>) target_semaphore(%run_scoped3A : memref<!tpu.dma_semaphore, #tpu.memory_space<semaphore_mem>>)
      %dma_wait3A = tpu.memref_slice %arg19[%mul3A_64] : memref<4096xf32, #tpu.memory_space<vmem_shared>> -> memref<256xf32, #tpu.memory_space<vmem_shared>>
      %dma_wait3A_84 = tpu.memref_slice %arg19[%mul3A_64] : memref<4096xf32, #tpu.memory_space<vmem_shared>> -> memref<256xf32, #tpu.memory_space<vmem_shared>>
      tpu.wait_dma2 semaphore(%run_scoped3A : memref<!tpu.dma_semaphore, #tpu.memory_space<semaphore_mem>>) src(%arg18 : memref<256xf32, #tpu.memory_space<vmem>>) dst(%dma_wait3A_84 : memref<256xf32, #tpu.memory_space<vmem_shared>>)
      tpu.yield
    }) : () -> ()
    "tpu.region"() ({
      %run_scoped3A = tpu.sem_alloc : memref<!tpu.dma_semaphore, #tpu.memory_space<semaphore_mem>>
      %dma_start3A = tpu.memref_slice %arg20[%mul3A_64] : memref<4096xf32, #tpu.memory_space<vmem_shared>> -> memref<256xf32, #tpu.memory_space<vmem_shared>>
      %dma_start3A_83 = tpu.memref_slice %arg20[%mul3A_64] : memref<4096xf32, #tpu.memory_space<vmem_shared>> -> memref<256xf32, #tpu.memory_space<vmem_shared>>
      tpu.enqueue_dma source(%arg18 : memref<256xf32, #tpu.memory_space<vmem>>) target(%dma_start3A_83 : memref<256xf32, #tpu.memory_space<vmem_shared>>) target_semaphore(%run_scoped3A : memref<!tpu.dma_semaphore, #tpu.memory_space<semaphore_mem>>)
      %dma_wait3A = tpu.memref_slice %arg20[%mul3A_64] : memref<4096xf32, #tpu.memory_space<vmem_shared>> -> memref<256xf32, #tpu.memory_space<vmem_shared>>
      %dma_wait3A_84 = tpu.memref_slice %arg20[%mul3A_64] : memref<4096xf32, #tpu.memory_space<vmem_shared>> -> memref<256xf32, #tpu.memory_space<vmem_shared>>
      tpu.wait_dma2 semaphore(%run_scoped3A : memref<!tpu.dma_semaphore, #tpu.memory_space<semaphore_mem>>) src(%arg18 : memref<256xf32, #tpu.memory_space<vmem>>) dst(%dma_wait3A_84 : memref<256xf32, #tpu.memory_space<vmem_shared>>)
      tpu.yield
    }) : () -> ()
    "tpu.region"() ({
      %run_scoped3A = tpu.sem_alloc : memref<!tpu.dma_semaphore, #tpu.memory_space<semaphore_mem>>
      %dma_start3A = tpu.memref_slice %arg21[%mul3A_64] : memref<4096xf32, #tpu.memory_space<vmem_shared>> -> memref<256xf32, #tpu.memory_space<vmem_shared>>
      %dma_start3A_83 = tpu.memref_slice %arg21[%mul3A_64] : memref<4096xf32, #tpu.memory_space<vmem_shared>> -> memref<256xf32, #tpu.memory_space<vmem_shared>>
      tpu.enqueue_dma source(%arg18 : memref<256xf32, #tpu.memory_space<vmem>>) target(%dma_start3A_83 : memref<256xf32, #tpu.memory_space<vmem_shared>>) target_semaphore(%run_scoped3A : memref<!tpu.dma_semaphore, #tpu.memory_space<semaphore_mem>>)
      %dma_wait3A = tpu.memref_slice %arg21[%mul3A_64] : memref<4096xf32, #tpu.memory_space<vmem_shared>> -> memref<256xf32, #tpu.memory_space<vmem_shared>>
      %dma_wait3A_84 = tpu.memref_slice %arg21[%mul3A_64] : memref<4096xf32, #tpu.memory_space<vmem_shared>> -> memref<256xf32, #tpu.memory_space<vmem_shared>>
      tpu.wait_dma2 semaphore(%run_scoped3A : memref<!tpu.dma_semaphore, #tpu.memory_space<semaphore_mem>>) src(%arg18 : memref<256xf32, #tpu.memory_space<vmem>>) dst(%dma_wait3A_84 : memref<256xf32, #tpu.memory_space<vmem_shared>>)
      tpu.yield
    }) : () -> ()
    "tpu.region"() ({
      %run_scoped3A = tpu.sem_alloc : memref<!tpu.dma_semaphore, #tpu.memory_space<semaphore_mem>>
      %dma_start3A = tpu.memref_slice %arg22[%mul3A_64] : memref<4096xf32, #tpu.memory_space<vmem_shared>> -> memref<256xf32, #tpu.memory_space<vmem_shared>>
      %dma_start3A_83 = tpu.memref_slice %arg22[%mul3A_64] : memref<4096xf32, #tpu.memory_space<vmem_shared>> -> memref<256xf32, #tpu.memory_space<vmem_shared>>
      tpu.enqueue_dma source(%arg18 : memref<256xf32, #tpu.memory_space<vmem>>) target(%dma_start3A_83 : memref<256xf32, #tpu.memory_space<vmem_shared>>) target_semaphore(%run_scoped3A : memref<!tpu.dma_semaphore, #tpu.memory_space<semaphore_mem>>)
      %dma_wait3A = tpu.memref_slice %arg22[%mul3A_64] : memref<4096xf32, #tpu.memory_space<vmem_shared>> -> memref<256xf32, #tpu.memory_space<vmem_shared>>
      %dma_wait3A_84 = tpu.memref_slice %arg22[%mul3A_64] : memref<4096xf32, #tpu.memory_space<vmem_shared>> -> memref<256xf32, #tpu.memory_space<vmem_shared>>
      tpu.wait_dma2 semaphore(%run_scoped3A : memref<!tpu.dma_semaphore, #tpu.memory_space<semaphore_mem>>) src(%arg18 : memref<256xf32, #tpu.memory_space<vmem>>) dst(%dma_wait3A_84 : memref<256xf32, #tpu.memory_space<vmem_shared>>)
      tpu.yield
    }) : () -> ()
    %barrier3A = arith.constant 0 : index
    tpu.barrier barrier_id(%barrier3A)
    %scan3A = arith.constant 0 : i32
    %scan3A_65 = arith.constant 0 : i32
    %scan3A_66 = arith.constant 50 : i32
    %scan3A_67 = arith.addi %scan3A_65, %scan3A_66 : i32
    %scan3A_68 = arith.constant 1 : i32
    scf.for %scan3A_83 = %scan3A_65 to %scan3A_67 step %scan3A_68  : i32 {
      %mul3A_84 = arith.constant 8 : i32
      %mul3A_85 = arith.muli %scan3A_83, %mul3A_84 : i32
      %add3A = arith.constant 0 : i32
      %add3A_86 = arith.addi %mul3A_85, %add3A : i32
      %mul3A_87 = arith.constant 16 : i32
      %mul3A_88 = arith.muli %add3A_86, %mul3A_87 : i32
      %get3A = arith.index_cast %mul3A_88 : i32 to index
      %get3A_89 = tpu.vector_load %arg15[%get3A] {strides = array<i32>} : memref<6400xi32, #tpu.memory_space<vmem>>, vector<16xi32>,
      %gather3A = tpu.vector_load_idx %arg17[%get3A_89] : memref<128xf32, #tpu.memory_space<vmem>>[vector<16xi32>], vector<16xf32>,
      %swap3A_90 = arith.index_cast %mul3A_88 : i32 to index
      %swap3A_91 = tpu.vector_load %arg14[%swap3A_90] {strides = array<i32>} : memref<6400xf32, #tpu.memory_space<vmem>>, vector<16xf32>,
      tpu.vector_store %arg14[%swap3A_90], %gather3A {strides = array<i32>} : memref<6400xf32, #tpu.memory_space<vmem>>, vector<16xf32>,
      %get3A_92 = arith.index_cast %mul3A_88 : i32 to index
      %get3A_93 = tpu.vector_load %arg11[%get3A_92] {strides = array<i32>} : memref<6400xf32, #tpu.memory_space<vmem>>, vector<16xf32>,
      %mul3A_94 = arith.mulf %get3A_93, %gather3A : vector<16xf32>
      %swap3A_95 = arith.index_cast %mul3A_88 : i32 to index
      %swap3A_96 = tpu.vector_load %arg11[%swap3A_95] {strides = array<i32>} : memref<6400xf32, #tpu.memory_space<vmem>>, vector<16xf32>,
      tpu.vector_store %arg11[%swap3A_95], %mul3A_94 {strides = array<i32>} : memref<6400xf32, #tpu.memory_space<vmem>>, vector<16xf32>,
      %get3A_97 = arith.index_cast %mul3A_88 : i32 to index
      %get3A_98 = tpu.vector_load %arg12[%get3A_97] {strides = array<i32>} : memref<6400xf32, #tpu.memory_space<vmem>>, vector<16xf32>,
      %mul3A_99 = arith.mulf %get3A_98, %gather3A : vector<16xf32>
      %swap3A_100 = arith.index_cast %mul3A_88 : i32 to index
      %swap3A_101 = tpu.vector_load %arg12[%swap3A_100] {strides = array<i32>} : memref<6400xf32, #tpu.memory_space<vmem>>, vector<16xf32>,
      tpu.vector_store %arg12[%swap3A_100], %mul3A_99 {strides = array<i32>} : memref<6400xf32, #tpu.memory_space<vmem>>, vector<16xf32>,
      %get3A_102 = arith.index_cast %mul3A_88 : i32 to index
      %get3A_103 = tpu.vector_load %arg13[%get3A_102] {strides = array<i32>} : memref<6400xf32, #tpu.memory_space<vmem>>, vector<16xf32>,
      %mul3A_104 = arith.mulf %get3A_103, %gather3A : vector<16xf32>
      %swap3A_105 = arith.index_cast %mul3A_88 : i32 to index
      %swap3A_106 = tpu.vector_load %arg13[%swap3A_105] {strides = array<i32>} : memref<6400xf32, #tpu.memory_space<vmem>>, vector<16xf32>,
      tpu.vector_store %arg13[%swap3A_105], %mul3A_104 {strides = array<i32>} : memref<6400xf32, #tpu.memory_space<vmem>>, vector<16xf32>,
      %mul3A_107 = arith.constant 8 : i32
      %mul3A_108 = arith.muli %scan3A_83, %mul3A_107 : i32
      %add3A_109 = arith.constant 1 : i32
      %add3A_110 = arith.addi %mul3A_108, %add3A_109 : i32
      %mul3A_111 = arith.constant 16 : i32
      %mul3A_112 = arith.muli %add3A_110, %mul3A_111 : i32
      %get3A_113 = arith.index_cast %mul3A_112 : i32 to index
      %get3A_114 = tpu.vector_load %arg15[%get3A_113] {strides = array<i32>} : memref<6400xi32, #tpu.memory_space<vmem>>, vector<16xi32>,
      %gather3A_115 = tpu.vector_load_idx %arg17[%get3A_114] : memref<128xf32, #tpu.memory_space<vmem>>[vector<16xi32>], vector<16xf32>,
      %swap3A_116 = arith.index_cast %mul3A_112 : i32 to index
      %swap3A_117 = tpu.vector_load %arg14[%swap3A_116] {strides = array<i32>} : memref<6400xf32, #tpu.memory_space<vmem>>, vector<16xf32>,
      tpu.vector_store %arg14[%swap3A_116], %gather3A_115 {strides = array<i32>} : memref<6400xf32, #tpu.memory_space<vmem>>, vector<16xf32>,
      %get3A_118 = arith.index_cast %mul3A_112 : i32 to index
      %get3A_119 = tpu.vector_load %arg11[%get3A_118] {strides = array<i32>} : memref<6400xf32, #tpu.memory_space<vmem>>, vector<16xf32>,
      %mul3A_120 = arith.mulf %get3A_119, %gather3A_115 : vector<16xf32>
      %swap3A_121 = arith.index_cast %mul3A_112 : i32 to index
      %swap3A_122 = tpu.vector_load %arg11[%swap3A_121] {strides = array<i32>} : memref<6400xf32, #tpu.memory_space<vmem>>, vector<16xf32>,
      tpu.vector_store %arg11[%swap3A_121], %mul3A_120 {strides = array<i32>} : memref<6400xf32, #tpu.memory_space<vmem>>, vector<16xf32>,
      %get3A_123 = arith.index_cast %mul3A_112 : i32 to index
      %get3A_124 = tpu.vector_load %arg12[%get3A_123] {strides = array<i32>} : memref<6400xf32, #tpu.memory_space<vmem>>, vector<16xf32>,
      %mul3A_125 = arith.mulf %get3A_124, %gather3A_115 : vector<16xf32>
      %swap3A_126 = arith.index_cast %mul3A_112 : i32 to index
      %swap3A_127 = tpu.vector_load %arg12[%swap3A_126] {strides = array<i32>} : memref<6400xf32, #tpu.memory_space<vmem>>, vector<16xf32>,
      tpu.vector_store %arg12[%swap3A_126], %mul3A_125 {strides = array<i32>} : memref<6400xf32, #tpu.memory_space<vmem>>, vector<16xf32>,
      %get3A_128 = arith.index_cast %mul3A_112 : i32 to index
      %get3A_129 = tpu.vector_load %arg13[%get3A_128] {strides = array<i32>} : memref<6400xf32, #tpu.memory_space<vmem>>, vector<16xf32>,
      %mul3A_130 = arith.mulf %get3A_129, %gather3A_115 : vector<16xf32>
      %swap3A_131 = arith.index_cast %mul3A_112 : i32 to index
      %swap3A_132 = tpu.vector_load %arg13[%swap3A_131] {strides = array<i32>} : memref<6400xf32, #tpu.memory_space<vmem>>, vector<16xf32>,
      tpu.vector_store %arg13[%swap3A_131], %mul3A_130 {strides = array<i32>} : memref<6400xf32, #tpu.memory_space<vmem>>, vector<16xf32>,
      %mul3A_133 = arith.constant 8 : i32
      %mul3A_134 = arith.muli %scan3A_83, %mul3A_133 : i32
      %add3A_135 = arith.constant 2 : i32
      %add3A_136 = arith.addi %mul3A_134, %add3A_135 : i32
      %mul3A_137 = arith.constant 16 : i32
      %mul3A_138 = arith.muli %add3A_136, %mul3A_137 : i32
      %get3A_139 = arith.index_cast %mul3A_138 : i32 to index
      %get3A_140 = tpu.vector_load %arg15[%get3A_139] {strides = array<i32>} : memref<6400xi32, #tpu.memory_space<vmem>>, vector<16xi32>,
      %gather3A_141 = tpu.vector_load_idx %arg17[%get3A_140] : memref<128xf32, #tpu.memory_space<vmem>>[vector<16xi32>], vector<16xf32>,
      %swap3A_142 = arith.index_cast %mul3A_138 : i32 to index
      %swap3A_143 = tpu.vector_load %arg14[%swap3A_142] {strides = array<i32>} : memref<6400xf32, #tpu.memory_space<vmem>>, vector<16xf32>,
      tpu.vector_store %arg14[%swap3A_142], %gather3A_141 {strides = array<i32>} : memref<6400xf32, #tpu.memory_space<vmem>>, vector<16xf32>,
      %get3A_144 = arith.index_cast %mul3A_138 : i32 to index
      %get3A_145 = tpu.vector_load %arg11[%get3A_144] {strides = array<i32>} : memref<6400xf32, #tpu.memory_space<vmem>>, vector<16xf32>,
      %mul3A_146 = arith.mulf %get3A_145, %gather3A_141 : vector<16xf32>
      %swap3A_147 = arith.index_cast %mul3A_138 : i32 to index
      %swap3A_148 = tpu.vector_load %arg11[%swap3A_147] {strides = array<i32>} : memref<6400xf32, #tpu.memory_space<vmem>>, vector<16xf32>,
      tpu.vector_store %arg11[%swap3A_147], %mul3A_146 {strides = array<i32>} : memref<6400xf32, #tpu.memory_space<vmem>>, vector<16xf32>,
      %get3A_149 = arith.index_cast %mul3A_138 : i32 to index
      %get3A_150 = tpu.vector_load %arg12[%get3A_149] {strides = array<i32>} : memref<6400xf32, #tpu.memory_space<vmem>>, vector<16xf32>,
      %mul3A_151 = arith.mulf %get3A_150, %gather3A_141 : vector<16xf32>
      %swap3A_152 = arith.index_cast %mul3A_138 : i32 to index
      %swap3A_153 = tpu.vector_load %arg12[%swap3A_152] {strides = array<i32>} : memref<6400xf32, #tpu.memory_space<vmem>>, vector<16xf32>,
      tpu.vector_store %arg12[%swap3A_152], %mul3A_151 {strides = array<i32>} : memref<6400xf32, #tpu.memory_space<vmem>>, vector<16xf32>,
      %get3A_154 = arith.index_cast %mul3A_138 : i32 to index
      %get3A_155 = tpu.vector_load %arg13[%get3A_154] {strides = array<i32>} : memref<6400xf32, #tpu.memory_space<vmem>>, vector<16xf32>,
      %mul3A_156 = arith.mulf %get3A_155, %gather3A_141 : vector<16xf32>
      %swap3A_157 = arith.index_cast %mul3A_138 : i32 to index
      %swap3A_158 = tpu.vector_load %arg13[%swap3A_157] {strides = array<i32>} : memref<6400xf32, #tpu.memory_space<vmem>>, vector<16xf32>,
      tpu.vector_store %arg13[%swap3A_157], %mul3A_156 {strides = array<i32>} : memref<6400xf32, #tpu.memory_space<vmem>>, vector<16xf32>,
      %mul3A_159 = arith.constant 8 : i32
      %mul3A_160 = arith.muli %scan3A_83, %mul3A_159 : i32
      %add3A_161 = arith.constant 3 : i32
      %add3A_162 = arith.addi %mul3A_160, %add3A_161 : i32
      %mul3A_163 = arith.constant 16 : i32
      %mul3A_164 = arith.muli %add3A_162, %mul3A_163 : i32
      %get3A_165 = arith.index_cast %mul3A_164 : i32 to index
      %get3A_166 = tpu.vector_load %arg15[%get3A_165] {strides = array<i32>} : memref<6400xi32, #tpu.memory_space<vmem>>, vector<16xi32>,
      %gather3A_167 = tpu.vector_load_idx %arg17[%get3A_166] : memref<128xf32, #tpu.memory_space<vmem>>[vector<16xi32>], vector<16xf32>,
      %swap3A_168 = arith.index_cast %mul3A_164 : i32 to index
      %swap3A_169 = tpu.vector_load %arg14[%swap3A_168] {strides = array<i32>} : memref<6400xf32, #tpu.memory_space<vmem>>, vector<16xf32>,
      tpu.vector_store %arg14[%swap3A_168], %gather3A_167 {strides = array<i32>} : memref<6400xf32, #tpu.memory_space<vmem>>, vector<16xf32>,
      %get3A_170 = arith.index_cast %mul3A_164 : i32 to index
      %get3A_171 = tpu.vector_load %arg11[%get3A_170] {strides = array<i32>} : memref<6400xf32, #tpu.memory_space<vmem>>, vector<16xf32>,
      %mul3A_172 = arith.mulf %get3A_171, %gather3A_167 : vector<16xf32>
      %swap3A_173 = arith.index_cast %mul3A_164 : i32 to index
      %swap3A_174 = tpu.vector_load %arg11[%swap3A_173] {strides = array<i32>} : memref<6400xf32, #tpu.memory_space<vmem>>, vector<16xf32>,
      tpu.vector_store %arg11[%swap3A_173], %mul3A_172 {strides = array<i32>} : memref<6400xf32, #tpu.memory_space<vmem>>, vector<16xf32>,
      %get3A_175 = arith.index_cast %mul3A_164 : i32 to index
      %get3A_176 = tpu.vector_load %arg12[%get3A_175] {strides = array<i32>} : memref<6400xf32, #tpu.memory_space<vmem>>, vector<16xf32>,
      %mul3A_177 = arith.mulf %get3A_176, %gather3A_167 : vector<16xf32>
      %swap3A_178 = arith.index_cast %mul3A_164 : i32 to index
      %swap3A_179 = tpu.vector_load %arg12[%swap3A_178] {strides = array<i32>} : memref<6400xf32, #tpu.memory_space<vmem>>, vector<16xf32>,
      tpu.vector_store %arg12[%swap3A_178], %mul3A_177 {strides = array<i32>} : memref<6400xf32, #tpu.memory_space<vmem>>, vector<16xf32>,
      %get3A_180 = arith.index_cast %mul3A_164 : i32 to index
      %get3A_181 = tpu.vector_load %arg13[%get3A_180] {strides = array<i32>} : memref<6400xf32, #tpu.memory_space<vmem>>, vector<16xf32>,
      %mul3A_182 = arith.mulf %get3A_181, %gather3A_167 : vector<16xf32>
      %swap3A_183 = arith.index_cast %mul3A_164 : i32 to index
      %swap3A_184 = tpu.vector_load %arg13[%swap3A_183] {strides = array<i32>} : memref<6400xf32, #tpu.memory_space<vmem>>, vector<16xf32>,
      tpu.vector_store %arg13[%swap3A_183], %mul3A_182 {strides = array<i32>} : memref<6400xf32, #tpu.memory_space<vmem>>, vector<16xf32>,
      %mul3A_185 = arith.constant 8 : i32
      %mul3A_186 = arith.muli %scan3A_83, %mul3A_185 : i32
      %add3A_187 = arith.constant 4 : i32
      %add3A_188 = arith.addi %mul3A_186, %add3A_187 : i32
      %mul3A_189 = arith.constant 16 : i32
      %mul3A_190 = arith.muli %add3A_188, %mul3A_189 : i32
      %get3A_191 = arith.index_cast %mul3A_190 : i32 to index
      %get3A_192 = tpu.vector_load %arg15[%get3A_191] {strides = array<i32>} : memref<6400xi32, #tpu.memory_space<vmem>>, vector<16xi32>,
      %gather3A_193 = tpu.vector_load_idx %arg17[%get3A_192] : memref<128xf32, #tpu.memory_space<vmem>>[vector<16xi32>], vector<16xf32>,
      %swap3A_194 = arith.index_cast %mul3A_190 : i32 to index
      %swap3A_195 = tpu.vector_load %arg14[%swap3A_194] {strides = array<i32>} : memref<6400xf32, #tpu.memory_space<vmem>>, vector<16xf32>,
      tpu.vector_store %arg14[%swap3A_194], %gather3A_193 {strides = array<i32>} : memref<6400xf32, #tpu.memory_space<vmem>>, vector<16xf32>,
      %get3A_196 = arith.index_cast %mul3A_190 : i32 to index
      %get3A_197 = tpu.vector_load %arg11[%get3A_196] {strides = array<i32>} : memref<6400xf32, #tpu.memory_space<vmem>>, vector<16xf32>,
      %mul3A_198 = arith.mulf %get3A_197, %gather3A_193 : vector<16xf32>
      %swap3A_199 = arith.index_cast %mul3A_190 : i32 to index
      %swap3A_200 = tpu.vector_load %arg11[%swap3A_199] {strides = array<i32>} : memref<6400xf32, #tpu.memory_space<vmem>>, vector<16xf32>,
      tpu.vector_store %arg11[%swap3A_199], %mul3A_198 {strides = array<i32>} : memref<6400xf32, #tpu.memory_space<vmem>>, vector<16xf32>,
      %get3A_201 = arith.index_cast %mul3A_190 : i32 to index
      %get3A_202 = tpu.vector_load %arg12[%get3A_201] {strides = array<i32>} : memref<6400xf32, #tpu.memory_space<vmem>>, vector<16xf32>,
      %mul3A_203 = arith.mulf %get3A_202, %gather3A_193 : vector<16xf32>
      %swap3A_204 = arith.index_cast %mul3A_190 : i32 to index
      %swap3A_205 = tpu.vector_load %arg12[%swap3A_204] {strides = array<i32>} : memref<6400xf32, #tpu.memory_space<vmem>>, vector<16xf32>,
      tpu.vector_store %arg12[%swap3A_204], %mul3A_203 {strides = array<i32>} : memref<6400xf32, #tpu.memory_space<vmem>>, vector<16xf32>,
      %get3A_206 = arith.index_cast %mul3A_190 : i32 to index
      %get3A_207 = tpu.vector_load %arg13[%get3A_206] {strides = array<i32>} : memref<6400xf32, #tpu.memory_space<vmem>>, vector<16xf32>,
      %mul3A_208 = arith.mulf %get3A_207, %gather3A_193 : vector<16xf32>
      %swap3A_209 = arith.index_cast %mul3A_190 : i32 to index
      %swap3A_210 = tpu.vector_load %arg13[%swap3A_209] {strides = array<i32>} : memref<6400xf32, #tpu.memory_space<vmem>>, vector<16xf32>,
      tpu.vector_store %arg13[%swap3A_209], %mul3A_208 {strides = array<i32>} : memref<6400xf32, #tpu.memory_space<vmem>>, vector<16xf32>,
      %mul3A_211 = arith.constant 8 : i32
      %mul3A_212 = arith.muli %scan3A_83, %mul3A_211 : i32
      %add3A_213 = arith.constant 5 : i32
      %add3A_214 = arith.addi %mul3A_212, %add3A_213 : i32
      %mul3A_215 = arith.constant 16 : i32
      %mul3A_216 = arith.muli %add3A_214, %mul3A_215 : i32
      %get3A_217 = arith.index_cast %mul3A_216 : i32 to index
      %get3A_218 = tpu.vector_load %arg15[%get3A_217] {strides = array<i32>} : memref<6400xi32, #tpu.memory_space<vmem>>, vector<16xi32>,
      %gather3A_219 = tpu.vector_load_idx %arg17[%get3A_218] : memref<128xf32, #tpu.memory_space<vmem>>[vector<16xi32>], vector<16xf32>,
      %swap3A_220 = arith.index_cast %mul3A_216 : i32 to index
      %swap3A_221 = tpu.vector_load %arg14[%swap3A_220] {strides = array<i32>} : memref<6400xf32, #tpu.memory_space<vmem>>, vector<16xf32>,
      tpu.vector_store %arg14[%swap3A_220], %gather3A_219 {strides = array<i32>} : memref<6400xf32, #tpu.memory_space<vmem>>, vector<16xf32>,
      %get3A_222 = arith.index_cast %mul3A_216 : i32 to index
      %get3A_223 = tpu.vector_load %arg11[%get3A_222] {strides = array<i32>} : memref<6400xf32, #tpu.memory_space<vmem>>, vector<16xf32>,
      %mul3A_224 = arith.mulf %get3A_223, %gather3A_219 : vector<16xf32>
      %swap3A_225 = arith.index_cast %mul3A_216 : i32 to index
      %swap3A_226 = tpu.vector_load %arg11[%swap3A_225] {strides = array<i32>} : memref<6400xf32, #tpu.memory_space<vmem>>, vector<16xf32>,
      tpu.vector_store %arg11[%swap3A_225], %mul3A_224 {strides = array<i32>} : memref<6400xf32, #tpu.memory_space<vmem>>, vector<16xf32>,
      %get3A_227 = arith.index_cast %mul3A_216 : i32 to index
      %get3A_228 = tpu.vector_load %arg12[%get3A_227] {strides = array<i32>} : memref<6400xf32, #tpu.memory_space<vmem>>, vector<16xf32>,
      %mul3A_229 = arith.mulf %get3A_228, %gather3A_219 : vector<16xf32>
      %swap3A_230 = arith.index_cast %mul3A_216 : i32 to index
      %swap3A_231 = tpu.vector_load %arg12[%swap3A_230] {strides = array<i32>} : memref<6400xf32, #tpu.memory_space<vmem>>, vector<16xf32>,
      tpu.vector_store %arg12[%swap3A_230], %mul3A_229 {strides = array<i32>} : memref<6400xf32, #tpu.memory_space<vmem>>, vector<16xf32>,
      %get3A_232 = arith.index_cast %mul3A_216 : i32 to index
      %get3A_233 = tpu.vector_load %arg13[%get3A_232] {strides = array<i32>} : memref<6400xf32, #tpu.memory_space<vmem>>, vector<16xf32>,
      %mul3A_234 = arith.mulf %get3A_233, %gather3A_219 : vector<16xf32>
      %swap3A_235 = arith.index_cast %mul3A_216 : i32 to index
      %swap3A_236 = tpu.vector_load %arg13[%swap3A_235] {strides = array<i32>} : memref<6400xf32, #tpu.memory_space<vmem>>, vector<16xf32>,
      tpu.vector_store %arg13[%swap3A_235], %mul3A_234 {strides = array<i32>} : memref<6400xf32, #tpu.memory_space<vmem>>, vector<16xf32>,
      %mul3A_237 = arith.constant 8 : i32
      %mul3A_238 = arith.muli %scan3A_83, %mul3A_237 : i32
      %add3A_239 = arith.constant 6 : i32
      %add3A_240 = arith.addi %mul3A_238, %add3A_239 : i32
      %mul3A_241 = arith.constant 16 : i32
      %mul3A_242 = arith.muli %add3A_240, %mul3A_241 : i32
      %get3A_243 = arith.index_cast %mul3A_242 : i32 to index
      %get3A_244 = tpu.vector_load %arg15[%get3A_243] {strides = array<i32>} : memref<6400xi32, #tpu.memory_space<vmem>>, vector<16xi32>,
      %gather3A_245 = tpu.vector_load_idx %arg17[%get3A_244] : memref<128xf32, #tpu.memory_space<vmem>>[vector<16xi32>], vector<16xf32>,
      %swap3A_246 = arith.index_cast %mul3A_242 : i32 to index
      %swap3A_247 = tpu.vector_load %arg14[%swap3A_246] {strides = array<i32>} : memref<6400xf32, #tpu.memory_space<vmem>>, vector<16xf32>,
      tpu.vector_store %arg14[%swap3A_246], %gather3A_245 {strides = array<i32>} : memref<6400xf32, #tpu.memory_space<vmem>>, vector<16xf32>,
      %get3A_248 = arith.index_cast %mul3A_242 : i32 to index
      %get3A_249 = tpu.vector_load %arg11[%get3A_248] {strides = array<i32>} : memref<6400xf32, #tpu.memory_space<vmem>>, vector<16xf32>,
      %mul3A_250 = arith.mulf %get3A_249, %gather3A_245 : vector<16xf32>
      %swap3A_251 = arith.index_cast %mul3A_242 : i32 to index
      %swap3A_252 = tpu.vector_load %arg11[%swap3A_251] {strides = array<i32>} : memref<6400xf32, #tpu.memory_space<vmem>>, vector<16xf32>,
      tpu.vector_store %arg11[%swap3A_251], %mul3A_250 {strides = array<i32>} : memref<6400xf32, #tpu.memory_space<vmem>>, vector<16xf32>,
      %get3A_253 = arith.index_cast %mul3A_242 : i32 to index
      %get3A_254 = tpu.vector_load %arg12[%get3A_253] {strides = array<i32>} : memref<6400xf32, #tpu.memory_space<vmem>>, vector<16xf32>,
      %mul3A_255 = arith.mulf %get3A_254, %gather3A_245 : vector<16xf32>
      %swap3A_256 = arith.index_cast %mul3A_242 : i32 to index
      %swap3A_257 = tpu.vector_load %arg12[%swap3A_256] {strides = array<i32>} : memref<6400xf32, #tpu.memory_space<vmem>>, vector<16xf32>,
      tpu.vector_store %arg12[%swap3A_256], %mul3A_255 {strides = array<i32>} : memref<6400xf32, #tpu.memory_space<vmem>>, vector<16xf32>,
      %get3A_258 = arith.index_cast %mul3A_242 : i32 to index
      %get3A_259 = tpu.vector_load %arg13[%get3A_258] {strides = array<i32>} : memref<6400xf32, #tpu.memory_space<vmem>>, vector<16xf32>,
      %mul3A_260 = arith.mulf %get3A_259, %gather3A_245 : vector<16xf32>
      %swap3A_261 = arith.index_cast %mul3A_242 : i32 to index
      %swap3A_262 = tpu.vector_load %arg13[%swap3A_261] {strides = array<i32>} : memref<6400xf32, #tpu.memory_space<vmem>>, vector<16xf32>,
      tpu.vector_store %arg13[%swap3A_261], %mul3A_260 {strides = array<i32>} : memref<6400xf32, #tpu.memory_space<vmem>>, vector<16xf32>,
      %mul3A_263 = arith.constant 8 : i32
      %mul3A_264 = arith.muli %scan3A_83, %mul3A_263 : i32
      %add3A_265 = arith.constant 7 : i32
      %add3A_266 = arith.addi %mul3A_264, %add3A_265 : i32
      %mul3A_267 = arith.constant 16 : i32
      %mul3A_268 = arith.muli %add3A_266, %mul3A_267 : i32
      %get3A_269 = arith.index_cast %mul3A_268 : i32 to index
      %get3A_270 = tpu.vector_load %arg15[%get3A_269] {strides = array<i32>} : memref<6400xi32, #tpu.memory_space<vmem>>, vector<16xi32>,
      %gather3A_271 = tpu.vector_load_idx %arg17[%get3A_270] : memref<128xf32, #tpu.memory_space<vmem>>[vector<16xi32>], vector<16xf32>,
      %swap3A_272 = arith.index_cast %mul3A_268 : i32 to index
      %swap3A_273 = tpu.vector_load %arg14[%swap3A_272] {strides = array<i32>} : memref<6400xf32, #tpu.memory_space<vmem>>, vector<16xf32>,
      tpu.vector_store %arg14[%swap3A_272], %gather3A_271 {strides = array<i32>} : memref<6400xf32, #tpu.memory_space<vmem>>, vector<16xf32>,
      %get3A_274 = arith.index_cast %mul3A_268 : i32 to index
      %get3A_275 = tpu.vector_load %arg11[%get3A_274] {strides = array<i32>} : memref<6400xf32, #tpu.memory_space<vmem>>, vector<16xf32>,
      %mul3A_276 = arith.mulf %get3A_275, %gather3A_271 : vector<16xf32>
      %swap3A_277 = arith.index_cast %mul3A_268 : i32 to index
      %swap3A_278 = tpu.vector_load %arg11[%swap3A_277] {strides = array<i32>} : memref<6400xf32, #tpu.memory_space<vmem>>, vector<16xf32>,
      tpu.vector_store %arg11[%swap3A_277], %mul3A_276 {strides = array<i32>} : memref<6400xf32, #tpu.memory_space<vmem>>, vector<16xf32>,
      %get3A_279 = arith.index_cast %mul3A_268 : i32 to index
      %get3A_280 = tpu.vector_load %arg12[%get3A_279] {strides = array<i32>} : memref<6400xf32, #tpu.memory_space<vmem>>, vector<16xf32>,
      %mul3A_281 = arith.mulf %get3A_280, %gather3A_271 : vector<16xf32>
      %swap3A_282 = arith.index_cast %mul3A_268 : i32 to index
      %swap3A_283 = tpu.vector_load %arg12[%swap3A_282] {strides = array<i32>} : memref<6400xf32, #tpu.memory_space<vmem>>, vector<16xf32>,
      tpu.vector_store %arg12[%swap3A_282], %mul3A_281 {strides = array<i32>} : memref<6400xf32, #tpu.memory_space<vmem>>, vector<16xf32>,
      %get3A_284 = arith.index_cast %mul3A_268 : i32 to index
      %get3A_285 = tpu.vector_load %arg13[%get3A_284] {strides = array<i32>} : memref<6400xf32, #tpu.memory_space<vmem>>, vector<16xf32>,
      %mul3A_286 = arith.mulf %get3A_285, %gather3A_271 : vector<16xf32>
      %swap3A_287 = arith.index_cast %mul3A_268 : i32 to index
      %swap3A_288 = tpu.vector_load %arg13[%swap3A_287] {strides = array<i32>} : memref<6400xf32, #tpu.memory_space<vmem>>, vector<16xf32>,
      tpu.vector_store %arg13[%swap3A_287], %mul3A_286 {strides = array<i32>} : memref<6400xf32, #tpu.memory_space<vmem>>, vector<16xf32>,
      %mul3A_289 = arith.constant 128 : i32
      %mul3A_290 = arith.muli %scan3A_83, %mul3A_289 : i32
      %dma_start3A = tpu.memref_slice %arg11[%mul3A_290] : memref<6400xf32, #tpu.memory_space<vmem>> -> memref<128xf32, #tpu.memory_space<vmem>>
      %dma_start3A_291 = arith.constant 0 : i32
      %dma_start3A_292 = tpu.memref_slice %arg16[%scan3A_83, %dma_start3A_291] : memref<50x128xi32, #tpu.memory_space<vmem>> -> memref<1x128xi32, #tpu.memory_space<vmem>>
      %dma_start3A_293 = tpu.memref_squeeze %dma_start3A_292 : memref<1x128xi32, #tpu.memory_space<vmem>> -> memref<128xi32, #tpu.memory_space<vmem>>
      %dma_start3A_294 = arith.constant 0 : i32
      %dma_start3A_295 = tpu.memref_slice %arg19[%dma_start3A_294] : memref<4096xf32, #tpu.memory_space<vmem_shared>> -> memref<4096xf32, #tpu.memory_space<vmem_shared>>
      tpu.enqueue_indirect_dma source(%dma_start3A : memref<128xf32, #tpu.memory_space<vmem>>) target(%dma_start3A_295 : memref<4096xf32, #tpu.memory_space<vmem_shared>>) offsets(%dma_start3A_293 : memref<128xi32, #tpu.memory_space<vmem>>) semaphore(%arg23 : memref<!tpu.dma_semaphore, #tpu.memory_space<semaphore_mem>>) {add = true}
      %dma_start3A_296 = tpu.memref_slice %arg12[%mul3A_290] : memref<6400xf32, #tpu.memory_space<vmem>> -> memref<128xf32, #tpu.memory_space<vmem>>
      %dma_start3A_297 = arith.constant 0 : i32
      %dma_start3A_298 = tpu.memref_slice %arg16[%scan3A_83, %dma_start3A_297] : memref<50x128xi32, #tpu.memory_space<vmem>> -> memref<1x128xi32, #tpu.memory_space<vmem>>
      %dma_start3A_299 = tpu.memref_squeeze %dma_start3A_298 : memref<1x128xi32, #tpu.memory_space<vmem>> -> memref<128xi32, #tpu.memory_space<vmem>>
      %dma_start3A_300 = arith.constant 0 : i32
      %dma_start3A_301 = tpu.memref_slice %arg20[%dma_start3A_300] : memref<4096xf32, #tpu.memory_space<vmem_shared>> -> memref<4096xf32, #tpu.memory_space<vmem_shared>>
      tpu.enqueue_indirect_dma source(%dma_start3A_296 : memref<128xf32, #tpu.memory_space<vmem>>) target(%dma_start3A_301 : memref<4096xf32, #tpu.memory_space<vmem_shared>>) offsets(%dma_start3A_299 : memref<128xi32, #tpu.memory_space<vmem>>) semaphore(%arg23 : memref<!tpu.dma_semaphore, #tpu.memory_space<semaphore_mem>>) {add = true}
      %dma_start3A_302 = tpu.memref_slice %arg13[%mul3A_290] : memref<6400xf32, #tpu.memory_space<vmem>> -> memref<128xf32, #tpu.memory_space<vmem>>
      %dma_start3A_303 = arith.constant 0 : i32
      %dma_start3A_304 = tpu.memref_slice %arg16[%scan3A_83, %dma_start3A_303] : memref<50x128xi32, #tpu.memory_space<vmem>> -> memref<1x128xi32, #tpu.memory_space<vmem>>
      %dma_start3A_305 = tpu.memref_squeeze %dma_start3A_304 : memref<1x128xi32, #tpu.memory_space<vmem>> -> memref<128xi32, #tpu.memory_space<vmem>>
      %dma_start3A_306 = arith.constant 0 : i32
      %dma_start3A_307 = tpu.memref_slice %arg21[%dma_start3A_306] : memref<4096xf32, #tpu.memory_space<vmem_shared>> -> memref<4096xf32, #tpu.memory_space<vmem_shared>>
      tpu.enqueue_indirect_dma source(%dma_start3A_302 : memref<128xf32, #tpu.memory_space<vmem>>) target(%dma_start3A_307 : memref<4096xf32, #tpu.memory_space<vmem_shared>>) offsets(%dma_start3A_305 : memref<128xi32, #tpu.memory_space<vmem>>) semaphore(%arg23 : memref<!tpu.dma_semaphore, #tpu.memory_space<semaphore_mem>>) {add = true}
      %dma_start3A_308 = tpu.memref_slice %arg14[%mul3A_290] : memref<6400xf32, #tpu.memory_space<vmem>> -> memref<128xf32, #tpu.memory_space<vmem>>
      %dma_start3A_309 = arith.constant 0 : i32
      %dma_start3A_310 = tpu.memref_slice %arg16[%scan3A_83, %dma_start3A_309] : memref<50x128xi32, #tpu.memory_space<vmem>> -> memref<1x128xi32, #tpu.memory_space<vmem>>
      %dma_start3A_311 = tpu.memref_squeeze %dma_start3A_310 : memref<1x128xi32, #tpu.memory_space<vmem>> -> memref<128xi32, #tpu.memory_space<vmem>>
      %dma_start3A_312 = arith.constant 0 : i32
      %dma_start3A_313 = tpu.memref_slice %arg22[%dma_start3A_312] : memref<4096xf32, #tpu.memory_space<vmem_shared>> -> memref<4096xf32, #tpu.memory_space<vmem_shared>>
      tpu.enqueue_indirect_dma source(%dma_start3A_308 : memref<128xf32, #tpu.memory_space<vmem>>) target(%dma_start3A_313 : memref<4096xf32, #tpu.memory_space<vmem_shared>>) offsets(%dma_start3A_311 : memref<128xi32, #tpu.memory_space<vmem>>) semaphore(%arg23 : memref<!tpu.dma_semaphore, #tpu.memory_space<semaphore_mem>>) {add = true}
    }
    %scan3A_69 = arith.constant 50 : i32
    %scan3A_70 = arith.constant 0 : i32
    %scan3A_71 = arith.constant 0 : i32
    %scan3A_72 = arith.constant 50 : i32
    %scan3A_73 = arith.addi %scan3A_71, %scan3A_72 : i32
    %scan3A_74 = arith.constant 1 : i32
    scf.for %scan3A_83 = %scan3A_71 to %scan3A_73 step %scan3A_74  : i32 {
      %mul3A_84 = arith.constant 128 : i32
      %mul3A_85 = arith.muli %scan3A_83, %mul3A_84 : i32
      %dma_wait3A = tpu.memref_slice %arg11[%mul3A_85] : memref<6400xf32, #tpu.memory_space<vmem>> -> memref<128xf32, #tpu.memory_space<vmem>>
      %dma_wait3A_86 = arith.constant 0 : i32
      %dma_wait3A_87 = tpu.memref_slice %arg16[%scan3A_83, %dma_wait3A_86] : memref<50x128xi32, #tpu.memory_space<vmem>> -> memref<1x128xi32, #tpu.memory_space<vmem>>
      %dma_wait3A_88 = tpu.memref_squeeze %dma_wait3A_87 : memref<1x128xi32, #tpu.memory_space<vmem>> -> memref<128xi32, #tpu.memory_space<vmem>>
      %dma_wait3A_89 = arith.constant 0 : i32
      %dma_wait3A_90 = tpu.memref_slice %arg19[%dma_wait3A_89] : memref<4096xf32, #tpu.memory_space<vmem_shared>> -> memref<4096xf32, #tpu.memory_space<vmem_shared>>
      tpu.wait_indirect_dma semaphore(%arg23 : memref<!tpu.dma_semaphore, #tpu.memory_space<semaphore_mem>>) src(%dma_wait3A : memref<128xf32, #tpu.memory_space<vmem>>) dst(%dma_wait3A_90 : memref<4096xf32, #tpu.memory_space<vmem_shared>>)
      %dma_wait3A_91 = tpu.memref_slice %arg12[%mul3A_85] : memref<6400xf32, #tpu.memory_space<vmem>> -> memref<128xf32, #tpu.memory_space<vmem>>
      %dma_wait3A_92 = arith.constant 0 : i32
      %dma_wait3A_93 = tpu.memref_slice %arg16[%scan3A_83, %dma_wait3A_92] : memref<50x128xi32, #tpu.memory_space<vmem>> -> memref<1x128xi32, #tpu.memory_space<vmem>>
      %dma_wait3A_94 = tpu.memref_squeeze %dma_wait3A_93 : memref<1x128xi32, #tpu.memory_space<vmem>> -> memref<128xi32, #tpu.memory_space<vmem>>
      %dma_wait3A_95 = arith.constant 0 : i32
      %dma_wait3A_96 = tpu.memref_slice %arg20[%dma_wait3A_95] : memref<4096xf32, #tpu.memory_space<vmem_shared>> -> memref<4096xf32, #tpu.memory_space<vmem_shared>>
      tpu.wait_indirect_dma semaphore(%arg23 : memref<!tpu.dma_semaphore, #tpu.memory_space<semaphore_mem>>) src(%dma_wait3A_91 : memref<128xf32, #tpu.memory_space<vmem>>) dst(%dma_wait3A_96 : memref<4096xf32, #tpu.memory_space<vmem_shared>>)
      %dma_wait3A_97 = tpu.memref_slice %arg13[%mul3A_85] : memref<6400xf32, #tpu.memory_space<vmem>> -> memref<128xf32, #tpu.memory_space<vmem>>
      %dma_wait3A_98 = arith.constant 0 : i32
      %dma_wait3A_99 = tpu.memref_slice %arg16[%scan3A_83, %dma_wait3A_98] : memref<50x128xi32, #tpu.memory_space<vmem>> -> memref<1x128xi32, #tpu.memory_space<vmem>>
      %dma_wait3A_100 = tpu.memref_squeeze %dma_wait3A_99 : memref<1x128xi32, #tpu.memory_space<vmem>> -> memref<128xi32, #tpu.memory_space<vmem>>
      %dma_wait3A_101 = arith.constant 0 : i32
      %dma_wait3A_102 = tpu.memref_slice %arg21[%dma_wait3A_101] : memref<4096xf32, #tpu.memory_space<vmem_shared>> -> memref<4096xf32, #tpu.memory_space<vmem_shared>>
      tpu.wait_indirect_dma semaphore(%arg23 : memref<!tpu.dma_semaphore, #tpu.memory_space<semaphore_mem>>) src(%dma_wait3A_97 : memref<128xf32, #tpu.memory_space<vmem>>) dst(%dma_wait3A_102 : memref<4096xf32, #tpu.memory_space<vmem_shared>>)
      %dma_wait3A_103 = tpu.memref_slice %arg14[%mul3A_85] : memref<6400xf32, #tpu.memory_space<vmem>> -> memref<128xf32, #tpu.memory_space<vmem>>
      %dma_wait3A_104 = arith.constant 0 : i32
      %dma_wait3A_105 = tpu.memref_slice %arg16[%scan3A_83, %dma_wait3A_104] : memref<50x128xi32, #tpu.memory_space<vmem>> -> memref<1x128xi32, #tpu.memory_space<vmem>>
      %dma_wait3A_106 = tpu.memref_squeeze %dma_wait3A_105 : memref<1x128xi32, #tpu.memory_space<vmem>> -> memref<128xi32, #tpu.memory_space<vmem>>
      %dma_wait3A_107 = arith.constant 0 : i32
      %dma_wait3A_108 = tpu.memref_slice %arg22[%dma_wait3A_107] : memref<4096xf32, #tpu.memory_space<vmem_shared>> -> memref<4096xf32, #tpu.memory_space<vmem_shared>>
      tpu.wait_indirect_dma semaphore(%arg23 : memref<!tpu.dma_semaphore, #tpu.memory_space<semaphore_mem>>) src(%dma_wait3A_103 : memref<128xf32, #tpu.memory_space<vmem>>) dst(%dma_wait3A_108 : memref<4096xf32, #tpu.memory_space<vmem_shared>>)
    }
    %scan3A_75 = arith.constant 50 : i32
    %barrier3A_76 = arith.constant 0 : index
    tpu.barrier barrier_id(%barrier3A_76)
    "tpu.region"() ({
      %run_scoped3A = tpu.sem_alloc : memref<!tpu.dma_semaphore, #tpu.memory_space<semaphore_mem>>
      %dma_start3A = arith.constant 0 : i32
      %dma_start3A_83 = tpu.memref_slice %arg11[%dma_start3A] : memref<6400xf32, #tpu.memory_space<vmem>> -> memref<256xf32, #tpu.memory_space<vmem>>
      %dma_start3A_84 = tpu.memref_slice %arg19[%mul3A_64] : memref<4096xf32, #tpu.memory_space<vmem_shared>> -> memref<256xf32, #tpu.memory_space<vmem_shared>>
      %dma_start3A_85 = arith.constant 0 : i32
      %dma_start3A_86 = tpu.memref_slice %arg11[%dma_start3A_85] : memref<6400xf32, #tpu.memory_space<vmem>> -> memref<256xf32, #tpu.memory_space<vmem>>
      %dma_start3A_87 = tpu.memref_slice %arg19[%mul3A_64] : memref<4096xf32, #tpu.memory_space<vmem_shared>> -> memref<256xf32, #tpu.memory_space<vmem_shared>>
      tpu.enqueue_dma source(%dma_start3A_87 : memref<256xf32, #tpu.memory_space<vmem_shared>>) target(%dma_start3A_86 : memref<256xf32, #tpu.memory_space<vmem>>) target_semaphore(%run_scoped3A : memref<!tpu.dma_semaphore, #tpu.memory_space<semaphore_mem>>)
      %dma_wait3A = arith.constant 0 : i32
      %dma_wait3A_88 = tpu.memref_slice %arg11[%dma_wait3A] : memref<6400xf32, #tpu.memory_space<vmem>> -> memref<256xf32, #tpu.memory_space<vmem>>
      %dma_wait3A_89 = tpu.memref_slice %arg19[%mul3A_64] : memref<4096xf32, #tpu.memory_space<vmem_shared>> -> memref<256xf32, #tpu.memory_space<vmem_shared>>
      %dma_wait3A_90 = arith.constant 0 : i32
      %dma_wait3A_91 = tpu.memref_slice %arg11[%dma_wait3A_90] : memref<6400xf32, #tpu.memory_space<vmem>> -> memref<256xf32, #tpu.memory_space<vmem>>
      %dma_wait3A_92 = tpu.memref_slice %arg19[%mul3A_64] : memref<4096xf32, #tpu.memory_space<vmem_shared>> -> memref<256xf32, #tpu.memory_space<vmem_shared>>
      tpu.wait_dma2 semaphore(%run_scoped3A : memref<!tpu.dma_semaphore, #tpu.memory_space<semaphore_mem>>) src(%dma_wait3A_92 : memref<256xf32, #tpu.memory_space<vmem_shared>>) dst(%dma_wait3A_91 : memref<256xf32, #tpu.memory_space<vmem>>)
      tpu.yield
    }) : () -> ()
    "tpu.region"() ({
      %run_scoped3A = tpu.sem_alloc : memref<!tpu.dma_semaphore, #tpu.memory_space<semaphore_mem>>
      %dma_start3A = arith.constant 0 : i32
      %dma_start3A_83 = tpu.memref_slice %arg12[%dma_start3A] : memref<6400xf32, #tpu.memory_space<vmem>> -> memref<256xf32, #tpu.memory_space<vmem>>
      %dma_start3A_84 = tpu.memref_slice %arg20[%mul3A_64] : memref<4096xf32, #tpu.memory_space<vmem_shared>> -> memref<256xf32, #tpu.memory_space<vmem_shared>>
      %dma_start3A_85 = arith.constant 0 : i32
      %dma_start3A_86 = tpu.memref_slice %arg12[%dma_start3A_85] : memref<6400xf32, #tpu.memory_space<vmem>> -> memref<256xf32, #tpu.memory_space<vmem>>
      %dma_start3A_87 = tpu.memref_slice %arg20[%mul3A_64] : memref<4096xf32, #tpu.memory_space<vmem_shared>> -> memref<256xf32, #tpu.memory_space<vmem_shared>>
      tpu.enqueue_dma source(%dma_start3A_87 : memref<256xf32, #tpu.memory_space<vmem_shared>>) target(%dma_start3A_86 : memref<256xf32, #tpu.memory_space<vmem>>) target_semaphore(%run_scoped3A : memref<!tpu.dma_semaphore, #tpu.memory_space<semaphore_mem>>)
      %dma_wait3A = arith.constant 0 : i32
      %dma_wait3A_88 = tpu.memref_slice %arg12[%dma_wait3A] : memref<6400xf32, #tpu.memory_space<vmem>> -> memref<256xf32, #tpu.memory_space<vmem>>
      %dma_wait3A_89 = tpu.memref_slice %arg20[%mul3A_64] : memref<4096xf32, #tpu.memory_space<vmem_shared>> -> memref<256xf32, #tpu.memory_space<vmem_shared>>
      %dma_wait3A_90 = arith.constant 0 : i32
      %dma_wait3A_91 = tpu.memref_slice %arg12[%dma_wait3A_90] : memref<6400xf32, #tpu.memory_space<vmem>> -> memref<256xf32, #tpu.memory_space<vmem>>
      %dma_wait3A_92 = tpu.memref_slice %arg20[%mul3A_64] : memref<4096xf32, #tpu.memory_space<vmem_shared>> -> memref<256xf32, #tpu.memory_space<vmem_shared>>
      tpu.wait_dma2 semaphore(%run_scoped3A : memref<!tpu.dma_semaphore, #tpu.memory_space<semaphore_mem>>) src(%dma_wait3A_92 : memref<256xf32, #tpu.memory_space<vmem_shared>>) dst(%dma_wait3A_91 : memref<256xf32, #tpu.memory_space<vmem>>)
      tpu.yield
    }) : () -> ()
    "tpu.region"() ({
      %run_scoped3A = tpu.sem_alloc : memref<!tpu.dma_semaphore, #tpu.memory_space<semaphore_mem>>
      %dma_start3A = arith.constant 0 : i32
      %dma_start3A_83 = tpu.memref_slice %arg13[%dma_start3A] : memref<6400xf32, #tpu.memory_space<vmem>> -> memref<256xf32, #tpu.memory_space<vmem>>
      %dma_start3A_84 = tpu.memref_slice %arg21[%mul3A_64] : memref<4096xf32, #tpu.memory_space<vmem_shared>> -> memref<256xf32, #tpu.memory_space<vmem_shared>>
      %dma_start3A_85 = arith.constant 0 : i32
      %dma_start3A_86 = tpu.memref_slice %arg13[%dma_start3A_85] : memref<6400xf32, #tpu.memory_space<vmem>> -> memref<256xf32, #tpu.memory_space<vmem>>
      %dma_start3A_87 = tpu.memref_slice %arg21[%mul3A_64] : memref<4096xf32, #tpu.memory_space<vmem_shared>> -> memref<256xf32, #tpu.memory_space<vmem_shared>>
      tpu.enqueue_dma source(%dma_start3A_87 : memref<256xf32, #tpu.memory_space<vmem_shared>>) target(%dma_start3A_86 : memref<256xf32, #tpu.memory_space<vmem>>) target_semaphore(%run_scoped3A : memref<!tpu.dma_semaphore, #tpu.memory_space<semaphore_mem>>)
      %dma_wait3A = arith.constant 0 : i32
      %dma_wait3A_88 = tpu.memref_slice %arg13[%dma_wait3A] : memref<6400xf32, #tpu.memory_space<vmem>> -> memref<256xf32, #tpu.memory_space<vmem>>
      %dma_wait3A_89 = tpu.memref_slice %arg21[%mul3A_64] : memref<4096xf32, #tpu.memory_space<vmem_shared>> -> memref<256xf32, #tpu.memory_space<vmem_shared>>
      %dma_wait3A_90 = arith.constant 0 : i32
      %dma_wait3A_91 = tpu.memref_slice %arg13[%dma_wait3A_90] : memref<6400xf32, #tpu.memory_space<vmem>> -> memref<256xf32, #tpu.memory_space<vmem>>
      %dma_wait3A_92 = tpu.memref_slice %arg21[%mul3A_64] : memref<4096xf32, #tpu.memory_space<vmem_shared>> -> memref<256xf32, #tpu.memory_space<vmem_shared>>
      tpu.wait_dma2 semaphore(%run_scoped3A : memref<!tpu.dma_semaphore, #tpu.memory_space<semaphore_mem>>) src(%dma_wait3A_92 : memref<256xf32, #tpu.memory_space<vmem_shared>>) dst(%dma_wait3A_91 : memref<256xf32, #tpu.memory_space<vmem>>)
      tpu.yield
    }) : () -> ()
    "tpu.region"() ({
      %run_scoped3A = tpu.sem_alloc : memref<!tpu.dma_semaphore, #tpu.memory_space<semaphore_mem>>
      %dma_start3A = arith.constant 0 : i32
      %dma_start3A_83 = tpu.memref_slice %arg14[%dma_start3A] : memref<6400xf32, #tpu.memory_space<vmem>> -> memref<256xf32, #tpu.memory_space<vmem>>
      %dma_start3A_84 = tpu.memref_slice %arg22[%mul3A_64] : memref<4096xf32, #tpu.memory_space<vmem_shared>> -> memref<256xf32, #tpu.memory_space<vmem_shared>>
      %dma_start3A_85 = arith.constant 0 : i32
      %dma_start3A_86 = tpu.memref_slice %arg14[%dma_start3A_85] : memref<6400xf32, #tpu.memory_space<vmem>> -> memref<256xf32, #tpu.memory_space<vmem>>
      %dma_start3A_87 = tpu.memref_slice %arg22[%mul3A_64] : memref<4096xf32, #tpu.memory_space<vmem_shared>> -> memref<256xf32, #tpu.memory_space<vmem_shared>>
      tpu.enqueue_dma source(%dma_start3A_87 : memref<256xf32, #tpu.memory_space<vmem_shared>>) target(%dma_start3A_86 : memref<256xf32, #tpu.memory_space<vmem>>) target_semaphore(%run_scoped3A : memref<!tpu.dma_semaphore, #tpu.memory_space<semaphore_mem>>)
      %dma_wait3A = arith.constant 0 : i32
      %dma_wait3A_88 = tpu.memref_slice %arg14[%dma_wait3A] : memref<6400xf32, #tpu.memory_space<vmem>> -> memref<256xf32, #tpu.memory_space<vmem>>
      %dma_wait3A_89 = tpu.memref_slice %arg22[%mul3A_64] : memref<4096xf32, #tpu.memory_space<vmem_shared>> -> memref<256xf32, #tpu.memory_space<vmem_shared>>
      %dma_wait3A_90 = arith.constant 0 : i32
      %dma_wait3A_91 = tpu.memref_slice %arg14[%dma_wait3A_90] : memref<6400xf32, #tpu.memory_space<vmem>> -> memref<256xf32, #tpu.memory_space<vmem>>
      %dma_wait3A_92 = tpu.memref_slice %arg22[%mul3A_64] : memref<4096xf32, #tpu.memory_space<vmem_shared>> -> memref<256xf32, #tpu.memory_space<vmem_shared>>
      tpu.wait_dma2 semaphore(%run_scoped3A : memref<!tpu.dma_semaphore, #tpu.memory_space<semaphore_mem>>) src(%dma_wait3A_92 : memref<256xf32, #tpu.memory_space<vmem_shared>>) dst(%dma_wait3A_91 : memref<256xf32, #tpu.memory_space<vmem>>)
      tpu.yield
    }) : () -> ()
    %scan3A_77 = arith.constant 0 : i32
    %scan3A_78 = arith.constant 0 : i32
    %scan3A_79 = arith.constant 16 : i32
    %scan3A_80 = arith.addi %scan3A_78, %scan3A_79 : i32
    %scan3A_81 = arith.constant 1 : i32
    scf.for %scan3A_83 = %scan3A_78 to %scan3A_80 step %scan3A_81  : i32 {
      %mul3A_84 = arith.constant 16 : i32
      %mul3A_85 = arith.muli %scan3A_83, %mul3A_84 : i32
      %get3A = arith.constant 0 : i32
      %get3A_86 = tpu.memref_slice %arg14[%get3A] : memref<6400xf32, #tpu.memory_space<vmem>> -> memref<256xf32, #tpu.memory_space<vmem>>
      %get3A_87 = arith.index_cast %mul3A_85 : i32 to index
      %get3A_88 = tpu.vector_load %get3A_86[%get3A_87] {strides = array<i32>} : memref<256xf32, #tpu.memory_space<vmem>>, vector<16xf32>,
      %div3A = arith.constant 1.000000e+00 : f32
      %div3A_89 = vector.broadcast %div3A : f32 to vector<16xf32>
      %div3A_90 = arith.divf %div3A_89, %get3A_88 : vector<16xf32>
      %get3A_91 = arith.constant 0 : i32
      %get3A_92 = tpu.memref_slice %arg11[%get3A_91] : memref<6400xf32, #tpu.memory_space<vmem>> -> memref<256xf32, #tpu.memory_space<vmem>>
      %get3A_93 = arith.index_cast %mul3A_85 : i32 to index
      %get3A_94 = tpu.vector_load %get3A_92[%get3A_93] {strides = array<i32>} : memref<256xf32, #tpu.memory_space<vmem>>, vector<16xf32>,
      %mul3A_95 = arith.mulf %get3A_94, %div3A_90 : vector<16xf32>
      %swap3A_96 = arith.constant 0 : i32
      %swap3A_97 = tpu.memref_slice %arg11[%swap3A_96] : memref<6400xf32, #tpu.memory_space<vmem>> -> memref<256xf32, #tpu.memory_space<vmem>>
      %swap3A_98 = arith.index_cast %mul3A_85 : i32 to index
      %swap3A_99 = tpu.vector_load %swap3A_97[%swap3A_98] {strides = array<i32>} : memref<256xf32, #tpu.memory_space<vmem>>, vector<16xf32>,
      tpu.vector_store %swap3A_97[%swap3A_98], %mul3A_95 {strides = array<i32>} : memref<256xf32, #tpu.memory_space<vmem>>, vector<16xf32>,
      %get3A_100 = arith.constant 0 : i32
      %get3A_101 = tpu.memref_slice %arg12[%get3A_100] : memref<6400xf32, #tpu.memory_space<vmem>> -> memref<256xf32, #tpu.memory_space<vmem>>
      %get3A_102 = arith.index_cast %mul3A_85 : i32 to index
      %get3A_103 = tpu.vector_load %get3A_101[%get3A_102] {strides = array<i32>} : memref<256xf32, #tpu.memory_space<vmem>>, vector<16xf32>,
      %mul3A_104 = arith.mulf %get3A_103, %div3A_90 : vector<16xf32>
      %swap3A_105 = arith.constant 0 : i32
      %swap3A_106 = tpu.memref_slice %arg12[%swap3A_105] : memref<6400xf32, #tpu.memory_space<vmem>> -> memref<256xf32, #tpu.memory_space<vmem>>
      %swap3A_107 = arith.index_cast %mul3A_85 : i32 to index
      %swap3A_108 = tpu.vector_load %swap3A_106[%swap3A_107] {strides = array<i32>} : memref<256xf32, #tpu.memory_space<vmem>>, vector<16xf32>,
      tpu.vector_store %swap3A_106[%swap3A_107], %mul3A_104 {strides = array<i32>} : memref<256xf32, #tpu.memory_space<vmem>>, vector<16xf32>,
      %get3A_109 = arith.constant 0 : i32
      %get3A_110 = tpu.memref_slice %arg13[%get3A_109] : memref<6400xf32, #tpu.memory_space<vmem>> -> memref<256xf32, #tpu.memory_space<vmem>>
      %get3A_111 = arith.index_cast %mul3A_85 : i32 to index
      %get3A_112 = tpu.vector_load %get3A_110[%get3A_111] {strides = array<i32>} : memref<256xf32, #tpu.memory_space<vmem>>, vector<16xf32>,
      %mul3A_113 = arith.mulf %get3A_112, %div3A_90 : vector<16xf32>
      %swap3A_114 = arith.constant 0 : i32
      %swap3A_115 = tpu.memref_slice %arg13[%swap3A_114] : memref<6400xf32, #tpu.memory_space<vmem>> -> memref<256xf32, #tpu.memory_space<vmem>>
      %swap3A_116 = arith.index_cast %mul3A_85 : i32 to index
      %swap3A_117 = tpu.vector_load %swap3A_115[%swap3A_116] {strides = array<i32>} : memref<256xf32, #tpu.memory_space<vmem>>, vector<16xf32>,
      tpu.vector_store %swap3A_115[%swap3A_116], %mul3A_113 {strides = array<i32>} : memref<256xf32, #tpu.memory_space<vmem>>, vector<16xf32>,
    }
    %scan3A_82 = arith.constant 16 : i32
    "tpu.region"() ({
      %run_scoped3A = tpu.sem_alloc : memref<!tpu.dma_semaphore, #tpu.memory_space<semaphore_mem>>
      %dma_start3A = arith.constant 0 : i32
      %dma_start3A_83 = tpu.memref_slice %arg11[%dma_start3A] : memref<6400xf32, #tpu.memory_space<vmem>> -> memref<256xf32, #tpu.memory_space<vmem>>
      %dma_start3A_84 = tpu.memref_slice %arg8[%mul3A_64] : memref<4096xf32, #tpu.memory_space<hbm>> -> memref<256xf32, #tpu.memory_space<hbm>>
      %dma_start3A_85 = tpu.memref_slice %arg8[%mul3A_64] : memref<4096xf32, #tpu.memory_space<hbm>> -> memref<256xf32, #tpu.memory_space<hbm>>
      %dma_start3A_86 = arith.constant 0 : i32
      %dma_start3A_87 = tpu.memref_slice %arg11[%dma_start3A_86] : memref<6400xf32, #tpu.memory_space<vmem>> -> memref<256xf32, #tpu.memory_space<vmem>>
      tpu.enqueue_dma source(%dma_start3A_87 : memref<256xf32, #tpu.memory_space<vmem>>) target(%dma_start3A_85 : memref<256xf32, #tpu.memory_space<hbm>>) target_semaphore(%run_scoped3A : memref<!tpu.dma_semaphore, #tpu.memory_space<semaphore_mem>>)
      %dma_wait3A = arith.constant 0 : i32
      %dma_wait3A_88 = tpu.memref_slice %arg11[%dma_wait3A] : memref<6400xf32, #tpu.memory_space<vmem>> -> memref<256xf32, #tpu.memory_space<vmem>>
      %dma_wait3A_89 = tpu.memref_slice %arg8[%mul3A_64] : memref<4096xf32, #tpu.memory_space<hbm>> -> memref<256xf32, #tpu.memory_space<hbm>>
      %dma_wait3A_90 = tpu.memref_slice %arg8[%mul3A_64] : memref<4096xf32, #tpu.memory_space<hbm>> -> memref<256xf32, #tpu.memory_space<hbm>>
      %dma_wait3A_91 = arith.constant 0 : i32
      %dma_wait3A_92 = tpu.memref_slice %arg11[%dma_wait3A_91] : memref<6400xf32, #tpu.memory_space<vmem>> -> memref<256xf32, #tpu.memory_space<vmem>>
      tpu.wait_dma2 semaphore(%run_scoped3A : memref<!tpu.dma_semaphore, #tpu.memory_space<semaphore_mem>>) src(%dma_wait3A_92 : memref<256xf32, #tpu.memory_space<vmem>>) dst(%dma_wait3A_90 : memref<256xf32, #tpu.memory_space<hbm>>)
      tpu.yield
    }) : () -> ()
    "tpu.region"() ({
      %run_scoped3A = tpu.sem_alloc : memref<!tpu.dma_semaphore, #tpu.memory_space<semaphore_mem>>
      %dma_start3A = arith.constant 0 : i32
      %dma_start3A_83 = tpu.memref_slice %arg12[%dma_start3A] : memref<6400xf32, #tpu.memory_space<vmem>> -> memref<256xf32, #tpu.memory_space<vmem>>
      %dma_start3A_84 = tpu.memref_slice %arg9[%mul3A_64] : memref<4096xf32, #tpu.memory_space<hbm>> -> memref<256xf32, #tpu.memory_space<hbm>>
      %dma_start3A_85 = tpu.memref_slice %arg9[%mul3A_64] : memref<4096xf32, #tpu.memory_space<hbm>> -> memref<256xf32, #tpu.memory_space<hbm>>
      %dma_start3A_86 = arith.constant 0 : i32
      %dma_start3A_87 = tpu.memref_slice %arg12[%dma_start3A_86] : memref<6400xf32, #tpu.memory_space<vmem>> -> memref<256xf32, #tpu.memory_space<vmem>>
      tpu.enqueue_dma source(%dma_start3A_87 : memref<256xf32, #tpu.memory_space<vmem>>) target(%dma_start3A_85 : memref<256xf32, #tpu.memory_space<hbm>>) target_semaphore(%run_scoped3A : memref<!tpu.dma_semaphore, #tpu.memory_space<semaphore_mem>>)
      %dma_wait3A = arith.constant 0 : i32
      %dma_wait3A_88 = tpu.memref_slice %arg12[%dma_wait3A] : memref<6400xf32, #tpu.memory_space<vmem>> -> memref<256xf32, #tpu.memory_space<vmem>>
      %dma_wait3A_89 = tpu.memref_slice %arg9[%mul3A_64] : memref<4096xf32, #tpu.memory_space<hbm>> -> memref<256xf32, #tpu.memory_space<hbm>>
      %dma_wait3A_90 = tpu.memref_slice %arg9[%mul3A_64] : memref<4096xf32, #tpu.memory_space<hbm>> -> memref<256xf32, #tpu.memory_space<hbm>>
      %dma_wait3A_91 = arith.constant 0 : i32
      %dma_wait3A_92 = tpu.memref_slice %arg12[%dma_wait3A_91] : memref<6400xf32, #tpu.memory_space<vmem>> -> memref<256xf32, #tpu.memory_space<vmem>>
      tpu.wait_dma2 semaphore(%run_scoped3A : memref<!tpu.dma_semaphore, #tpu.memory_space<semaphore_mem>>) src(%dma_wait3A_92 : memref<256xf32, #tpu.memory_space<vmem>>) dst(%dma_wait3A_90 : memref<256xf32, #tpu.memory_space<hbm>>)
      tpu.yield
    }) : () -> ()
    "tpu.region"() ({
      %run_scoped3A = tpu.sem_alloc : memref<!tpu.dma_semaphore, #tpu.memory_space<semaphore_mem>>
      %dma_start3A = arith.constant 0 : i32
      %dma_start3A_83 = tpu.memref_slice %arg13[%dma_start3A] : memref<6400xf32, #tpu.memory_space<vmem>> -> memref<256xf32, #tpu.memory_space<vmem>>
      %dma_start3A_84 = tpu.memref_slice %arg10[%mul3A_64] : memref<4096xf32, #tpu.memory_space<hbm>> -> memref<256xf32, #tpu.memory_space<hbm>>
      %dma_start3A_85 = tpu.memref_slice %arg10[%mul3A_64] : memref<4096xf32, #tpu.memory_space<hbm>> -> memref<256xf32, #tpu.memory_space<hbm>>
      %dma_start3A_86 = arith.constant 0 : i32
      %dma_start3A_87 = tpu.memref_slice %arg13[%dma_start3A_86] : memref<6400xf32, #tpu.memory_space<vmem>> -> memref<256xf32, #tpu.memory_space<vmem>>
      tpu.enqueue_dma source(%dma_start3A_87 : memref<256xf32, #tpu.memory_space<vmem>>) target(%dma_start3A_85 : memref<256xf32, #tpu.memory_space<hbm>>) target_semaphore(%run_scoped3A : memref<!tpu.dma_semaphore, #tpu.memory_space<semaphore_mem>>)
      %dma_wait3A = arith.constant 0 : i32
      %dma_wait3A_88 = tpu.memref_slice %arg13[%dma_wait3A] : memref<6400xf32, #tpu.memory_space<vmem>> -> memref<256xf32, #tpu.memory_space<vmem>>
      %dma_wait3A_89 = tpu.memref_slice %arg10[%mul3A_64] : memref<4096xf32, #tpu.memory_space<hbm>> -> memref<256xf32, #tpu.memory_space<hbm>>
      %dma_wait3A_90 = tpu.memref_slice %arg10[%mul3A_64] : memref<4096xf32, #tpu.memory_space<hbm>> -> memref<256xf32, #tpu.memory_space<hbm>>
      %dma_wait3A_91 = arith.constant 0 : i32
      %dma_wait3A_92 = tpu.memref_slice %arg13[%dma_wait3A_91] : memref<6400xf32, #tpu.memory_space<vmem>> -> memref<256xf32, #tpu.memory_space<vmem>>
      tpu.wait_dma2 semaphore(%run_scoped3A : memref<!tpu.dma_semaphore, #tpu.memory_space<semaphore_mem>>) src(%dma_wait3A_92 : memref<256xf32, #tpu.memory_space<vmem>>) dst(%dma_wait3A_90 : memref<256xf32, #tpu.memory_space<hbm>>)
      tpu.yield
    }) : () -> ()
    return
  }
}

#map = affine_map<(d0, d1) -> (0)>
#map1 = affine_map<(d0, d1) -> (0, 0, 0)>
#map2 = affine_map<(d0, d1) -> (0, 0)>
module attributes {stable_mosaic.version = 14 : i64} {
  func.func @_extent_body(%arg0: i32, %arg1: i32, %arg2: memref<102400xf32, #tpu.memory_space<hbm>>, %arg3: memref<102400xf32, #tpu.memory_space<hbm>>, %arg4: memref<102400xf32, #tpu.memory_space<hbm>>, %arg5: memref<102400xf32, #tpu.memory_space<hbm>>, %arg6: memref<32x25x128xi32, #tpu.memory_space<hbm>>, %arg7: memref<4096xf32, #tpu.memory_space<hbm>>, %arg8: memref<4096xf32, #tpu.memory_space<hbm>>, %arg9: memref<4096xf32, #tpu.memory_space<hbm>>, %arg10: memref<2x4096xf32, #tpu.memory_space<hbm>>, %arg11: memref<3200xf32, #tpu.memory_space<vmem>>, %arg12: memref<3200xf32, #tpu.memory_space<vmem>>, %arg13: memref<3200xf32, #tpu.memory_space<vmem>>, %arg14: memref<3200xf32, #tpu.memory_space<vmem>>, %arg15: memref<25x128xi32, #tpu.memory_space<vmem>>, %arg16: memref<4096xf32, #tpu.memory_space<vmem>>, %arg17: memref<4096xf32, #tpu.memory_space<vmem>>, %arg18: memref<4096xf32, #tpu.memory_space<vmem>>, %arg19: memref<3200xf32, #tpu.memory_space<vmem>>, %arg20: memref<256xf32, #tpu.memory_space<vmem>>, %arg21: memref<4096xf32, #tpu.memory_space<vmem_shared>>, %arg22: memref<!tpu.dma_semaphore, #tpu.memory_space<semaphore_mem>>) attributes {dimension_semantics = [#tpu.dimension_semantics<core_parallel>, #tpu.dimension_semantics<subcore_parallel>], iteration_bounds = array<i64: 2, 16>, scalar_prefetch = 0 : i64, scratch_operands = 12 : i64, tpu.core_type = #tpu.core_type<sc_vector_subcore>, window_params = [{transform_indices = #map}, {transform_indices = #map}, {transform_indices = #map}, {transform_indices = #map}, {transform_indices = #map1}, {transform_indices = #map}, {transform_indices = #map}, {transform_indices = #map}, {transform_indices = #map2}]} {
    %mul3A = arith.constant 16 : i32
    %mul3A_0 = arith.muli %arg0, %mul3A : i32
    %add3A = arith.addi %mul3A_0, %arg1 : i32
    %mul3A_1 = arith.constant 3200 : i32
    %mul3A_2 = arith.muli %add3A, %mul3A_1 : i32
    "tpu.region"() ({
      %run_scoped3A = tpu.sem_alloc : memref<!tpu.dma_semaphore, #tpu.memory_space<semaphore_mem>>
      %dma_start3A = tpu.memref_slice %arg2[%mul3A_2] : memref<102400xf32, #tpu.memory_space<hbm>> -> memref<3200xf32, #tpu.memory_space<hbm>>
      %dma_start3A_79 = tpu.memref_slice %arg2[%mul3A_2] : memref<102400xf32, #tpu.memory_space<hbm>> -> memref<3200xf32, #tpu.memory_space<hbm>>
      tpu.enqueue_dma source(%dma_start3A_79 : memref<3200xf32, #tpu.memory_space<hbm>>) target(%arg11 : memref<3200xf32, #tpu.memory_space<vmem>>) target_semaphore(%run_scoped3A : memref<!tpu.dma_semaphore, #tpu.memory_space<semaphore_mem>>)
      %dma_wait3A = tpu.memref_slice %arg2[%mul3A_2] : memref<102400xf32, #tpu.memory_space<hbm>> -> memref<3200xf32, #tpu.memory_space<hbm>>
      %dma_wait3A_80 = tpu.memref_slice %arg2[%mul3A_2] : memref<102400xf32, #tpu.memory_space<hbm>> -> memref<3200xf32, #tpu.memory_space<hbm>>
      tpu.wait_dma2 semaphore(%run_scoped3A : memref<!tpu.dma_semaphore, #tpu.memory_space<semaphore_mem>>) src(%dma_wait3A_80 : memref<3200xf32, #tpu.memory_space<hbm>>) dst(%arg11 : memref<3200xf32, #tpu.memory_space<vmem>>)
      tpu.yield
    }) : () -> ()
    "tpu.region"() ({
      %run_scoped3A = tpu.sem_alloc : memref<!tpu.dma_semaphore, #tpu.memory_space<semaphore_mem>>
      %dma_start3A = tpu.memref_slice %arg3[%mul3A_2] : memref<102400xf32, #tpu.memory_space<hbm>> -> memref<3200xf32, #tpu.memory_space<hbm>>
      %dma_start3A_79 = tpu.memref_slice %arg3[%mul3A_2] : memref<102400xf32, #tpu.memory_space<hbm>> -> memref<3200xf32, #tpu.memory_space<hbm>>
      tpu.enqueue_dma source(%dma_start3A_79 : memref<3200xf32, #tpu.memory_space<hbm>>) target(%arg12 : memref<3200xf32, #tpu.memory_space<vmem>>) target_semaphore(%run_scoped3A : memref<!tpu.dma_semaphore, #tpu.memory_space<semaphore_mem>>)
      %dma_wait3A = tpu.memref_slice %arg3[%mul3A_2] : memref<102400xf32, #tpu.memory_space<hbm>> -> memref<3200xf32, #tpu.memory_space<hbm>>
      %dma_wait3A_80 = tpu.memref_slice %arg3[%mul3A_2] : memref<102400xf32, #tpu.memory_space<hbm>> -> memref<3200xf32, #tpu.memory_space<hbm>>
      tpu.wait_dma2 semaphore(%run_scoped3A : memref<!tpu.dma_semaphore, #tpu.memory_space<semaphore_mem>>) src(%dma_wait3A_80 : memref<3200xf32, #tpu.memory_space<hbm>>) dst(%arg12 : memref<3200xf32, #tpu.memory_space<vmem>>)
      tpu.yield
    }) : () -> ()
    "tpu.region"() ({
      %run_scoped3A = tpu.sem_alloc : memref<!tpu.dma_semaphore, #tpu.memory_space<semaphore_mem>>
      %dma_start3A = tpu.memref_slice %arg4[%mul3A_2] : memref<102400xf32, #tpu.memory_space<hbm>> -> memref<3200xf32, #tpu.memory_space<hbm>>
      %dma_start3A_79 = tpu.memref_slice %arg4[%mul3A_2] : memref<102400xf32, #tpu.memory_space<hbm>> -> memref<3200xf32, #tpu.memory_space<hbm>>
      tpu.enqueue_dma source(%dma_start3A_79 : memref<3200xf32, #tpu.memory_space<hbm>>) target(%arg13 : memref<3200xf32, #tpu.memory_space<vmem>>) target_semaphore(%run_scoped3A : memref<!tpu.dma_semaphore, #tpu.memory_space<semaphore_mem>>)
      %dma_wait3A = tpu.memref_slice %arg4[%mul3A_2] : memref<102400xf32, #tpu.memory_space<hbm>> -> memref<3200xf32, #tpu.memory_space<hbm>>
      %dma_wait3A_80 = tpu.memref_slice %arg4[%mul3A_2] : memref<102400xf32, #tpu.memory_space<hbm>> -> memref<3200xf32, #tpu.memory_space<hbm>>
      tpu.wait_dma2 semaphore(%run_scoped3A : memref<!tpu.dma_semaphore, #tpu.memory_space<semaphore_mem>>) src(%dma_wait3A_80 : memref<3200xf32, #tpu.memory_space<hbm>>) dst(%arg13 : memref<3200xf32, #tpu.memory_space<vmem>>)
      tpu.yield
    }) : () -> ()
    "tpu.region"() ({
      %run_scoped3A = tpu.sem_alloc : memref<!tpu.dma_semaphore, #tpu.memory_space<semaphore_mem>>
      %dma_start3A = tpu.memref_slice %arg5[%mul3A_2] : memref<102400xf32, #tpu.memory_space<hbm>> -> memref<3200xf32, #tpu.memory_space<hbm>>
      %dma_start3A_79 = tpu.memref_slice %arg5[%mul3A_2] : memref<102400xf32, #tpu.memory_space<hbm>> -> memref<3200xf32, #tpu.memory_space<hbm>>
      tpu.enqueue_dma source(%dma_start3A_79 : memref<3200xf32, #tpu.memory_space<hbm>>) target(%arg14 : memref<3200xf32, #tpu.memory_space<vmem>>) target_semaphore(%run_scoped3A : memref<!tpu.dma_semaphore, #tpu.memory_space<semaphore_mem>>)
      %dma_wait3A = tpu.memref_slice %arg5[%mul3A_2] : memref<102400xf32, #tpu.memory_space<hbm>> -> memref<3200xf32, #tpu.memory_space<hbm>>
      %dma_wait3A_80 = tpu.memref_slice %arg5[%mul3A_2] : memref<102400xf32, #tpu.memory_space<hbm>> -> memref<3200xf32, #tpu.memory_space<hbm>>
      tpu.wait_dma2 semaphore(%run_scoped3A : memref<!tpu.dma_semaphore, #tpu.memory_space<semaphore_mem>>) src(%dma_wait3A_80 : memref<3200xf32, #tpu.memory_space<hbm>>) dst(%arg14 : memref<3200xf32, #tpu.memory_space<vmem>>)
      tpu.yield
    }) : () -> ()
    "tpu.region"() ({
      %run_scoped3A = tpu.sem_alloc : memref<!tpu.dma_semaphore, #tpu.memory_space<semaphore_mem>>
      %dma_start3A = arith.constant 0 : i32
      %dma_start3A_79 = arith.constant 0 : i32
      %dma_start3A_80 = tpu.memref_slice %arg6[%add3A, %dma_start3A, %dma_start3A_79] : memref<32x25x128xi32, #tpu.memory_space<hbm>> -> memref<1x25x128xi32, #tpu.memory_space<hbm>>
      %dma_start3A_81 = tpu.memref_squeeze %dma_start3A_80 : memref<1x25x128xi32, #tpu.memory_space<hbm>> -> memref<25x128xi32, #tpu.memory_space<hbm>>
      %dma_start3A_82 = arith.constant 0 : i32
      %dma_start3A_83 = arith.constant 0 : i32
      %dma_start3A_84 = tpu.memref_slice %arg6[%add3A, %dma_start3A_82, %dma_start3A_83] : memref<32x25x128xi32, #tpu.memory_space<hbm>> -> memref<1x25x128xi32, #tpu.memory_space<hbm>>
      %dma_start3A_85 = tpu.memref_squeeze %dma_start3A_84 : memref<1x25x128xi32, #tpu.memory_space<hbm>> -> memref<25x128xi32, #tpu.memory_space<hbm>>
      tpu.enqueue_dma source(%dma_start3A_85 : memref<25x128xi32, #tpu.memory_space<hbm>>) target(%arg15 : memref<25x128xi32, #tpu.memory_space<vmem>>) target_semaphore(%run_scoped3A : memref<!tpu.dma_semaphore, #tpu.memory_space<semaphore_mem>>)
      %dma_wait3A = arith.constant 0 : i32
      %dma_wait3A_86 = arith.constant 0 : i32
      %dma_wait3A_87 = tpu.memref_slice %arg6[%add3A, %dma_wait3A, %dma_wait3A_86] : memref<32x25x128xi32, #tpu.memory_space<hbm>> -> memref<1x25x128xi32, #tpu.memory_space<hbm>>
      %dma_wait3A_88 = tpu.memref_squeeze %dma_wait3A_87 : memref<1x25x128xi32, #tpu.memory_space<hbm>> -> memref<25x128xi32, #tpu.memory_space<hbm>>
      %dma_wait3A_89 = arith.constant 0 : i32
      %dma_wait3A_90 = arith.constant 0 : i32
      %dma_wait3A_91 = tpu.memref_slice %arg6[%add3A, %dma_wait3A_89, %dma_wait3A_90] : memref<32x25x128xi32, #tpu.memory_space<hbm>> -> memref<1x25x128xi32, #tpu.memory_space<hbm>>
      %dma_wait3A_92 = tpu.memref_squeeze %dma_wait3A_91 : memref<1x25x128xi32, #tpu.memory_space<hbm>> -> memref<25x128xi32, #tpu.memory_space<hbm>>
      tpu.wait_dma2 semaphore(%run_scoped3A : memref<!tpu.dma_semaphore, #tpu.memory_space<semaphore_mem>>) src(%dma_wait3A_92 : memref<25x128xi32, #tpu.memory_space<hbm>>) dst(%arg15 : memref<25x128xi32, #tpu.memory_space<vmem>>)
      tpu.yield
    }) : () -> ()
    "tpu.region"() ({
      %run_scoped3A = tpu.sem_alloc : memref<!tpu.dma_semaphore, #tpu.memory_space<semaphore_mem>>
      tpu.enqueue_dma source(%arg7 : memref<4096xf32, #tpu.memory_space<hbm>>) target(%arg16 : memref<4096xf32, #tpu.memory_space<vmem>>) target_semaphore(%run_scoped3A : memref<!tpu.dma_semaphore, #tpu.memory_space<semaphore_mem>>)
      tpu.wait_dma2 semaphore(%run_scoped3A : memref<!tpu.dma_semaphore, #tpu.memory_space<semaphore_mem>>) src(%arg7 : memref<4096xf32, #tpu.memory_space<hbm>>) dst(%arg16 : memref<4096xf32, #tpu.memory_space<vmem>>)
      tpu.yield
    }) : () -> ()
    "tpu.region"() ({
      %run_scoped3A = tpu.sem_alloc : memref<!tpu.dma_semaphore, #tpu.memory_space<semaphore_mem>>
      tpu.enqueue_dma source(%arg8 : memref<4096xf32, #tpu.memory_space<hbm>>) target(%arg17 : memref<4096xf32, #tpu.memory_space<vmem>>) target_semaphore(%run_scoped3A : memref<!tpu.dma_semaphore, #tpu.memory_space<semaphore_mem>>)
      tpu.wait_dma2 semaphore(%run_scoped3A : memref<!tpu.dma_semaphore, #tpu.memory_space<semaphore_mem>>) src(%arg8 : memref<4096xf32, #tpu.memory_space<hbm>>) dst(%arg17 : memref<4096xf32, #tpu.memory_space<vmem>>)
      tpu.yield
    }) : () -> ()
    "tpu.region"() ({
      %run_scoped3A = tpu.sem_alloc : memref<!tpu.dma_semaphore, #tpu.memory_space<semaphore_mem>>
      tpu.enqueue_dma source(%arg9 : memref<4096xf32, #tpu.memory_space<hbm>>) target(%arg18 : memref<4096xf32, #tpu.memory_space<vmem>>) target_semaphore(%run_scoped3A : memref<!tpu.dma_semaphore, #tpu.memory_space<semaphore_mem>>)
      tpu.wait_dma2 semaphore(%run_scoped3A : memref<!tpu.dma_semaphore, #tpu.memory_space<semaphore_mem>>) src(%arg9 : memref<4096xf32, #tpu.memory_space<hbm>>) dst(%arg18 : memref<4096xf32, #tpu.memory_space<vmem>>)
      tpu.yield
    }) : () -> ()
    %mul3A_3 = arith.constant 256 : i32
    %mul3A_4 = arith.muli %arg1, %mul3A_3 : i32
    %broadcast_in_dim3A = arith.constant 0.000000e+00 : f32
    %broadcast_in_dim3A_5 = vector.broadcast %broadcast_in_dim3A : f32 to vector<16xf32>
    %swap3A = arith.constant 0 : index
    %swap3A_6 = tpu.vector_load %arg20[%swap3A] {strides = array<i32>} : memref<256xf32, #tpu.memory_space<vmem>>, vector<16xf32>,
    tpu.vector_store %arg20[%swap3A], %broadcast_in_dim3A_5 {strides = array<i32>} : memref<256xf32, #tpu.memory_space<vmem>>, vector<16xf32>,
    %broadcast_in_dim3A_7 = arith.constant 0.000000e+00 : f32
    %broadcast_in_dim3A_8 = vector.broadcast %broadcast_in_dim3A_7 : f32 to vector<16xf32>
    %swap3A_9 = arith.constant 16 : index
    %swap3A_10 = tpu.vector_load %arg20[%swap3A_9] {strides = array<i32>} : memref<256xf32, #tpu.memory_space<vmem>>, vector<16xf32>,
    tpu.vector_store %arg20[%swap3A_9], %broadcast_in_dim3A_8 {strides = array<i32>} : memref<256xf32, #tpu.memory_space<vmem>>, vector<16xf32>,
    %broadcast_in_dim3A_11 = arith.constant 0.000000e+00 : f32
    %broadcast_in_dim3A_12 = vector.broadcast %broadcast_in_dim3A_11 : f32 to vector<16xf32>
    %swap3A_13 = arith.constant 32 : index
    %swap3A_14 = tpu.vector_load %arg20[%swap3A_13] {strides = array<i32>} : memref<256xf32, #tpu.memory_space<vmem>>, vector<16xf32>,
    tpu.vector_store %arg20[%swap3A_13], %broadcast_in_dim3A_12 {strides = array<i32>} : memref<256xf32, #tpu.memory_space<vmem>>, vector<16xf32>,
    %broadcast_in_dim3A_15 = arith.constant 0.000000e+00 : f32
    %broadcast_in_dim3A_16 = vector.broadcast %broadcast_in_dim3A_15 : f32 to vector<16xf32>
    %swap3A_17 = arith.constant 48 : index
    %swap3A_18 = tpu.vector_load %arg20[%swap3A_17] {strides = array<i32>} : memref<256xf32, #tpu.memory_space<vmem>>, vector<16xf32>,
    tpu.vector_store %arg20[%swap3A_17], %broadcast_in_dim3A_16 {strides = array<i32>} : memref<256xf32, #tpu.memory_space<vmem>>, vector<16xf32>,
    %broadcast_in_dim3A_19 = arith.constant 0.000000e+00 : f32
    %broadcast_in_dim3A_20 = vector.broadcast %broadcast_in_dim3A_19 : f32 to vector<16xf32>
    %swap3A_21 = arith.constant 64 : index
    %swap3A_22 = tpu.vector_load %arg20[%swap3A_21] {strides = array<i32>} : memref<256xf32, #tpu.memory_space<vmem>>, vector<16xf32>,
    tpu.vector_store %arg20[%swap3A_21], %broadcast_in_dim3A_20 {strides = array<i32>} : memref<256xf32, #tpu.memory_space<vmem>>, vector<16xf32>,
    %broadcast_in_dim3A_23 = arith.constant 0.000000e+00 : f32
    %broadcast_in_dim3A_24 = vector.broadcast %broadcast_in_dim3A_23 : f32 to vector<16xf32>
    %swap3A_25 = arith.constant 80 : index
    %swap3A_26 = tpu.vector_load %arg20[%swap3A_25] {strides = array<i32>} : memref<256xf32, #tpu.memory_space<vmem>>, vector<16xf32>,
    tpu.vector_store %arg20[%swap3A_25], %broadcast_in_dim3A_24 {strides = array<i32>} : memref<256xf32, #tpu.memory_space<vmem>>, vector<16xf32>,
    %broadcast_in_dim3A_27 = arith.constant 0.000000e+00 : f32
    %broadcast_in_dim3A_28 = vector.broadcast %broadcast_in_dim3A_27 : f32 to vector<16xf32>
    %swap3A_29 = arith.constant 96 : index
    %swap3A_30 = tpu.vector_load %arg20[%swap3A_29] {strides = array<i32>} : memref<256xf32, #tpu.memory_space<vmem>>, vector<16xf32>,
    tpu.vector_store %arg20[%swap3A_29], %broadcast_in_dim3A_28 {strides = array<i32>} : memref<256xf32, #tpu.memory_space<vmem>>, vector<16xf32>,
    %broadcast_in_dim3A_31 = arith.constant 0.000000e+00 : f32
    %broadcast_in_dim3A_32 = vector.broadcast %broadcast_in_dim3A_31 : f32 to vector<16xf32>
    %swap3A_33 = arith.constant 112 : index
    %swap3A_34 = tpu.vector_load %arg20[%swap3A_33] {strides = array<i32>} : memref<256xf32, #tpu.memory_space<vmem>>, vector<16xf32>,
    tpu.vector_store %arg20[%swap3A_33], %broadcast_in_dim3A_32 {strides = array<i32>} : memref<256xf32, #tpu.memory_space<vmem>>, vector<16xf32>,
    %broadcast_in_dim3A_35 = arith.constant 0.000000e+00 : f32
    %broadcast_in_dim3A_36 = vector.broadcast %broadcast_in_dim3A_35 : f32 to vector<16xf32>
    %swap3A_37 = arith.constant 128 : index
    %swap3A_38 = tpu.vector_load %arg20[%swap3A_37] {strides = array<i32>} : memref<256xf32, #tpu.memory_space<vmem>>, vector<16xf32>,
    tpu.vector_store %arg20[%swap3A_37], %broadcast_in_dim3A_36 {strides = array<i32>} : memref<256xf32, #tpu.memory_space<vmem>>, vector<16xf32>,
    %broadcast_in_dim3A_39 = arith.constant 0.000000e+00 : f32
    %broadcast_in_dim3A_40 = vector.broadcast %broadcast_in_dim3A_39 : f32 to vector<16xf32>
    %swap3A_41 = arith.constant 144 : index
    %swap3A_42 = tpu.vector_load %arg20[%swap3A_41] {strides = array<i32>} : memref<256xf32, #tpu.memory_space<vmem>>, vector<16xf32>,
    tpu.vector_store %arg20[%swap3A_41], %broadcast_in_dim3A_40 {strides = array<i32>} : memref<256xf32, #tpu.memory_space<vmem>>, vector<16xf32>,
    %broadcast_in_dim3A_43 = arith.constant 0.000000e+00 : f32
    %broadcast_in_dim3A_44 = vector.broadcast %broadcast_in_dim3A_43 : f32 to vector<16xf32>
    %swap3A_45 = arith.constant 160 : index
    %swap3A_46 = tpu.vector_load %arg20[%swap3A_45] {strides = array<i32>} : memref<256xf32, #tpu.memory_space<vmem>>, vector<16xf32>,
    tpu.vector_store %arg20[%swap3A_45], %broadcast_in_dim3A_44 {strides = array<i32>} : memref<256xf32, #tpu.memory_space<vmem>>, vector<16xf32>,
    %broadcast_in_dim3A_47 = arith.constant 0.000000e+00 : f32
    %broadcast_in_dim3A_48 = vector.broadcast %broadcast_in_dim3A_47 : f32 to vector<16xf32>
    %swap3A_49 = arith.constant 176 : index
    %swap3A_50 = tpu.vector_load %arg20[%swap3A_49] {strides = array<i32>} : memref<256xf32, #tpu.memory_space<vmem>>, vector<16xf32>,
    tpu.vector_store %arg20[%swap3A_49], %broadcast_in_dim3A_48 {strides = array<i32>} : memref<256xf32, #tpu.memory_space<vmem>>, vector<16xf32>,
    %broadcast_in_dim3A_51 = arith.constant 0.000000e+00 : f32
    %broadcast_in_dim3A_52 = vector.broadcast %broadcast_in_dim3A_51 : f32 to vector<16xf32>
    %swap3A_53 = arith.constant 192 : index
    %swap3A_54 = tpu.vector_load %arg20[%swap3A_53] {strides = array<i32>} : memref<256xf32, #tpu.memory_space<vmem>>, vector<16xf32>,
    tpu.vector_store %arg20[%swap3A_53], %broadcast_in_dim3A_52 {strides = array<i32>} : memref<256xf32, #tpu.memory_space<vmem>>, vector<16xf32>,
    %broadcast_in_dim3A_55 = arith.constant 0.000000e+00 : f32
    %broadcast_in_dim3A_56 = vector.broadcast %broadcast_in_dim3A_55 : f32 to vector<16xf32>
    %swap3A_57 = arith.constant 208 : index
    %swap3A_58 = tpu.vector_load %arg20[%swap3A_57] {strides = array<i32>} : memref<256xf32, #tpu.memory_space<vmem>>, vector<16xf32>,
    tpu.vector_store %arg20[%swap3A_57], %broadcast_in_dim3A_56 {strides = array<i32>} : memref<256xf32, #tpu.memory_space<vmem>>, vector<16xf32>,
    %broadcast_in_dim3A_59 = arith.constant 0.000000e+00 : f32
    %broadcast_in_dim3A_60 = vector.broadcast %broadcast_in_dim3A_59 : f32 to vector<16xf32>
    %swap3A_61 = arith.constant 224 : index
    %swap3A_62 = tpu.vector_load %arg20[%swap3A_61] {strides = array<i32>} : memref<256xf32, #tpu.memory_space<vmem>>, vector<16xf32>,
    tpu.vector_store %arg20[%swap3A_61], %broadcast_in_dim3A_60 {strides = array<i32>} : memref<256xf32, #tpu.memory_space<vmem>>, vector<16xf32>,
    %broadcast_in_dim3A_63 = arith.constant 0.000000e+00 : f32
    %broadcast_in_dim3A_64 = vector.broadcast %broadcast_in_dim3A_63 : f32 to vector<16xf32>
    %swap3A_65 = arith.constant 240 : index
    %swap3A_66 = tpu.vector_load %arg20[%swap3A_65] {strides = array<i32>} : memref<256xf32, #tpu.memory_space<vmem>>, vector<16xf32>,
    tpu.vector_store %arg20[%swap3A_65], %broadcast_in_dim3A_64 {strides = array<i32>} : memref<256xf32, #tpu.memory_space<vmem>>, vector<16xf32>,
    "tpu.region"() ({
      %run_scoped3A = tpu.sem_alloc : memref<!tpu.dma_semaphore, #tpu.memory_space<semaphore_mem>>
      %dma_start3A = tpu.memref_slice %arg21[%mul3A_4] : memref<4096xf32, #tpu.memory_space<vmem_shared>> -> memref<256xf32, #tpu.memory_space<vmem_shared>>
      %dma_start3A_79 = tpu.memref_slice %arg21[%mul3A_4] : memref<4096xf32, #tpu.memory_space<vmem_shared>> -> memref<256xf32, #tpu.memory_space<vmem_shared>>
      tpu.enqueue_dma source(%arg20 : memref<256xf32, #tpu.memory_space<vmem>>) target(%dma_start3A_79 : memref<256xf32, #tpu.memory_space<vmem_shared>>) target_semaphore(%run_scoped3A : memref<!tpu.dma_semaphore, #tpu.memory_space<semaphore_mem>>)
      %dma_wait3A = tpu.memref_slice %arg21[%mul3A_4] : memref<4096xf32, #tpu.memory_space<vmem_shared>> -> memref<256xf32, #tpu.memory_space<vmem_shared>>
      %dma_wait3A_80 = tpu.memref_slice %arg21[%mul3A_4] : memref<4096xf32, #tpu.memory_space<vmem_shared>> -> memref<256xf32, #tpu.memory_space<vmem_shared>>
      tpu.wait_dma2 semaphore(%run_scoped3A : memref<!tpu.dma_semaphore, #tpu.memory_space<semaphore_mem>>) src(%arg20 : memref<256xf32, #tpu.memory_space<vmem>>) dst(%dma_wait3A_80 : memref<256xf32, #tpu.memory_space<vmem_shared>>)
      tpu.yield
    }) : () -> ()
    %barrier3A = arith.constant 0 : index
    tpu.barrier barrier_id(%barrier3A)
    %iota3A = tpu.iota {dimensions = array<i32: 0>} : vector<16xi32>
    %scan3A = arith.constant 0 : i32
    %scan3A_67 = arith.constant 0 : i32
    %scan3A_68 = arith.constant 25 : i32
    %scan3A_69 = arith.addi %scan3A_67, %scan3A_68 : i32
    %scan3A_70 = arith.constant 1 : i32
    scf.for %scan3A_79 = %scan3A_67 to %scan3A_69 step %scan3A_70  : i32 {
      %mul3A_80 = arith.constant 8 : i32
      %mul3A_81 = arith.muli %scan3A_79, %mul3A_80 : i32
      %add3A_82 = arith.constant 0 : i32
      %add3A_83 = arith.addi %mul3A_81, %add3A_82 : i32
      %mul3A_84 = arith.constant 16 : i32
      %mul3A_85 = arith.muli %add3A_83, %mul3A_84 : i32
      %mul3A_86 = arith.constant 16 : i32
      %mul3A_87 = arith.muli %add3A_83, %mul3A_86 : i32
      %add3A_88 = vector.broadcast %mul3A_87 : i32 to vector<16xi32>
      %add3A_89 = arith.addi %add3A_88, %iota3A : vector<16xi32>
      %get3A = arith.index_cast %scan3A_79 : i32 to index
      %get3A_90 = arith.constant 0 : index
      %get3A_91 = tpu.vector_load %arg15[%get3A, %get3A_90] {strides = array<i32>} : memref<25x128xi32, #tpu.memory_space<vmem>>, vector<16xi32>,
      %get3A_92 = arith.index_cast %mul3A_85 : i32 to index
      %get3A_93 = tpu.vector_load %arg11[%get3A_92] {strides = array<i32>} : memref<3200xf32, #tpu.memory_space<vmem>>, vector<16xf32>,
      %gather3A = tpu.vector_load_idx %arg16[%get3A_91] : memref<4096xf32, #tpu.memory_space<vmem>>[vector<16xi32>], vector<16xf32>,
      %sub3A = arith.subf %get3A_93, %gather3A : vector<16xf32>
      %get3A_94 = arith.index_cast %mul3A_85 : i32 to index
      %get3A_95 = tpu.vector_load %arg12[%get3A_94] {strides = array<i32>} : memref<3200xf32, #tpu.memory_space<vmem>>, vector<16xf32>,
      %gather3A_96 = tpu.vector_load_idx %arg17[%get3A_91] : memref<4096xf32, #tpu.memory_space<vmem>>[vector<16xi32>], vector<16xf32>,
      %sub3A_97 = arith.subf %get3A_95, %gather3A_96 : vector<16xf32>
      %get3A_98 = arith.index_cast %mul3A_85 : i32 to index
      %get3A_99 = tpu.vector_load %arg13[%get3A_98] {strides = array<i32>} : memref<3200xf32, #tpu.memory_space<vmem>>, vector<16xf32>,
      %gather3A_100 = tpu.vector_load_idx %arg18[%get3A_91] : memref<4096xf32, #tpu.memory_space<vmem>>[vector<16xi32>], vector<16xf32>,
      %sub3A_101 = arith.subf %get3A_99, %gather3A_100 : vector<16xf32>
      %mul3A_102 = arith.mulf %sub3A, %sub3A : vector<16xf32>
      %mul3A_103 = arith.mulf %sub3A_97, %sub3A_97 : vector<16xf32>
      %add3A_104 = arith.addf %mul3A_102, %mul3A_103 : vector<16xf32>
      %mul3A_105 = arith.mulf %sub3A_101, %sub3A_101 : vector<16xf32>
      %add3A_106 = arith.addf %add3A_104, %mul3A_105 : vector<16xf32>
      %add3A_107 = vector.broadcast %mul3A_2 : i32 to vector<16xi32>
      %add3A_108 = arith.addi %add3A_107, %add3A_89 : vector<16xi32>
      %lt3A = arith.constant 100000 : i32
      %lt3A_109 = vector.broadcast %lt3A : i32 to vector<16xi32>
      %lt3A_110 = arith.cmpi slt, %add3A_108, %lt3A_109 : vector<16xi32>
      %get3A_111 = arith.index_cast %mul3A_85 : i32 to index
      %get3A_112 = tpu.vector_load %arg14[%get3A_111] {strides = array<i32>} : memref<3200xf32, #tpu.memory_space<vmem>>, vector<16xf32>,
      %mul3A_113 = arith.mulf %get3A_112, %add3A_106 : vector<16xf32>
      %jit3A = arith.constant 0.000000e+00 : f32
      %broadcast_in_dim3A_114 = vector.broadcast %jit3A : f32 to vector<16xf32>
      %select_n3A = arith.select %lt3A_110, %mul3A_113, %broadcast_in_dim3A_114 : vector<16xi1>, vector<16xf32>
      %swap3A_115 = arith.index_cast %mul3A_85 : i32 to index
      %swap3A_116 = tpu.vector_load %arg19[%swap3A_115] {strides = array<i32>} : memref<3200xf32, #tpu.memory_space<vmem>>, vector<16xf32>,
      tpu.vector_store %arg19[%swap3A_115], %select_n3A {strides = array<i32>} : memref<3200xf32, #tpu.memory_space<vmem>>, vector<16xf32>,
      %mul3A_117 = arith.constant 8 : i32
      %mul3A_118 = arith.muli %scan3A_79, %mul3A_117 : i32
      %add3A_119 = arith.constant 1 : i32
      %add3A_120 = arith.addi %mul3A_118, %add3A_119 : i32
      %mul3A_121 = arith.constant 16 : i32
      %mul3A_122 = arith.muli %add3A_120, %mul3A_121 : i32
      %mul3A_123 = arith.constant 16 : i32
      %mul3A_124 = arith.muli %add3A_120, %mul3A_123 : i32
      %add3A_125 = vector.broadcast %mul3A_124 : i32 to vector<16xi32>
      %add3A_126 = arith.addi %add3A_125, %iota3A : vector<16xi32>
      %get3A_127 = arith.index_cast %scan3A_79 : i32 to index
      %get3A_128 = arith.constant 16 : index
      %get3A_129 = tpu.vector_load %arg15[%get3A_127, %get3A_128] {strides = array<i32>} : memref<25x128xi32, #tpu.memory_space<vmem>>, vector<16xi32>,
      %get3A_130 = arith.index_cast %mul3A_122 : i32 to index
      %get3A_131 = tpu.vector_load %arg11[%get3A_130] {strides = array<i32>} : memref<3200xf32, #tpu.memory_space<vmem>>, vector<16xf32>,
      %gather3A_132 = tpu.vector_load_idx %arg16[%get3A_129] : memref<4096xf32, #tpu.memory_space<vmem>>[vector<16xi32>], vector<16xf32>,
      %sub3A_133 = arith.subf %get3A_131, %gather3A_132 : vector<16xf32>
      %get3A_134 = arith.index_cast %mul3A_122 : i32 to index
      %get3A_135 = tpu.vector_load %arg12[%get3A_134] {strides = array<i32>} : memref<3200xf32, #tpu.memory_space<vmem>>, vector<16xf32>,
      %gather3A_136 = tpu.vector_load_idx %arg17[%get3A_129] : memref<4096xf32, #tpu.memory_space<vmem>>[vector<16xi32>], vector<16xf32>,
      %sub3A_137 = arith.subf %get3A_135, %gather3A_136 : vector<16xf32>
      %get3A_138 = arith.index_cast %mul3A_122 : i32 to index
      %get3A_139 = tpu.vector_load %arg13[%get3A_138] {strides = array<i32>} : memref<3200xf32, #tpu.memory_space<vmem>>, vector<16xf32>,
      %gather3A_140 = tpu.vector_load_idx %arg18[%get3A_129] : memref<4096xf32, #tpu.memory_space<vmem>>[vector<16xi32>], vector<16xf32>,
      %sub3A_141 = arith.subf %get3A_139, %gather3A_140 : vector<16xf32>
      %mul3A_142 = arith.mulf %sub3A_133, %sub3A_133 : vector<16xf32>
      %mul3A_143 = arith.mulf %sub3A_137, %sub3A_137 : vector<16xf32>
      %add3A_144 = arith.addf %mul3A_142, %mul3A_143 : vector<16xf32>
      %mul3A_145 = arith.mulf %sub3A_141, %sub3A_141 : vector<16xf32>
      %add3A_146 = arith.addf %add3A_144, %mul3A_145 : vector<16xf32>
      %add3A_147 = vector.broadcast %mul3A_2 : i32 to vector<16xi32>
      %add3A_148 = arith.addi %add3A_147, %add3A_126 : vector<16xi32>
      %lt3A_149 = arith.constant 100000 : i32
      %lt3A_150 = vector.broadcast %lt3A_149 : i32 to vector<16xi32>
      %lt3A_151 = arith.cmpi slt, %add3A_148, %lt3A_150 : vector<16xi32>
      %get3A_152 = arith.index_cast %mul3A_122 : i32 to index
      %get3A_153 = tpu.vector_load %arg14[%get3A_152] {strides = array<i32>} : memref<3200xf32, #tpu.memory_space<vmem>>, vector<16xf32>,
      %mul3A_154 = arith.mulf %get3A_153, %add3A_146 : vector<16xf32>
      %jit3A_155 = arith.constant 0.000000e+00 : f32
      %broadcast_in_dim3A_156 = vector.broadcast %jit3A_155 : f32 to vector<16xf32>
      %select_n3A_157 = arith.select %lt3A_151, %mul3A_154, %broadcast_in_dim3A_156 : vector<16xi1>, vector<16xf32>
      %swap3A_158 = arith.index_cast %mul3A_122 : i32 to index
      %swap3A_159 = tpu.vector_load %arg19[%swap3A_158] {strides = array<i32>} : memref<3200xf32, #tpu.memory_space<vmem>>, vector<16xf32>,
      tpu.vector_store %arg19[%swap3A_158], %select_n3A_157 {strides = array<i32>} : memref<3200xf32, #tpu.memory_space<vmem>>, vector<16xf32>,
      %mul3A_160 = arith.constant 8 : i32
      %mul3A_161 = arith.muli %scan3A_79, %mul3A_160 : i32
      %add3A_162 = arith.constant 2 : i32
      %add3A_163 = arith.addi %mul3A_161, %add3A_162 : i32
      %mul3A_164 = arith.constant 16 : i32
      %mul3A_165 = arith.muli %add3A_163, %mul3A_164 : i32
      %mul3A_166 = arith.constant 16 : i32
      %mul3A_167 = arith.muli %add3A_163, %mul3A_166 : i32
      %add3A_168 = vector.broadcast %mul3A_167 : i32 to vector<16xi32>
      %add3A_169 = arith.addi %add3A_168, %iota3A : vector<16xi32>
      %get3A_170 = arith.index_cast %scan3A_79 : i32 to index
      %get3A_171 = arith.constant 32 : index
      %get3A_172 = tpu.vector_load %arg15[%get3A_170, %get3A_171] {strides = array<i32>} : memref<25x128xi32, #tpu.memory_space<vmem>>, vector<16xi32>,
      %get3A_173 = arith.index_cast %mul3A_165 : i32 to index
      %get3A_174 = tpu.vector_load %arg11[%get3A_173] {strides = array<i32>} : memref<3200xf32, #tpu.memory_space<vmem>>, vector<16xf32>,
      %gather3A_175 = tpu.vector_load_idx %arg16[%get3A_172] : memref<4096xf32, #tpu.memory_space<vmem>>[vector<16xi32>], vector<16xf32>,
      %sub3A_176 = arith.subf %get3A_174, %gather3A_175 : vector<16xf32>
      %get3A_177 = arith.index_cast %mul3A_165 : i32 to index
      %get3A_178 = tpu.vector_load %arg12[%get3A_177] {strides = array<i32>} : memref<3200xf32, #tpu.memory_space<vmem>>, vector<16xf32>,
      %gather3A_179 = tpu.vector_load_idx %arg17[%get3A_172] : memref<4096xf32, #tpu.memory_space<vmem>>[vector<16xi32>], vector<16xf32>,
      %sub3A_180 = arith.subf %get3A_178, %gather3A_179 : vector<16xf32>
      %get3A_181 = arith.index_cast %mul3A_165 : i32 to index
      %get3A_182 = tpu.vector_load %arg13[%get3A_181] {strides = array<i32>} : memref<3200xf32, #tpu.memory_space<vmem>>, vector<16xf32>,
      %gather3A_183 = tpu.vector_load_idx %arg18[%get3A_172] : memref<4096xf32, #tpu.memory_space<vmem>>[vector<16xi32>], vector<16xf32>,
      %sub3A_184 = arith.subf %get3A_182, %gather3A_183 : vector<16xf32>
      %mul3A_185 = arith.mulf %sub3A_176, %sub3A_176 : vector<16xf32>
      %mul3A_186 = arith.mulf %sub3A_180, %sub3A_180 : vector<16xf32>
      %add3A_187 = arith.addf %mul3A_185, %mul3A_186 : vector<16xf32>
      %mul3A_188 = arith.mulf %sub3A_184, %sub3A_184 : vector<16xf32>
      %add3A_189 = arith.addf %add3A_187, %mul3A_188 : vector<16xf32>
      %add3A_190 = vector.broadcast %mul3A_2 : i32 to vector<16xi32>
      %add3A_191 = arith.addi %add3A_190, %add3A_169 : vector<16xi32>
      %lt3A_192 = arith.constant 100000 : i32
      %lt3A_193 = vector.broadcast %lt3A_192 : i32 to vector<16xi32>
      %lt3A_194 = arith.cmpi slt, %add3A_191, %lt3A_193 : vector<16xi32>
      %get3A_195 = arith.index_cast %mul3A_165 : i32 to index
      %get3A_196 = tpu.vector_load %arg14[%get3A_195] {strides = array<i32>} : memref<3200xf32, #tpu.memory_space<vmem>>, vector<16xf32>,
      %mul3A_197 = arith.mulf %get3A_196, %add3A_189 : vector<16xf32>
      %jit3A_198 = arith.constant 0.000000e+00 : f32
      %broadcast_in_dim3A_199 = vector.broadcast %jit3A_198 : f32 to vector<16xf32>
      %select_n3A_200 = arith.select %lt3A_194, %mul3A_197, %broadcast_in_dim3A_199 : vector<16xi1>, vector<16xf32>
      %swap3A_201 = arith.index_cast %mul3A_165 : i32 to index
      %swap3A_202 = tpu.vector_load %arg19[%swap3A_201] {strides = array<i32>} : memref<3200xf32, #tpu.memory_space<vmem>>, vector<16xf32>,
      tpu.vector_store %arg19[%swap3A_201], %select_n3A_200 {strides = array<i32>} : memref<3200xf32, #tpu.memory_space<vmem>>, vector<16xf32>,
      %mul3A_203 = arith.constant 8 : i32
      %mul3A_204 = arith.muli %scan3A_79, %mul3A_203 : i32
      %add3A_205 = arith.constant 3 : i32
      %add3A_206 = arith.addi %mul3A_204, %add3A_205 : i32
      %mul3A_207 = arith.constant 16 : i32
      %mul3A_208 = arith.muli %add3A_206, %mul3A_207 : i32
      %mul3A_209 = arith.constant 16 : i32
      %mul3A_210 = arith.muli %add3A_206, %mul3A_209 : i32
      %add3A_211 = vector.broadcast %mul3A_210 : i32 to vector<16xi32>
      %add3A_212 = arith.addi %add3A_211, %iota3A : vector<16xi32>
      %get3A_213 = arith.index_cast %scan3A_79 : i32 to index
      %get3A_214 = arith.constant 48 : index
      %get3A_215 = tpu.vector_load %arg15[%get3A_213, %get3A_214] {strides = array<i32>} : memref<25x128xi32, #tpu.memory_space<vmem>>, vector<16xi32>,
      %get3A_216 = arith.index_cast %mul3A_208 : i32 to index
      %get3A_217 = tpu.vector_load %arg11[%get3A_216] {strides = array<i32>} : memref<3200xf32, #tpu.memory_space<vmem>>, vector<16xf32>,
      %gather3A_218 = tpu.vector_load_idx %arg16[%get3A_215] : memref<4096xf32, #tpu.memory_space<vmem>>[vector<16xi32>], vector<16xf32>,
      %sub3A_219 = arith.subf %get3A_217, %gather3A_218 : vector<16xf32>
      %get3A_220 = arith.index_cast %mul3A_208 : i32 to index
      %get3A_221 = tpu.vector_load %arg12[%get3A_220] {strides = array<i32>} : memref<3200xf32, #tpu.memory_space<vmem>>, vector<16xf32>,
      %gather3A_222 = tpu.vector_load_idx %arg17[%get3A_215] : memref<4096xf32, #tpu.memory_space<vmem>>[vector<16xi32>], vector<16xf32>,
      %sub3A_223 = arith.subf %get3A_221, %gather3A_222 : vector<16xf32>
      %get3A_224 = arith.index_cast %mul3A_208 : i32 to index
      %get3A_225 = tpu.vector_load %arg13[%get3A_224] {strides = array<i32>} : memref<3200xf32, #tpu.memory_space<vmem>>, vector<16xf32>,
      %gather3A_226 = tpu.vector_load_idx %arg18[%get3A_215] : memref<4096xf32, #tpu.memory_space<vmem>>[vector<16xi32>], vector<16xf32>,
      %sub3A_227 = arith.subf %get3A_225, %gather3A_226 : vector<16xf32>
      %mul3A_228 = arith.mulf %sub3A_219, %sub3A_219 : vector<16xf32>
      %mul3A_229 = arith.mulf %sub3A_223, %sub3A_223 : vector<16xf32>
      %add3A_230 = arith.addf %mul3A_228, %mul3A_229 : vector<16xf32>
      %mul3A_231 = arith.mulf %sub3A_227, %sub3A_227 : vector<16xf32>
      %add3A_232 = arith.addf %add3A_230, %mul3A_231 : vector<16xf32>
      %add3A_233 = vector.broadcast %mul3A_2 : i32 to vector<16xi32>
      %add3A_234 = arith.addi %add3A_233, %add3A_212 : vector<16xi32>
      %lt3A_235 = arith.constant 100000 : i32
      %lt3A_236 = vector.broadcast %lt3A_235 : i32 to vector<16xi32>
      %lt3A_237 = arith.cmpi slt, %add3A_234, %lt3A_236 : vector<16xi32>
      %get3A_238 = arith.index_cast %mul3A_208 : i32 to index
      %get3A_239 = tpu.vector_load %arg14[%get3A_238] {strides = array<i32>} : memref<3200xf32, #tpu.memory_space<vmem>>, vector<16xf32>,
      %mul3A_240 = arith.mulf %get3A_239, %add3A_232 : vector<16xf32>
      %jit3A_241 = arith.constant 0.000000e+00 : f32
      %broadcast_in_dim3A_242 = vector.broadcast %jit3A_241 : f32 to vector<16xf32>
      %select_n3A_243 = arith.select %lt3A_237, %mul3A_240, %broadcast_in_dim3A_242 : vector<16xi1>, vector<16xf32>
      %swap3A_244 = arith.index_cast %mul3A_208 : i32 to index
      %swap3A_245 = tpu.vector_load %arg19[%swap3A_244] {strides = array<i32>} : memref<3200xf32, #tpu.memory_space<vmem>>, vector<16xf32>,
      tpu.vector_store %arg19[%swap3A_244], %select_n3A_243 {strides = array<i32>} : memref<3200xf32, #tpu.memory_space<vmem>>, vector<16xf32>,
      %mul3A_246 = arith.constant 8 : i32
      %mul3A_247 = arith.muli %scan3A_79, %mul3A_246 : i32
      %add3A_248 = arith.constant 4 : i32
      %add3A_249 = arith.addi %mul3A_247, %add3A_248 : i32
      %mul3A_250 = arith.constant 16 : i32
      %mul3A_251 = arith.muli %add3A_249, %mul3A_250 : i32
      %mul3A_252 = arith.constant 16 : i32
      %mul3A_253 = arith.muli %add3A_249, %mul3A_252 : i32
      %add3A_254 = vector.broadcast %mul3A_253 : i32 to vector<16xi32>
      %add3A_255 = arith.addi %add3A_254, %iota3A : vector<16xi32>
      %get3A_256 = arith.index_cast %scan3A_79 : i32 to index
      %get3A_257 = arith.constant 64 : index
      %get3A_258 = tpu.vector_load %arg15[%get3A_256, %get3A_257] {strides = array<i32>} : memref<25x128xi32, #tpu.memory_space<vmem>>, vector<16xi32>,
      %get3A_259 = arith.index_cast %mul3A_251 : i32 to index
      %get3A_260 = tpu.vector_load %arg11[%get3A_259] {strides = array<i32>} : memref<3200xf32, #tpu.memory_space<vmem>>, vector<16xf32>,
      %gather3A_261 = tpu.vector_load_idx %arg16[%get3A_258] : memref<4096xf32, #tpu.memory_space<vmem>>[vector<16xi32>], vector<16xf32>,
      %sub3A_262 = arith.subf %get3A_260, %gather3A_261 : vector<16xf32>
      %get3A_263 = arith.index_cast %mul3A_251 : i32 to index
      %get3A_264 = tpu.vector_load %arg12[%get3A_263] {strides = array<i32>} : memref<3200xf32, #tpu.memory_space<vmem>>, vector<16xf32>,
      %gather3A_265 = tpu.vector_load_idx %arg17[%get3A_258] : memref<4096xf32, #tpu.memory_space<vmem>>[vector<16xi32>], vector<16xf32>,
      %sub3A_266 = arith.subf %get3A_264, %gather3A_265 : vector<16xf32>
      %get3A_267 = arith.index_cast %mul3A_251 : i32 to index
      %get3A_268 = tpu.vector_load %arg13[%get3A_267] {strides = array<i32>} : memref<3200xf32, #tpu.memory_space<vmem>>, vector<16xf32>,
      %gather3A_269 = tpu.vector_load_idx %arg18[%get3A_258] : memref<4096xf32, #tpu.memory_space<vmem>>[vector<16xi32>], vector<16xf32>,
      %sub3A_270 = arith.subf %get3A_268, %gather3A_269 : vector<16xf32>
      %mul3A_271 = arith.mulf %sub3A_262, %sub3A_262 : vector<16xf32>
      %mul3A_272 = arith.mulf %sub3A_266, %sub3A_266 : vector<16xf32>
      %add3A_273 = arith.addf %mul3A_271, %mul3A_272 : vector<16xf32>
      %mul3A_274 = arith.mulf %sub3A_270, %sub3A_270 : vector<16xf32>
      %add3A_275 = arith.addf %add3A_273, %mul3A_274 : vector<16xf32>
      %add3A_276 = vector.broadcast %mul3A_2 : i32 to vector<16xi32>
      %add3A_277 = arith.addi %add3A_276, %add3A_255 : vector<16xi32>
      %lt3A_278 = arith.constant 100000 : i32
      %lt3A_279 = vector.broadcast %lt3A_278 : i32 to vector<16xi32>
      %lt3A_280 = arith.cmpi slt, %add3A_277, %lt3A_279 : vector<16xi32>
      %get3A_281 = arith.index_cast %mul3A_251 : i32 to index
      %get3A_282 = tpu.vector_load %arg14[%get3A_281] {strides = array<i32>} : memref<3200xf32, #tpu.memory_space<vmem>>, vector<16xf32>,
      %mul3A_283 = arith.mulf %get3A_282, %add3A_275 : vector<16xf32>
      %jit3A_284 = arith.constant 0.000000e+00 : f32
      %broadcast_in_dim3A_285 = vector.broadcast %jit3A_284 : f32 to vector<16xf32>
      %select_n3A_286 = arith.select %lt3A_280, %mul3A_283, %broadcast_in_dim3A_285 : vector<16xi1>, vector<16xf32>
      %swap3A_287 = arith.index_cast %mul3A_251 : i32 to index
      %swap3A_288 = tpu.vector_load %arg19[%swap3A_287] {strides = array<i32>} : memref<3200xf32, #tpu.memory_space<vmem>>, vector<16xf32>,
      tpu.vector_store %arg19[%swap3A_287], %select_n3A_286 {strides = array<i32>} : memref<3200xf32, #tpu.memory_space<vmem>>, vector<16xf32>,
      %mul3A_289 = arith.constant 8 : i32
      %mul3A_290 = arith.muli %scan3A_79, %mul3A_289 : i32
      %add3A_291 = arith.constant 5 : i32
      %add3A_292 = arith.addi %mul3A_290, %add3A_291 : i32
      %mul3A_293 = arith.constant 16 : i32
      %mul3A_294 = arith.muli %add3A_292, %mul3A_293 : i32
      %mul3A_295 = arith.constant 16 : i32
      %mul3A_296 = arith.muli %add3A_292, %mul3A_295 : i32
      %add3A_297 = vector.broadcast %mul3A_296 : i32 to vector<16xi32>
      %add3A_298 = arith.addi %add3A_297, %iota3A : vector<16xi32>
      %get3A_299 = arith.index_cast %scan3A_79 : i32 to index
      %get3A_300 = arith.constant 80 : index
      %get3A_301 = tpu.vector_load %arg15[%get3A_299, %get3A_300] {strides = array<i32>} : memref<25x128xi32, #tpu.memory_space<vmem>>, vector<16xi32>,
      %get3A_302 = arith.index_cast %mul3A_294 : i32 to index
      %get3A_303 = tpu.vector_load %arg11[%get3A_302] {strides = array<i32>} : memref<3200xf32, #tpu.memory_space<vmem>>, vector<16xf32>,
      %gather3A_304 = tpu.vector_load_idx %arg16[%get3A_301] : memref<4096xf32, #tpu.memory_space<vmem>>[vector<16xi32>], vector<16xf32>,
      %sub3A_305 = arith.subf %get3A_303, %gather3A_304 : vector<16xf32>
      %get3A_306 = arith.index_cast %mul3A_294 : i32 to index
      %get3A_307 = tpu.vector_load %arg12[%get3A_306] {strides = array<i32>} : memref<3200xf32, #tpu.memory_space<vmem>>, vector<16xf32>,
      %gather3A_308 = tpu.vector_load_idx %arg17[%get3A_301] : memref<4096xf32, #tpu.memory_space<vmem>>[vector<16xi32>], vector<16xf32>,
      %sub3A_309 = arith.subf %get3A_307, %gather3A_308 : vector<16xf32>
      %get3A_310 = arith.index_cast %mul3A_294 : i32 to index
      %get3A_311 = tpu.vector_load %arg13[%get3A_310] {strides = array<i32>} : memref<3200xf32, #tpu.memory_space<vmem>>, vector<16xf32>,
      %gather3A_312 = tpu.vector_load_idx %arg18[%get3A_301] : memref<4096xf32, #tpu.memory_space<vmem>>[vector<16xi32>], vector<16xf32>,
      %sub3A_313 = arith.subf %get3A_311, %gather3A_312 : vector<16xf32>
      %mul3A_314 = arith.mulf %sub3A_305, %sub3A_305 : vector<16xf32>
      %mul3A_315 = arith.mulf %sub3A_309, %sub3A_309 : vector<16xf32>
      %add3A_316 = arith.addf %mul3A_314, %mul3A_315 : vector<16xf32>
      %mul3A_317 = arith.mulf %sub3A_313, %sub3A_313 : vector<16xf32>
      %add3A_318 = arith.addf %add3A_316, %mul3A_317 : vector<16xf32>
      %add3A_319 = vector.broadcast %mul3A_2 : i32 to vector<16xi32>
      %add3A_320 = arith.addi %add3A_319, %add3A_298 : vector<16xi32>
      %lt3A_321 = arith.constant 100000 : i32
      %lt3A_322 = vector.broadcast %lt3A_321 : i32 to vector<16xi32>
      %lt3A_323 = arith.cmpi slt, %add3A_320, %lt3A_322 : vector<16xi32>
      %get3A_324 = arith.index_cast %mul3A_294 : i32 to index
      %get3A_325 = tpu.vector_load %arg14[%get3A_324] {strides = array<i32>} : memref<3200xf32, #tpu.memory_space<vmem>>, vector<16xf32>,
      %mul3A_326 = arith.mulf %get3A_325, %add3A_318 : vector<16xf32>
      %jit3A_327 = arith.constant 0.000000e+00 : f32
      %broadcast_in_dim3A_328 = vector.broadcast %jit3A_327 : f32 to vector<16xf32>
      %select_n3A_329 = arith.select %lt3A_323, %mul3A_326, %broadcast_in_dim3A_328 : vector<16xi1>, vector<16xf32>
      %swap3A_330 = arith.index_cast %mul3A_294 : i32 to index
      %swap3A_331 = tpu.vector_load %arg19[%swap3A_330] {strides = array<i32>} : memref<3200xf32, #tpu.memory_space<vmem>>, vector<16xf32>,
      tpu.vector_store %arg19[%swap3A_330], %select_n3A_329 {strides = array<i32>} : memref<3200xf32, #tpu.memory_space<vmem>>, vector<16xf32>,
      %mul3A_332 = arith.constant 8 : i32
      %mul3A_333 = arith.muli %scan3A_79, %mul3A_332 : i32
      %add3A_334 = arith.constant 6 : i32
      %add3A_335 = arith.addi %mul3A_333, %add3A_334 : i32
      %mul3A_336 = arith.constant 16 : i32
      %mul3A_337 = arith.muli %add3A_335, %mul3A_336 : i32
      %mul3A_338 = arith.constant 16 : i32
      %mul3A_339 = arith.muli %add3A_335, %mul3A_338 : i32
      %add3A_340 = vector.broadcast %mul3A_339 : i32 to vector<16xi32>
      %add3A_341 = arith.addi %add3A_340, %iota3A : vector<16xi32>
      %get3A_342 = arith.index_cast %scan3A_79 : i32 to index
      %get3A_343 = arith.constant 96 : index
      %get3A_344 = tpu.vector_load %arg15[%get3A_342, %get3A_343] {strides = array<i32>} : memref<25x128xi32, #tpu.memory_space<vmem>>, vector<16xi32>,
      %get3A_345 = arith.index_cast %mul3A_337 : i32 to index
      %get3A_346 = tpu.vector_load %arg11[%get3A_345] {strides = array<i32>} : memref<3200xf32, #tpu.memory_space<vmem>>, vector<16xf32>,
      %gather3A_347 = tpu.vector_load_idx %arg16[%get3A_344] : memref<4096xf32, #tpu.memory_space<vmem>>[vector<16xi32>], vector<16xf32>,
      %sub3A_348 = arith.subf %get3A_346, %gather3A_347 : vector<16xf32>
      %get3A_349 = arith.index_cast %mul3A_337 : i32 to index
      %get3A_350 = tpu.vector_load %arg12[%get3A_349] {strides = array<i32>} : memref<3200xf32, #tpu.memory_space<vmem>>, vector<16xf32>,
      %gather3A_351 = tpu.vector_load_idx %arg17[%get3A_344] : memref<4096xf32, #tpu.memory_space<vmem>>[vector<16xi32>], vector<16xf32>,
      %sub3A_352 = arith.subf %get3A_350, %gather3A_351 : vector<16xf32>
      %get3A_353 = arith.index_cast %mul3A_337 : i32 to index
      %get3A_354 = tpu.vector_load %arg13[%get3A_353] {strides = array<i32>} : memref<3200xf32, #tpu.memory_space<vmem>>, vector<16xf32>,
      %gather3A_355 = tpu.vector_load_idx %arg18[%get3A_344] : memref<4096xf32, #tpu.memory_space<vmem>>[vector<16xi32>], vector<16xf32>,
      %sub3A_356 = arith.subf %get3A_354, %gather3A_355 : vector<16xf32>
      %mul3A_357 = arith.mulf %sub3A_348, %sub3A_348 : vector<16xf32>
      %mul3A_358 = arith.mulf %sub3A_352, %sub3A_352 : vector<16xf32>
      %add3A_359 = arith.addf %mul3A_357, %mul3A_358 : vector<16xf32>
      %mul3A_360 = arith.mulf %sub3A_356, %sub3A_356 : vector<16xf32>
      %add3A_361 = arith.addf %add3A_359, %mul3A_360 : vector<16xf32>
      %add3A_362 = vector.broadcast %mul3A_2 : i32 to vector<16xi32>
      %add3A_363 = arith.addi %add3A_362, %add3A_341 : vector<16xi32>
      %lt3A_364 = arith.constant 100000 : i32
      %lt3A_365 = vector.broadcast %lt3A_364 : i32 to vector<16xi32>
      %lt3A_366 = arith.cmpi slt, %add3A_363, %lt3A_365 : vector<16xi32>
      %get3A_367 = arith.index_cast %mul3A_337 : i32 to index
      %get3A_368 = tpu.vector_load %arg14[%get3A_367] {strides = array<i32>} : memref<3200xf32, #tpu.memory_space<vmem>>, vector<16xf32>,
      %mul3A_369 = arith.mulf %get3A_368, %add3A_361 : vector<16xf32>
      %jit3A_370 = arith.constant 0.000000e+00 : f32
      %broadcast_in_dim3A_371 = vector.broadcast %jit3A_370 : f32 to vector<16xf32>
      %select_n3A_372 = arith.select %lt3A_366, %mul3A_369, %broadcast_in_dim3A_371 : vector<16xi1>, vector<16xf32>
      %swap3A_373 = arith.index_cast %mul3A_337 : i32 to index
      %swap3A_374 = tpu.vector_load %arg19[%swap3A_373] {strides = array<i32>} : memref<3200xf32, #tpu.memory_space<vmem>>, vector<16xf32>,
      tpu.vector_store %arg19[%swap3A_373], %select_n3A_372 {strides = array<i32>} : memref<3200xf32, #tpu.memory_space<vmem>>, vector<16xf32>,
      %mul3A_375 = arith.constant 8 : i32
      %mul3A_376 = arith.muli %scan3A_79, %mul3A_375 : i32
      %add3A_377 = arith.constant 7 : i32
      %add3A_378 = arith.addi %mul3A_376, %add3A_377 : i32
      %mul3A_379 = arith.constant 16 : i32
      %mul3A_380 = arith.muli %add3A_378, %mul3A_379 : i32
      %mul3A_381 = arith.constant 16 : i32
      %mul3A_382 = arith.muli %add3A_378, %mul3A_381 : i32
      %add3A_383 = vector.broadcast %mul3A_382 : i32 to vector<16xi32>
      %add3A_384 = arith.addi %add3A_383, %iota3A : vector<16xi32>
      %get3A_385 = arith.index_cast %scan3A_79 : i32 to index
      %get3A_386 = arith.constant 112 : index
      %get3A_387 = tpu.vector_load %arg15[%get3A_385, %get3A_386] {strides = array<i32>} : memref<25x128xi32, #tpu.memory_space<vmem>>, vector<16xi32>,
      %get3A_388 = arith.index_cast %mul3A_380 : i32 to index
      %get3A_389 = tpu.vector_load %arg11[%get3A_388] {strides = array<i32>} : memref<3200xf32, #tpu.memory_space<vmem>>, vector<16xf32>,
      %gather3A_390 = tpu.vector_load_idx %arg16[%get3A_387] : memref<4096xf32, #tpu.memory_space<vmem>>[vector<16xi32>], vector<16xf32>,
      %sub3A_391 = arith.subf %get3A_389, %gather3A_390 : vector<16xf32>
      %get3A_392 = arith.index_cast %mul3A_380 : i32 to index
      %get3A_393 = tpu.vector_load %arg12[%get3A_392] {strides = array<i32>} : memref<3200xf32, #tpu.memory_space<vmem>>, vector<16xf32>,
      %gather3A_394 = tpu.vector_load_idx %arg17[%get3A_387] : memref<4096xf32, #tpu.memory_space<vmem>>[vector<16xi32>], vector<16xf32>,
      %sub3A_395 = arith.subf %get3A_393, %gather3A_394 : vector<16xf32>
      %get3A_396 = arith.index_cast %mul3A_380 : i32 to index
      %get3A_397 = tpu.vector_load %arg13[%get3A_396] {strides = array<i32>} : memref<3200xf32, #tpu.memory_space<vmem>>, vector<16xf32>,
      %gather3A_398 = tpu.vector_load_idx %arg18[%get3A_387] : memref<4096xf32, #tpu.memory_space<vmem>>[vector<16xi32>], vector<16xf32>,
      %sub3A_399 = arith.subf %get3A_397, %gather3A_398 : vector<16xf32>
      %mul3A_400 = arith.mulf %sub3A_391, %sub3A_391 : vector<16xf32>
      %mul3A_401 = arith.mulf %sub3A_395, %sub3A_395 : vector<16xf32>
      %add3A_402 = arith.addf %mul3A_400, %mul3A_401 : vector<16xf32>
      %mul3A_403 = arith.mulf %sub3A_399, %sub3A_399 : vector<16xf32>
      %add3A_404 = arith.addf %add3A_402, %mul3A_403 : vector<16xf32>
      %add3A_405 = vector.broadcast %mul3A_2 : i32 to vector<16xi32>
      %add3A_406 = arith.addi %add3A_405, %add3A_384 : vector<16xi32>
      %lt3A_407 = arith.constant 100000 : i32
      %lt3A_408 = vector.broadcast %lt3A_407 : i32 to vector<16xi32>
      %lt3A_409 = arith.cmpi slt, %add3A_406, %lt3A_408 : vector<16xi32>
      %get3A_410 = arith.index_cast %mul3A_380 : i32 to index
      %get3A_411 = tpu.vector_load %arg14[%get3A_410] {strides = array<i32>} : memref<3200xf32, #tpu.memory_space<vmem>>, vector<16xf32>,
      %mul3A_412 = arith.mulf %get3A_411, %add3A_404 : vector<16xf32>
      %jit3A_413 = arith.constant 0.000000e+00 : f32
      %broadcast_in_dim3A_414 = vector.broadcast %jit3A_413 : f32 to vector<16xf32>
      %select_n3A_415 = arith.select %lt3A_409, %mul3A_412, %broadcast_in_dim3A_414 : vector<16xi1>, vector<16xf32>
      %swap3A_416 = arith.index_cast %mul3A_380 : i32 to index
      %swap3A_417 = tpu.vector_load %arg19[%swap3A_416] {strides = array<i32>} : memref<3200xf32, #tpu.memory_space<vmem>>, vector<16xf32>,
      tpu.vector_store %arg19[%swap3A_416], %select_n3A_415 {strides = array<i32>} : memref<3200xf32, #tpu.memory_space<vmem>>, vector<16xf32>,
      %mul3A_418 = arith.constant 128 : i32
      %mul3A_419 = arith.muli %scan3A_79, %mul3A_418 : i32
      %dma_start3A = tpu.memref_slice %arg19[%mul3A_419] : memref<3200xf32, #tpu.memory_space<vmem>> -> memref<128xf32, #tpu.memory_space<vmem>>
      %dma_start3A_420 = arith.constant 0 : i32
      %dma_start3A_421 = tpu.memref_slice %arg15[%scan3A_79, %dma_start3A_420] : memref<25x128xi32, #tpu.memory_space<vmem>> -> memref<1x128xi32, #tpu.memory_space<vmem>>
      %dma_start3A_422 = tpu.memref_squeeze %dma_start3A_421 : memref<1x128xi32, #tpu.memory_space<vmem>> -> memref<128xi32, #tpu.memory_space<vmem>>
      %dma_start3A_423 = arith.constant 0 : i32
      %dma_start3A_424 = tpu.memref_slice %arg21[%dma_start3A_423] : memref<4096xf32, #tpu.memory_space<vmem_shared>> -> memref<4096xf32, #tpu.memory_space<vmem_shared>>
      tpu.enqueue_indirect_dma source(%dma_start3A : memref<128xf32, #tpu.memory_space<vmem>>) target(%dma_start3A_424 : memref<4096xf32, #tpu.memory_space<vmem_shared>>) offsets(%dma_start3A_422 : memref<128xi32, #tpu.memory_space<vmem>>) semaphore(%arg22 : memref<!tpu.dma_semaphore, #tpu.memory_space<semaphore_mem>>) {add = true}
    }
    %scan3A_71 = arith.constant 25 : i32
    %scan3A_72 = arith.constant 0 : i32
    %scan3A_73 = arith.constant 0 : i32
    %scan3A_74 = arith.constant 25 : i32
    %scan3A_75 = arith.addi %scan3A_73, %scan3A_74 : i32
    %scan3A_76 = arith.constant 1 : i32
    scf.for %scan3A_79 = %scan3A_73 to %scan3A_75 step %scan3A_76  : i32 {
      %mul3A_80 = arith.constant 128 : i32
      %mul3A_81 = arith.muli %scan3A_79, %mul3A_80 : i32
      %dma_wait3A = tpu.memref_slice %arg19[%mul3A_81] : memref<3200xf32, #tpu.memory_space<vmem>> -> memref<128xf32, #tpu.memory_space<vmem>>
      %dma_wait3A_82 = arith.constant 0 : i32
      %dma_wait3A_83 = tpu.memref_slice %arg15[%scan3A_79, %dma_wait3A_82] : memref<25x128xi32, #tpu.memory_space<vmem>> -> memref<1x128xi32, #tpu.memory_space<vmem>>
      %dma_wait3A_84 = tpu.memref_squeeze %dma_wait3A_83 : memref<1x128xi32, #tpu.memory_space<vmem>> -> memref<128xi32, #tpu.memory_space<vmem>>
      %dma_wait3A_85 = arith.constant 0 : i32
      %dma_wait3A_86 = tpu.memref_slice %arg21[%dma_wait3A_85] : memref<4096xf32, #tpu.memory_space<vmem_shared>> -> memref<4096xf32, #tpu.memory_space<vmem_shared>>
      tpu.wait_indirect_dma semaphore(%arg22 : memref<!tpu.dma_semaphore, #tpu.memory_space<semaphore_mem>>) src(%dma_wait3A : memref<128xf32, #tpu.memory_space<vmem>>) dst(%dma_wait3A_86 : memref<4096xf32, #tpu.memory_space<vmem_shared>>)
    }
    %scan3A_77 = arith.constant 25 : i32
    %barrier3A_78 = arith.constant 0 : index
    tpu.barrier barrier_id(%barrier3A_78)
    "tpu.region"() ({
      %run_scoped3A = tpu.sem_alloc : memref<!tpu.dma_semaphore, #tpu.memory_space<semaphore_mem>>
      %dma_start3A = tpu.memref_slice %arg10[%arg0, %mul3A_4] : memref<2x4096xf32, #tpu.memory_space<hbm>> -> memref<1x256xf32, #tpu.memory_space<hbm>>
      %dma_start3A_79 = tpu.memref_squeeze %dma_start3A : memref<1x256xf32, #tpu.memory_space<hbm>> -> memref<256xf32, #tpu.memory_space<hbm>>
      %dma_start3A_80 = tpu.memref_slice %arg21[%mul3A_4] : memref<4096xf32, #tpu.memory_space<vmem_shared>> -> memref<256xf32, #tpu.memory_space<vmem_shared>>
      tpu.enqueue_dma source(%dma_start3A_80 : memref<256xf32, #tpu.memory_space<vmem_shared>>) target(%dma_start3A_79 : memref<256xf32, #tpu.memory_space<hbm>>) target_semaphore(%run_scoped3A : memref<!tpu.dma_semaphore, #tpu.memory_space<semaphore_mem>>)
      %dma_wait3A = tpu.memref_slice %arg10[%arg0, %mul3A_4] : memref<2x4096xf32, #tpu.memory_space<hbm>> -> memref<1x256xf32, #tpu.memory_space<hbm>>
      %dma_wait3A_81 = tpu.memref_squeeze %dma_wait3A : memref<1x256xf32, #tpu.memory_space<hbm>> -> memref<256xf32, #tpu.memory_space<hbm>>
      %dma_wait3A_82 = tpu.memref_slice %arg21[%mul3A_4] : memref<4096xf32, #tpu.memory_space<vmem_shared>> -> memref<256xf32, #tpu.memory_space<vmem_shared>>
      tpu.wait_dma2 semaphore(%run_scoped3A : memref<!tpu.dma_semaphore, #tpu.memory_space<semaphore_mem>>) src(%dma_wait3A_82 : memref<256xf32, #tpu.memory_space<vmem_shared>>) dst(%dma_wait3A_81 : memref<256xf32, #tpu.memory_space<hbm>>)
      tpu.yield
    }) : () -> ()
    return
  }
}

module attributes {stable_mosaic.version = 14 : i64} {
  func.func @_mlp_body(%arg0: i32, %arg1: memref<6400x128xf32, #tpu.memory_space<vmem>>, %arg2: memref<128x64xf32, #tpu.memory_space<vmem>>, %arg3: memref<64xf32, #tpu.memory_space<vmem>>, %arg4: memref<1x64xf32, #tpu.memory_space<vmem>>, %arg5: memref<1xf32, #tpu.memory_space<vmem>>, %arg6: memref<1x1x6400xf32, #tpu.memory_space<vmem>>) attributes {dimension_semantics = [#tpu.dimension_semantics<arbitrary>], iteration_bounds = array<i64: 16>, scalar_prefetch = 0 : i64, scratch_operands = 0 : i64, tpu.core_type = #tpu.core_type<tc>, window_params = [{transform_indices = @transform_0, window_bounds = array<i64: 6400, 128>}, {pipeline_mode = #tpu.pipeline_mode<synchronous>, transform_indices = @transform_1, window_bounds = array<i64: 128, 64>}, {pipeline_mode = #tpu.pipeline_mode<synchronous>, transform_indices = @transform_2, window_bounds = array<i64: 64>}, {pipeline_mode = #tpu.pipeline_mode<synchronous>, transform_indices = @transform_3, window_bounds = array<i64: 1, 64>}, {pipeline_mode = #tpu.pipeline_mode<synchronous>, transform_indices = @transform_4, window_bounds = array<i64: 1>}, {transform_indices = @transform_5, window_bounds = array<i64: 1, 1, 6400>}]} {
    %get3A = arith.constant 0 : index
    %get3A_0 = arith.constant 0 : index
    %get3A_1 = vector.load %arg1[%get3A, %get3A_0] : memref<6400x128xf32, #tpu.memory_space<vmem>>, vector<6400x128xf32>
    %get3A_2 = arith.constant 0 : index
    %get3A_3 = arith.constant 0 : index
    %get3A_4 = vector.load %arg2[%get3A_2, %get3A_3] : memref<128x64xf32, #tpu.memory_space<vmem>>, vector<128x64xf32>
    %dot_general3A = arith.constant dense<0.000000e+00> : vector<6400x64xf32>
    %dot_general3A_5 = tpu.matmul %get3A_1, %get3A_4, %dot_general3A {dimension_numbers = #tpu.dot_dimension_numbers<[1], [0], [0], [1], [0, 0, 1, 1], [], []>, transpose_lhs_hint = false} : vector<6400x128xf32>, vector<128x64xf32>, vector<6400x64xf32> -> vector<6400x64xf32>
    %get3A_6 = arith.constant 0 : index
    %get3A_7 = vector.load %arg3[%get3A_6] : memref<64xf32, #tpu.memory_space<vmem>>, vector<64xf32>
    %broadcast_in_dim3A = vector.shape_cast %get3A_7 : vector<64xf32> to vector<1x64xf32>
    %add3A = vector.broadcast %broadcast_in_dim3A : vector<1x64xf32> to vector<6400x64xf32>
    %add3A_8 = arith.addf %dot_general3A_5, %add3A : vector<6400x64xf32>
    %logistic3A = arith.negf %add3A_8 : vector<6400x64xf32>
    %logistic3A_9 = math.exp %logistic3A : vector<6400x64xf32>
    %logistic3A_10 = arith.constant 1.000000e+00 : f32
    %logistic3A_11 = vector.broadcast %logistic3A_10 : f32 to vector<6400x64xf32>
    %logistic3A_12 = arith.addf %logistic3A_11, %logistic3A_9 : vector<6400x64xf32>
    %logistic3A_13 = arith.divf %logistic3A_11, %logistic3A_12 : vector<6400x64xf32>
    %mul3A = arith.mulf %add3A_8, %logistic3A_13 : vector<6400x64xf32>
    %get3A_14 = arith.constant 0 : index
    %get3A_15 = arith.constant 0 : index
    %get3A_16 = vector.load %arg4[%get3A_14, %get3A_15] : memref<1x64xf32, #tpu.memory_space<vmem>>, vector<1x64xf32>
    %dot_general3A_17 = arith.constant dense<0.000000e+00> : vector<1x6400xf32>
    %dot_general3A_18 = tpu.matmul %get3A_16, %mul3A, %dot_general3A_17 {dimension_numbers = #tpu.dot_dimension_numbers<[1], [1], [0], [0], [0, 0, 1, 0], [], []>, transpose_lhs_hint = false} : vector<1x64xf32>, vector<6400x64xf32>, vector<1x6400xf32> -> vector<1x6400xf32>
    %get3A_19 = arith.constant 0 : index
    %get3A_20 = vector.load %arg5[%get3A_19] : memref<1xf32, #tpu.memory_space<vmem>>, vector<1xf32>
    %broadcast_in_dim3A_21 = vector.shape_cast %get3A_20 : vector<1xf32> to vector<1x1xf32>
    %add3A_22 = vector.broadcast %broadcast_in_dim3A_21 : vector<1x1xf32> to vector<1x6400xf32>
    %add3A_23 = arith.addf %dot_general3A_18, %add3A_22 : vector<1x6400xf32>
    %broadcast_in_dim3A_24 = vector.shape_cast %add3A_23 : vector<1x6400xf32> to vector<1x1x6400xf32>
    %swap3A = arith.constant 0 : index
    %swap3A_25 = arith.constant 0 : index
    %swap3A_26 = arith.constant 0 : index
    %swap3A_27 = vector.load %arg6[%swap3A, %swap3A_25, %swap3A_26] : memref<1x1x6400xf32, #tpu.memory_space<vmem>>, vector<1x1x6400xf32>
    tpu.vector_store %arg6[%swap3A, %swap3A_25, %swap3A_26], %broadcast_in_dim3A_24 {strides = array<i32>} : memref<1x1x6400xf32, #tpu.memory_space<vmem>>, vector<1x1x6400xf32>,
    return
  }
  func.func @transform_0(%arg0: i32) -> (i32, i32) {
    %c0_i32 = arith.constant 0 : i32
    %c0_i32_0 = arith.constant 0 : i32
    return %arg0, %c0_i32 : i32, i32
  }
  func.func @transform_1(%arg0: i32) -> (i32, i32) {
    %c0_i32 = arith.constant 0 : i32
    %c0_i32_0 = arith.constant 0 : i32
    %c0_i32_1 = arith.constant 0 : i32
    return %c0_i32, %c0_i32_0 : i32, i32
  }
  func.func @transform_2(%arg0: i32) -> i32 {
    %c0_i32 = arith.constant 0 : i32
    %c0_i32_0 = arith.constant 0 : i32
    return %c0_i32 : i32
  }
  func.func @transform_3(%arg0: i32) -> (i32, i32) {
    %c0_i32 = arith.constant 0 : i32
    %c0_i32_0 = arith.constant 0 : i32
    %c0_i32_1 = arith.constant 0 : i32
    return %c0_i32, %c0_i32_0 : i32, i32
  }
  func.func @transform_4(%arg0: i32) -> i32 {
    %c0_i32 = arith.constant 0 : i32
    %c0_i32_0 = arith.constant 0 : i32
    return %c0_i32 : i32
  }
  func.func @transform_5(%arg0: i32) -> (i32, i32, i32) {
    %c0_i32 = arith.constant 0 : i32
    %c0_i32_0 = arith.constant 0 : i32
    %c0_i32_1 = arith.constant 0 : i32
    return %arg0, %c0_i32, %c0_i32_0 : i32, i32, i32
  }
}

</mosaic_0001>

<sc_bundles>
// kernel: kernel.5.cloned.1.call-start
scs
__scs_entry_jumppad:
0x0: {  	(pc) =	sbr.rel $0x88, $3  }
0x1: {  	(tag) =	ssettag $0x0;
	lr =	simm.s32 $0x1  }
0x2: {  	[smem:$0x3F98] =	sst lr;
	_ =	strace $0xD0000000  }
0x3: {  	_ = 	snop  }
0x4: {  	_ = 	snop  }
0x5: {  	_ = 	snop  }
0x6: {  	_ = 	snop  }
0x7: {  	_ = 	snop  }
__scs_overlays_trampoline_lowered:
0x8: {  	[smem:$0x3FA7] =	sst s0  }
0x9: {  	[smem:$0x3FA8] =	sst s1  }
0xa: {  	[smem:$0x3FA9] =	sst s2  }
0xb: {  	[smem:$0x3FAA] =	sst s3  }
0xc: {  	[smem:$0x3FAB] =	sst s4  }
0xd: {  	[smem:$0x3FAC] =	sst s5  }
0xe: {  	[smem:$0x3FAD] =	sst s6  }
0xf: {  	[smem:$0x3FAE] =	sst s7  }
0x10: {  	[smem:$0x3FAF] =	sst s8  }
0x11: {  	[smem:$0x3FB0] =	sst s9;
	s0 =	simm.s32 @!p0 $0x0  }
0x12: {  	s1 =	sld [smem:$0x3F96];
	s0 =	simm.s32 @p0 $0x1  }
0x13: {  	[smem:$0x3FB1] =	sst s0;
	s0 =	simm.s32 @!p1 $0x0  }
0x14: {  	s2 =	sld [smem:$0x3F95];
	s0 =	simm.s32 @p1 $0x1  }
0x15: {  	[smem:$0x3FB2] =	sst s0;
	s0 =	simm.s32 @!p2 $0x0  }
0x16: {  	s3 =	sld [smem:$0x3FDB];
	s0 =	simm.s32 @p2 $0x1  }
0x17: {  	s4 =	simm.s32 $0x1BF5;
	[smem:$0x3FB4] =	sst s0  }
0x18: {  	s0 =	sld [smem:$0x3F97];
	_ =	swait.ge [sflag:s4], $0x0  }
0x19: {  	s7 =	sld [smem:$0x3F98]  }
0x1a: {  	s8 =	sadd.s32 $0xFFFFE003, lr  }
0x1b: {  	s9 =	sadd.s32 $0xFFFFFEF7, lr;
	s5 =	simm.s32 $0xFFFFFFFF;
	p2 =	slt.u32 s8, $0xFFFFF086  }
0x1c: {  	p1 =	slt.u32 s9, $0xF7A;
	s5 =	simm.s32 @!p2 $0x0  }
0x1d: {  	s5 =	simm.s32 @p1 $0x1;
	p0 =	seq.s32 s7, s2  }
0x1e: {  	s7 =	smul.u32 @!p0 $0xF7A, s2;
	p2 =	seq.s32 @!p0 s5, $0x0  }
0x1f: {  	s9 =	smul.u32 $0xF7A, s1;
	s8 =	simm.s32 @!p0 $0x1BF5;
	p2 =	por !p2, p0  }
0x20: {  	[sflag:s8] =	ssyncset.s32 @!p0 $0xFFFFF086;
	s6 =	sadd.s32 @!p0 s3, s7;
	s7 =	simm.s32 @!p0 $0x108  }
0x21: {  	s3 =	sadd.s32 s3, s9;
	s6 =	sadd.s32 @!p0 $0x88, s6;
	s7 =	simm.s32 @p2 $0x1082  }
0x22: {  	[simem:s7], [sflag:s8] =	dma.local @!p0 [hbm:s6], $0xF7A  }
0x23: {  	s9 =	sor.u32 $0xD0000000, s2;
	s6 =	simm.s32 $0x108;
	_ =	swait.ge @!p0 [sflag:s8], $0x0  }
0x24: {  	s3 =	sadd.s32 $0x88, s3;
	s6 =	simm.s32 @!p1 $0x1082;
	[sflag:s4] =	ssyncset.s32 $0xFFFFF086  }
0x25: {  	[simem:s6], [sflag:s4] =	dma.local [hbm:s3], $0xF7A  }
0x26: {  	[smem:$0x3F98] =	sst s1;
	(tag) =	ssettag s2;
	_ =	strace s9  }
0x27: {  	s1 =	sld [smem:$0x3FA8]  }
0x28: {  	s2 =	sld [smem:$0x3FA9]  }
0x29: {  	s4 =	sld [smem:$0x3FAB]  }
0x2a: {  	p0 =	seq.s32 s5, $0x0;
	s5 =	sld [smem:$0x3FAC]  }
0x2b: {  	s6 =	sld [smem:$0x3FAD]  }
0x2c: {  	s7 =	sld [smem:$0x3FAE]  }
0x2d: {  	s3 =	simm.s32 $0x108;
	s8 =	sld [smem:$0x3FAF]  }
0x2e: {  	s3 =	simm.s32 @!p0 $0x1082;
	s9 =	sld [smem:$0x3FB0]  }
0x2f: {  	lr =	sadd.s32 s0, s3;
	s0 =	sld [smem:$0x3FA7]  }
0x30: {  	s3 =	sld [smem:$0x3FAA]  }
0x31: {  	[smem:$0x3FB3] =	sst s10  }
0x32: {  	s10 =	sld [smem:$0x3FB1];
	_ =	sdelay $0x3  }
0x33: {  	p0 =	seq.s32 s10, $0x1;
	s10 =	sld [smem:$0x3FB3];
	_ =	sdelay $0x3  }
0x34: {  	[smem:$0x3FB3] =	sst s10  }
0x35: {  	s10 =	sld [smem:$0x3FB2];
	_ =	sdelay $0x3  }
0x36: {  	p1 =	seq.s32 s10, $0x1;
	s10 =	sld [smem:$0x3FB3];
	_ =	sdelay $0x3  }
0x37: {  	[smem:$0x3FB3] =	sst s10  }
0x38: {  	s10 =	sld [smem:$0x3FB4]  }
0x39: {  	_ = 	snop;
	(pc) =	sbr.ind lr, $3  }
0x3a: {  	_ = 	snop  }
0x3b: {  	_ = 	snop  }
0x3c: {  	p2 =	seq.s32 s10, $0x1;
	s10 =	sld [smem:$0x3FB3]  }
0x3d: {  	_ =	shalt  }
0x3e: {  	_ =	shalt  }
0x3f: {  	_ =	shalt  }
0x40: {  	_ =	shalt  }
0x41: {  	_ =	shalt  }
0x42: {  	_ =	shalt  }
0x43: {  	_ =	shalt  }
0x44: {  	_ =	shalt  }
0x45: {  	_ =	shalt  }
0x46: {  	_ =	shalt  }
0x47: {  	_ =	shalt  }
0x48: {  	_ =	shalt  }
0x49: {  	_ =	shalt  }
0x4a: {  	_ =	shalt  }
0x4b: {  	_ =	shalt  }
0x4c: {  	_ =	shalt  }
0x4d: {  	_ =	shalt  }
0x4e: {  	_ =	shalt  }
0x4f: {  	_ =	shalt  }
0x50: {  	_ =	shalt  }
0x51: {  	_ =	shalt  }
0x52: {  	_ =	shalt  }
0x53: {  	_ =	shalt  }
0x54: {  	_ =	shalt  }
0x55: {  	_ =	shalt  }
0x56: {  	_ =	shalt  }
0x57: {  	_ =	shalt  }
0x58: {  	_ =	shalt  }
0x59: {  	_ =	shalt  }
0x5a: {  	_ =	shalt  }
0x5b: {  	_ =	shalt  }
0x5c: {  	_ =	shalt  }
0x5d: {  	_ =	shalt  }
0x5e: {  	_ =	shalt  }
0x5f: {  	_ =	shalt  }
0x60: {  	_ =	shalt  }
0x61: {  	_ =	shalt  }
0x62: {  	_ =	shalt  }
0x63: {  	_ =	shalt  }
0x64: {  	_ =	shalt  }
0x65: {  	_ =	shalt  }
0x66: {  	_ =	shalt  }
0x67: {  	_ =	shalt  }
0x68: {  	_ =	shalt  }
0x69: {  	_ =	shalt  }
0x6a: {  	_ =	shalt  }
0x6b: {  	_ =	shalt  }
0x6c: {  	_ =	shalt  }
0x6d: {  	_ =	shalt  }
0x6e: {  	_ =	shalt  }
0x6f: {  	_ =	shalt  }
0x70: {  	_ =	shalt  }
0x71: {  	_ =	shalt  }
0x72: {  	_ =	shalt  }
0x73: {  	_ =	shalt  }
0x74: {  	_ =	shalt  }
0x75: {  	_ =	shalt  }
0x76: {  	_ =	shalt  }
0x77: {  	_ =	shalt  }
0x78: {  	_ =	shalt  }
0x79: {  	_ =	shalt  }
0x7a: {  	_ =	shalt  }
0x7b: {  	_ =	shalt  }
0x7c: {  	_ =	shalt  }
0x7d: {  	_ =	shalt  }
0x7e: {  	_ =	shalt  }
0x7f: {  	_ =	shalt  }
0x80: {  	_ =	shalt  }
0x81: {  	_ =	shalt  }
0x82: {  	_ =	shalt  }
0x83: {  	_ =	shalt  }
0x84: {  	_ =	shalt  }
0x85: {  	_ =	shalt  }
0x86: {  	_ =	shalt  }
0x87: {  	_ =	shalt  }
.Lfunc_end0:
.L_simem_size_0:
called_computation_lowered:
.L_overlay_start_0:
0x88: {  	s0 =	sld [smem:$0x3FD9]  }
0x89: {  	s1 =	sld [smem:$0x3FFE];
	_ =	sdelay $0x3  }
0x8a: {  	s0 =	sadd.s32 s1, s0  }
0x8b: {  	[smem:$0x3FBF] =	sst s0  }
0x8c: {  	_ = 	snop  }
0x8d: {  	s0 =	sld [smem:$0x3FD0];
	(tm) =	ssettm $0x1  }
0x8e: {  	s16 =	sld [smem:$0x3FFB];
	_ =	sdelay $0x3  }
0x8f: {  	_ =	strace s16  }
0x90: {  	s1 =	sld [smem:$0x3FFC];
	_ =	sdelay $0x3  }
0x91: {  	_ =	strace s1  }
0x92: {  	s1 =	sld [smem:$0x3FFD];
	_ =	sdelay $0x3  }
0x93: {  	_ =	strace s1  }
0x94: {  	_ =	strace $0x8FFFFFFF  }
0x95: {  	s17 =	sld [smem:$0x3FDB];
	_ =	sdelay $0x1  }
0x96: {  	s2 =	simm.s32 $_scs_section_size  }
0x97: {  	s3 =	simm.s32 $_size__tile_overlayer_lowered;
	s4 =	simm.s32 $_tile_overlayer_lowered  }
0x98: {  	s20 =	simm.s32 $0x1BFF;
	s19 =	sshll.u32 s4, $0x1;
	s1 =	sadd.s32 s2, s17  }
0x99: {  	s5 =	simm.s32 $0x0;
	s18 =	sshll.u32 s3, $0x1;
	s3 =	sadd.s32 s19, s1  }
0x9a: {  	[timem:s5], [sflag:s20] =	dma.local [hbm:s3], s18  }
0x9b: {  	_ =	swait.ge [sflag:s20], s18  }
0x9c: {  	s2 =	ssub.s32 $0x0, s18;
	[sflag:s20] =	ssyncset.done $0x0  }
0x9d: {  	[sflag:s20] =	ssyncadd.s32 s2;
	_ =	sdelay $0x1  }
0x9e: {  	s21 =	simm.s32 $0x1B8B  }
0x9f: {  	_ =	swait.ge [sflag:s21], $0x1  }
0xa0: {  	[sflag:s21] =	ssyncset.done $0x0  }
0xa1: {  	s23 =	simm.s32 $0x1B8E;
	s22 =	sld [smem:$0x3FFE];
	[sflag:s21] =	ssyncadd.s32 $0xFFFFFFFF  }
0xa2: {  	s24 =	simm.s32 $execute0_lowered;
	[smem:$0x3FD2] =	sst s23  }
0xa3: {  	s3 =	sshll.u32 s24, $0x1;
	_ =	strace $0x80000046;
	[dreg:$0x1] =	wrdreg $0xFFFFFFFF  }
0xa4: {  	s25 =	simm.s32 $_size_execute0_lowered;
	s1 =	sadd.s32 s1, s3;
	[dreg:$0x0] =	wrdreg $0x0  }
0xa5: {  	s3 =	sshll.u32 s25, $0x1;
	[dreg:$0x2] =	wrdreg s1  }
0xa6: {  	[dreg:$0x3] =	wrdreg s3  }
0xa7: {  	[dreg:$0x4] =	wrdreg $0xC0  }
0xa8: {  	_ =	task [dreg:s5], $0x5FFFF  }
0xa9: {  	[dreg:$0x1] =	wrdreg $0xFFFFFFFF  }
0xaa: {  	[dreg:$0x0] =	wrdreg $0x60  }
0xab: {  	[dreg:$0x2] =	wrdreg s22  }
0xac: {  	[dreg:$0x3] =	wrdreg s0  }
0xad: {  	[dreg:$0x4] =	wrdreg $0x9A800  }
0xae: {  	[dreg:$0x5] =	wrdreg $0x9B800  }
0xaf: {  	[dreg:$0x6] =	wrdreg $0x9C800  }
0xb0: {  	[dreg:$0x7] =	wrdreg $0x9D800  }
0xb1: {  	[dreg:$0x8] =	wrdreg $0x9  }
0xb2: {  	_ =	task.clear_ibuf [dreg:s5], $0x9FFFF;
	_ =	strace $0x90000046  }
0xb3: {  	s26 =	simm.s32 $0x9;
	_ =	strace $0x80000048  }
0xb4: {  	_ =	swait.ge [sflag:s26], $0x1  }
0xb5: {  	[sflag:s26] =	ssyncadd.s32 $0xFFFFFFFF  }
0xb6: {  	_ =	strace $0x90000048  }
0xb7: {  	_ =	sfence  }
0xb8: {  	s28 =	sld [smem:$0x0];
	_ =	sdelay $0x1  }
0xb9: {  	s29 =	srdreg.scid  }
0xba: {  	s30 =	sshll.u32 s29, $0xD;
	s31 =	sshrl.u32 s29, $0x2  }
0xbb: {  	s2 =	sand.u32 $0x4000, s30;
	s1 =	sand.u32 $0x1, s29;
	s0 =	sadd.s32 s31, s28  }
0xbc: {  	s1 =	sor.u32 s2, s1;
	s0 =	sshll.u32 s0, $0x11  }
0xbd: {  	s0 =	sor.u32 s0, s1  }
0xbe: {  	s0 =	sadd.s32 $0x8F2B, s0  }
0xbf: {  	[sflag:s0] =	ssyncadd.remote.s32 $0x1  }
0xc0: {  	_ =	sfence.sel $0xFFFF  }
0xc1: {  	[dreg:$0x0] =	wrdreg $0xFFFFFFFF;
	(pc) =	sbr.abs _section_cstart, $3  }
0xc2: {  	[dreg:$0x1] =	wrdreg $0xFFFFFFFF  }
0xc3: {  	_ =	task.clear_ibuf [dreg:s5], $0x2FFFF;
	_ =	strace $0x9FFFFFFF  }
0xc4: {  	(tm) =	ssettm $0x7FFFFFFF  }
0xc5: {  	_ =	shalt  }
tec
execute0_lowered:
.L_overlay_start_1:
0x0: {  	(tag) =	ssettag $0x1  }
0x1: {  	s11 =	rddreg [dreg:$0x0]  }
0x2: {  	s2 =	rddreg [dreg:$0x1]  }
0x3: {  	s6 =	rddreg [dreg:$0x2]  }
0x4: {  	s5 =	rddreg [dreg:$0x3]  }
0x5: {  	s3 =	rddreg [dreg:$0x4];
	s0 =	stileid.u32  }
0x6: {  	s4 =	rddreg [dreg:$0x5];
	s7 =	smul.u32 $0x320, s0  }
0x7: {  	s1 =	rddreg [dreg:$0x6];
	s8 =	simm.s32 $0x0  }
0x8: {  	[smem:$0x7FF] =	sst s8;
	s7 =	sadd.s32 s7, s11  }
0x9: {  	s12 =	simm.s32 $0x2;
	_ =	strace $0x80000047;
	s9 =	sadd.s32 $0xC00, s7  }
0xa: {  	[tilespmem:s8], [sflag:$0x2] =	stream.linear.gather [hbm4b:s9+s8], $0x1900, $0x38;
	[tilespmem:$0x9E80] =	vst v63  }
0xb: {  	_ =	swait.ge [sflag:s12], $0x1900  }
0xc: {  	[sflag:s12] =	ssyncset.done $0x0  }
0xd: {  	s10 =	simm.s32 $0x1900;
	s22 =	sadd.s32 $0x3E00, s7;
	[sflag:s12] =	ssyncadd.s32 $0xFFFFE700  }
0xe: {  	[tilespmem:s10], [sflag:$0x2] =	stream.linear.gather [hbm4b:s22+s8], $0x1900, $0x38;
	[tilespmem:$0x9E80] =	vst v63  }
0xf: {  	_ =	swait.ge [sflag:s12], $0x1900  }
0x10: {  	[sflag:s12] =	ssyncset.done $0x0  }
0x11: {  	s24 =	simm.s32 $0x3200;
	s23 =	sadd.s32 $0x7000, s7;
	[sflag:s12] =	ssyncadd.s32 $0xFFFFE700  }
0x12: {  	[tilespmem:s24], [sflag:$0x2] =	stream.linear.gather [hbm4b:s23+s8], $0x1900, $0x38;
	[tilespmem:$0x9E80] =	vst v63  }
0x13: {  	_ =	swait.ge [sflag:s12], $0x1900  }
0x14: {  	s26 =	simm.s32 $0x6400;
	[sflag:s12] =	ssyncset.done $0x0  }
0x15: {  	s25 =	smul.u32 $0x380, s0;
	s7 =	sadd.s32 $0xDC00, s7;
	[sflag:s12] =	ssyncadd.s32 $0xFFFFE700  }
0x16: {  	[tilespmem:s26], [sflag:$0x2] =	stream.linear.gather [hbm4b:s7+s8], $0x1900, $0x38;
	[tilespmem:$0x9E80] =	vst v63  }
0x17: {  	_ =	swait.ge [sflag:s12], $0x1900  }
0x18: {  	s28 =	sadd.s32 s25, s11;
	[sflag:s12] =	ssyncset.done $0x0  }
0x19: {  	s29 =	simm.s32 $0x7D00;
	s7 =	sadd.s32 $0xA200, s28;
	[sflag:s12] =	ssyncadd.s32 $0xFFFFE700  }
0x1a: {  	[tilespmem:s29], [sflag:$0x2] =	stream.linear.gather [hbm4b:s7+s8], $0x1900, $0x38;
	[tilespmem:$0x9E80] =	vst v63  }
0x1b: {  	_ =	swait.ge [sflag:s12], $0x1900  }
0x1c: {  	[sflag:s12] =	ssyncset.done $0x0  }
0x1d: {  	s13 =	simm.s32 $0x9900;
	s30 =	sadd.s32 $0xDA00, s11;
	[sflag:s12] =	ssyncadd.s32 $0xFFFFE700  }
0x1e: {  	[tilespmem:s13], [sflag:$0x2] =	stream.linear.gather [hbm4b:s30+s8], $0x80, $0x38;
	[tilespmem:$0x9E80] =	vst v63  }
0x1f: {  	_ =	swait.ge [sflag:s12], $0x80  }
0x20: {  	[sflag:s12] =	ssyncset.done $0x0  }
0x21: {  	v0 =	vimm.f32 $0.0e+00;
	[sflag:s12] =	ssyncadd.s32 $0xFFFFFF80  }
0x22: {  	[tilespmem:$0x9980] =	vst v0  }
0x23: {  	[tilespmem:$0x9990] =	vst v0  }
0x24: {  	[tilespmem:$0x99A0] =	vst v0  }
0x25: {  	[tilespmem:$0x99B0] =	vst v0  }
0x26: {  	[tilespmem:$0x99C0] =	vst v0  }
0x27: {  	[tilespmem:$0x99D0] =	vst v0  }
0x28: {  	[tilespmem:$0x99E0] =	vst v0  }
0x29: {  	[tilespmem:$0x99F0] =	vst v0  }
0x2a: {  	[tilespmem:$0x9A00] =	vst v0  }
0x2b: {  	[tilespmem:$0x9A10] =	vst v0  }
0x2c: {  	[tilespmem:$0x9A20] =	vst v0  }
0x2d: {  	[tilespmem:$0x9A30] =	vst v0  }
0x2e: {  	[tilespmem:$0x9A40] =	vst v0  }
0x2f: {  	[tilespmem:$0x9A50] =	vst v0  }
0x30: {  	s31 =	sshll.u32 s0, $0x8;
	[tilespmem:$0x9A60] =	vst v0  }
0x31: {  	s14 =	simm.s32 $0x9980;
	s7 =	sadd.s32 s31, s6;
	[tilespmem:$0x9A70] =	vst v0  }
0x32: {  	[spmem:s7] =	stream.linear.scatter [tilespmem:s14], [sflag:$0x2], $0x100, $0x38;
	[tilespmem:$0x9E80] =	vst v63  }
0x33: {  	_ =	swait.ge [sflag:s12], $0x100  }
0x34: {  	[sflag:s12] =	ssyncset.done $0x0  }
0x35: {  	s8 =	sadd.s32 s31, s5;
	[sflag:s12] =	ssyncadd.s32 $0xFFFFFF00  }
0x36: {  	[spmem:s8] =	stream.linear.scatter [tilespmem:s14], [sflag:$0x2], $0x100, $0x38;
	[tilespmem:$0x9E80] =	vst v63  }
0x37: {  	_ =	swait.ge [sflag:s12], $0x100  }
0x38: {  	[sflag:s12] =	ssyncset.done $0x0  }
0x39: {  	s9 =	sadd.s32 s31, s3;
	[sflag:s12] =	ssyncadd.s32 $0xFFFFFF00  }
0x3a: {  	[spmem:s9] =	stream.linear.scatter [tilespmem:s14], [sflag:$0x2], $0x100, $0x38;
	[tilespmem:$0x9E80] =	vst v63  }
0x3b: {  	_ =	swait.ge [sflag:s12], $0x100  }
0x3c: {  	[sflag:s12] =	ssyncset.done $0x0  }
0x3d: {  	s10 =	sadd.s32 s31, s4;
	[sflag:s12] =	ssyncadd.s32 $0xFFFFFF00  }
0x3e: {  	[spmem:s10] =	stream.linear.scatter [tilespmem:s14], [sflag:$0x2], $0x100, $0x38;
	[tilespmem:$0x9E80] =	vst v63  }
0x3f: {  	_ =	swait.ge [sflag:s12], $0x100  }
0x40: {  	[sflag:s12] =	ssyncset.done $0x0  }
0x41: {  	[sflag:s12] =	ssyncadd.s32 $0xFFFFFF00  }
0x42: {  	s14 =	simm.s32 $0x0;
	[bflag:$0x0] =	sbarrier.arrive $0xFFFF  }
0x43: {  	v0 =	vld [tilespmem:s14+$0x6400];
	_ =	sdelay $0x5  }
0x44: {  	v2 =	vld [tilespmem:s14+$0x1900]  }
0x45: {  	v4 =	vld [tilespmem:s14+$0x0]  }
0x46: {  	v3 =	vld.idx.msk [tilespmem:v0+s13+$0x0], $0xffff  }
0x47: {  	v5 =	vld [tilespmem:s14+$0x3200]  }
0x48: {  	v6 =	vld [tilespmem:s14+$0x6410];
	_ =	sdelay $0x2  }
0x49: {  	v4 =	vmul.f32 v4, v3  }
0x4a: {  	[tilespmem:s14+$0x4B00] =	vst v3;
	v5 =	vmul.f32 v5, v3  }
0x4b: {  	v2 =	vmul.f32 v2, v3;
	[tilespmem:s14+$0x0] =	vst v4  }
0x4c: {  	v46 =	vld [tilespmem:s14+$0x1910];
	[tilespmem:s14+$0x3200] =	vst v5  }
0x4d: {  	v3 =	vld [tilespmem:s14+$0x10];
	[tilespmem:s14+$0x1900] =	vst v2  }
0x4e: {  	v2 =	vld.idx.msk [tilespmem:v6+s13+$0x0], $0xffff  }
0x4f: {  	v47 =	vld [tilespmem:s14+$0x3210]  }
0x50: {  	v48 =	vld [tilespmem:s14+$0x6420];
	_ =	sdelay $0x2  }
0x51: {  	v3 =	vmul.f32 v3, v2  }
0x52: {  	v4 =	vmul.f32 v46, v2;
	[tilespmem:s14+$0x4B10] =	vst v2  }
0x53: {  	v2 =	vmul.f32 v47, v2;
	[tilespmem:s14+$0x10] =	vst v3  }
0x54: {  	v49 =	vld [tilespmem:s14+$0x20];
	[tilespmem:s14+$0x1910] =	vst v4  }
0x55: {  	v50 =	vld [tilespmem:s14+$0x3220];
	[tilespmem:s14+$0x3210] =	vst v2  }
0x56: {  	v3 =	vld.idx.msk [tilespmem:v48+s13+$0x0], $0xffff  }
0x57: {  	v51 =	vld [tilespmem:s14+$0x6430]  }
0x58: {  	v2 =	vld [tilespmem:s14+$0x1920];
	_ =	sdelay $0x2  }
0x59: {  	v4 =	vmul.f32 v49, v3  }
0x5a: {  	[tilespmem:s14+$0x4B20] =	vst v3;
	v5 =	vmul.f32 v50, v3  }
0x5b: {  	v2 =	vmul.f32 v2, v3;
	[tilespmem:s14+$0x20] =	vst v4  }
0x5c: {  	v52 =	vld [tilespmem:s14+$0x1930];
	[tilespmem:s14+$0x3220] =	vst v5  }
0x5d: {  	v3 =	vld [tilespmem:s14+$0x30];
	[tilespmem:s14+$0x1920] =	vst v2  }
0x5e: {  	v2 =	vld.idx.msk [tilespmem:v51+s13+$0x0], $0xffff  }
0x5f: {  	v53 =	vld [tilespmem:s14+$0x3230]  }
0x60: {  	v54 =	vld [tilespmem:s14+$0x6440];
	_ =	sdelay $0x2  }
0x61: {  	v3 =	vmul.f32 v3, v2  }
0x62: {  	v4 =	vmul.f32 v52, v2;
	[tilespmem:s14+$0x4B30] =	vst v2  }
0x63: {  	v2 =	vmul.f32 v53, v2;
	[tilespmem:s14+$0x30] =	vst v3  }
0x64: {  	v55 =	vld [tilespmem:s14+$0x40];
	[tilespmem:s14+$0x1930] =	vst v4  }
0x65: {  	v56 =	vld [tilespmem:s14+$0x3240];
	[tilespmem:s14+$0x3230] =	vst v2  }
0x66: {  	v3 =	vld.idx.msk [tilespmem:v54+s13+$0x0], $0xffff  }
0x67: {  	v57 =	vld [tilespmem:s14+$0x6450]  }
0x68: {  	v2 =	vld [tilespmem:s14+$0x1940];
	_ =	sdelay $0x2  }
0x69: {  	v4 =	vmul.f32 v55, v3  }
0x6a: {  	[tilespmem:s14+$0x4B40] =	vst v3;
	v5 =	vmul.f32 v56, v3  }
0x6b: {  	v2 =	vmul.f32 v2, v3;
	[tilespmem:s14+$0x40] =	vst v4  }
0x6c: {  	v58 =	vld [tilespmem:s14+$0x1950];
	[tilespmem:s14+$0x3240] =	vst v5  }
0x6d: {  	v3 =	vld [tilespmem:s14+$0x50];
	[tilespmem:s14+$0x1940] =	vst v2  }
0x6e: {  	v2 =	vld.idx.msk [tilespmem:v57+s13+$0x0], $0xffff  }
0x6f: {  	v59 =	vld [tilespmem:s14+$0x3250]  }
0x70: {  	v60 =	vld [tilespmem:s14+$0x6460];
	_ =	sdelay $0x2  }
0x71: {  	v3 =	vmul.f32 v3, v2  }
0x72: {  	[tilespmem:s14+$0x4B50] =	vst v2;
	v4 =	vmul.f32 v58, v2  }
0x73: {  	v2 =	vmul.f32 v59, v2;
	[tilespmem:s14+$0x50] =	vst v3  }
0x74: {  	v61 =	vld [tilespmem:s14+$0x60];
	[tilespmem:s14+$0x1950] =	vst v4  }
0x75: {  	v62 =	vld [tilespmem:s14+$0x3260];
	[tilespmem:s14+$0x3250] =	vst v2  }
0x76: {  	v3 =	vld.idx.msk [tilespmem:v60+s13+$0x0], $0xffff  }
0x77: {  	v63 =	vld [tilespmem:s14+$0x6470]  }
0x78: {  	v2 =	vld [tilespmem:s14+$0x1960];
	_ =	sdelay $0x2  }
0x79: {  	v4 =	vmul.f32 v61, v3  }
0x7a: {  	[tilespmem:s14+$0x4B60] =	vst v3;
	v5 =	vmul.f32 v62, v3  }
0x7b: {  	v2 =	vmul.f32 v2, v3;
	[tilespmem:s14+$0x60] =	vst v4  }
0x7c: {  	v1 =	vld [tilespmem:s14+$0x70];
	[tilespmem:s14+$0x3260] =	vst v5  }
0x7d: {  	s15 =	simm.s32 $0x80;
	v0 =	vld [tilespmem:s14+$0x1970];
	[tilespmem:s14+$0x1960] =	vst v2  }
0x7e: {  	s16 =	simm.s32 $0x200;
	s12 =	sadd.s32 $0x10E00, s11;
	s11 =	sadd.s32 $0x11000, s11;
	v2 =	vld.idx.msk [tilespmem:v63+s13+$0x0], $0xffff  }
.LBB2_1:
0x7f: {  	p0 =	sne.s32 s16, $0x6200;
	s17 =	smov.u32 s16;
	s16 =	sadd.s32 $0x200, s16  }
0x80: {  	v3 =	vld [tilespmem:s14+$0x3270];
	_ =	sdelay $0x3  }
0x81: {  	v1 =	vmul.f32 v1, v2;
	v0 =	vmul.f32 v0, v2;
	[tilespmem:s14+$0x4B70] =	vst v2  }
0x82: {  	v2 =	vmul.f32 v3, v2  }
0x83: {  	[tilespmem:s14+$0x70] =	vst v1  }
0x84: {  	s18 =	sadd.s32 $0x7D00, s14;
	[tilespmem:s14+$0x3270] =	vst v2  }
0x85: {  	s19 =	sadd.s32 $0x1900, s14;
	[tilespmem:s14+$0x1970] =	vst v0  }
0x86: {  	[spmem:s6] =	stream.indirect.scatter.add.f32 [tilespmem:s14], [sflag:$0x1], $0x1, s18, s15, $0xb8;
	[tilespmem:$0x9E80] =	vst v63  }
0x87: {  	s20 =	sadd.s32 $0x3200, s14  }
0x88: {  	[spmem:s5] =	stream.indirect.scatter.add.f32 [tilespmem:s19], [sflag:$0x1], $0x1, s18, s15, $0xb8;
	[tilespmem:$0x9E80] =	vst v63  }
0x89: {  	s19 =	sadd.s32 $0x4B00, s14  }
0x8a: {  	[spmem:s3] =	stream.indirect.scatter.add.f32 [tilespmem:s20], [sflag:$0x1], $0x1, s18, s15, $0xb8;
	[tilespmem:$0x9E80] =	vst v63  }
0x8b: {  	s14 =	sshra.s32 s17, $0x2  }
0x8c: {  	[spmem:s4] =	stream.indirect.scatter.add.f32 [tilespmem:s19], [sflag:$0x1], $0x1, s18, s15, $0xb8;
	[tilespmem:$0x9E80] =	vst v63  }
0x8d: {  	v2 =	vld [tilespmem:s14+$0x6400]  }
0x8e: {  	v1 =	vld [tilespmem:s14+$0x70]  }
0x8f: {  	v0 =	vld [tilespmem:s14+$0x1970];
	_ =	sdelay $0x4  }
0x90: {  	v3 =	vld [tilespmem:s14+$0x1900]  }
0x91: {  	v2 =	vld.idx.msk [tilespmem:v2+s13+$0x0], $0xffff  }
0x92: {  	v4 =	vld [tilespmem:s14+$0x0]  }
0x93: {  	v5 =	vld [tilespmem:s14+$0x3200]  }
0x94: {  	v6 =	vld [tilespmem:s14+$0x6410];
	_ =	sdelay $0x2  }
0x95: {  	v3 =	vmul.f32 v3, v2;
	[tilespmem:s14+$0x4B00] =	vst v2;
	v4 =	vmul.f32 v4, v2  }
0x96: {  	v2 =	vmul.f32 v5, v2  }
0x97: {  	[tilespmem:s14+$0x0] =	vst v4  }
0x98: {  	[tilespmem:s14+$0x3200] =	vst v2  }
0x99: {  	[tilespmem:s14+$0x1900] =	vst v3;
	v2 =	vld [tilespmem:s14+$0x1910]  }
0x9a: {  	v3 =	vld.idx.msk [tilespmem:v6+s13+$0x0], $0xffff  }
0x9b: {  	v4 =	vld [tilespmem:s14+$0x10]  }
0x9c: {  	v5 =	vld [tilespmem:s14+$0x3210]  }
0x9d: {  	v6 =	vld [tilespmem:s14+$0x6420];
	_ =	sdelay $0x2  }
0x9e: {  	v2 =	vmul.f32 v2, v3;
	v4 =	vmul.f32 v4, v3  }
0x9f: {  	[tilespmem:s14+$0x4B10] =	vst v3;
	v3 =	vmul.f32 v5, v3  }
0xa0: {  	[tilespmem:s14+$0x10] =	vst v4  }
0xa1: {  	[tilespmem:s14+$0x1910] =	vst v2  }
0xa2: {  	[tilespmem:s14+$0x3210] =	vst v3;
	v2 =	vld [tilespmem:s14+$0x1920]  }
0xa3: {  	v3 =	vld.idx.msk [tilespmem:v6+s13+$0x0], $0xffff  }
0xa4: {  	v4 =	vld [tilespmem:s14+$0x20]  }
0xa5: {  	v5 =	vld [tilespmem:s14+$0x3220]  }
0xa6: {  	v6 =	vld [tilespmem:s14+$0x6430];
	_ =	sdelay $0x2  }
0xa7: {  	v2 =	vmul.f32 v2, v3;
	v4 =	vmul.f32 v4, v3  }
0xa8: {  	[tilespmem:s14+$0x4B20] =	vst v3;
	v3 =	vmul.f32 v5, v3  }
0xa9: {  	[tilespmem:s14+$0x20] =	vst v4  }
0xaa: {  	[tilespmem:s14+$0x3220] =	vst v3  }
0xab: {  	[tilespmem:s14+$0x1920] =	vst v2;
	v2 =	vld [tilespmem:s14+$0x1930]  }
0xac: {  	v3 =	vld.idx.msk [tilespmem:v6+s13+$0x0], $0xffff  }
0xad: {  	v4 =	vld [tilespmem:s14+$0x30]  }
0xae: {  	v5 =	vld [tilespmem:s14+$0x3230]  }
0xaf: {  	v6 =	vld [tilespmem:s14+$0x6440];
	_ =	sdelay $0x2  }
0xb0: {  	v2 =	vmul.f32 v2, v3;
	v4 =	vmul.f32 v4, v3  }
0xb1: {  	[tilespmem:s14+$0x4B30] =	vst v3;
	v3 =	vmul.f32 v5, v3  }
0xb2: {  	[tilespmem:s14+$0x30] =	vst v4  }
0xb3: {  	[tilespmem:s14+$0x1930] =	vst v2  }
0xb4: {  	[tilespmem:s14+$0x3230] =	vst v3;
	v2 =	vld [tilespmem:s14+$0x1940]  }
0xb5: {  	v3 =	vld.idx.msk [tilespmem:v6+s13+$0x0], $0xffff  }
0xb6: {  	v4 =	vld [tilespmem:s14+$0x40]  }
0xb7: {  	v5 =	vld [tilespmem:s14+$0x3240]  }
0xb8: {  	v6 =	vld [tilespmem:s14+$0x6450];
	_ =	sdelay $0x2  }
0xb9: {  	v2 =	vmul.f32 v2, v3;
	v4 =	vmul.f32 v4, v3  }
0xba: {  	[tilespmem:s14+$0x4B40] =	vst v3;
	v3 =	vmul.f32 v5, v3  }
0xbb: {  	[tilespmem:s14+$0x40] =	vst v4  }
0xbc: {  	[tilespmem:s14+$0x3240] =	vst v3  }
0xbd: {  	[tilespmem:s14+$0x1940] =	vst v2;
	v2 =	vld [tilespmem:s14+$0x1950]  }
0xbe: {  	v3 =	vld.idx.msk [tilespmem:v6+s13+$0x0], $0xffff  }
0xbf: {  	v4 =	vld [tilespmem:s14+$0x50]  }
0xc0: {  	v5 =	vld [tilespmem:s14+$0x3250]  }
0xc1: {  	v6 =	vld [tilespmem:s14+$0x6460];
	_ =	sdelay $0x2  }
0xc2: {  	v2 =	vmul.f32 v2, v3;
	[tilespmem:s14+$0x4B50] =	vst v3;
	v4 =	vmul.f32 v4, v3  }
0xc3: {  	v3 =	vmul.f32 v5, v3  }
0xc4: {  	[tilespmem:s14+$0x50] =	vst v4  }
0xc5: {  	[tilespmem:s14+$0x1950] =	vst v2  }
0xc6: {  	[tilespmem:s14+$0x3250] =	vst v3;
	v2 =	vld [tilespmem:s14+$0x1960]  }
0xc7: {  	v3 =	vld.idx.msk [tilespmem:v6+s13+$0x0], $0xffff  }
0xc8: {  	v4 =	vld [tilespmem:s14+$0x60]  }
0xc9: {  	v5 =	vld [tilespmem:s14+$0x3260]  }
0xca: {  	v6 =	vld [tilespmem:s14+$0x6470];
	_ =	sdelay $0x2  }
0xcb: {  	v2 =	vmul.f32 v2, v3;
	[tilespmem:s14+$0x4B60] =	vst v3;
	v4 =	vmul.f32 v4, v3  }
.Ltmp0:
0xcc: {  	v3 =	vmul.f32 v5, v3;
	(pc) =	sbr.rel @p0 .LBB2_1-.Ltmp0, $4  }
0xcd: {  	[tilespmem:s14+$0x60] =	vst v4  }
0xce: {  	[tilespmem:s14+$0x3260] =	vst v3  }
0xcf: {  	[tilespmem:s14+$0x1960] =	vst v2  }
0xd0: {  	v2 =	vld.idx.msk [tilespmem:v6+s13+$0x0], $0xffff  }
0xd1: {  	_ = 	snop  }
0xd2: {  	v3 =	vld [tilespmem:s14+$0x3270];
	_ =	sdelay $0x2  }
0xd3: {  	v1 =	vmul.f32 v1, v2  }
0xd4: {  	[tilespmem:s14+$0x4B70] =	vst v2;
	v0 =	vmul.f32 v0, v2  }
0xd5: {  	v3 =	vmul.f32 v3, v2;
	[tilespmem:s14+$0x70] =	vst v1  }
0xd6: {  	[tilespmem:s14+$0x1970] =	vst v0  }
0xd7: {  	s13 =	sadd.s32 $0x7D00, s14;
	[tilespmem:s14+$0x3270] =	vst v3  }
0xd8: {  	[spmem:s6] =	stream.indirect.scatter.add.f32 [tilespmem:s14], [sflag:$0x1], $0x1, s13, s15, $0xb8;
	[tilespmem:$0x9E80] =	vst v63  }
0xd9: {  	s29 =	sadd.s32 $0x1900, s14  }
0xda: {  	[spmem:s5] =	stream.indirect.scatter.add.f32 [tilespmem:s29], [sflag:$0x1], $0x1, s13, s15, $0xb8;
	[tilespmem:$0x9E80] =	vst v63  }
0xdb: {  	s30 =	sadd.s32 $0x3200, s14  }
0xdc: {  	[spmem:s3] =	stream.indirect.scatter.add.f32 [tilespmem:s30], [sflag:$0x1], $0x1, s13, s15, $0xb8;
	[tilespmem:$0x9E80] =	vst v63  }
0xdd: {  	s31 =	sadd.s32 $0x4B00, s14;
	s3 =	simm.s32 $0x1  }
0xde: {  	[spmem:s4] =	stream.indirect.scatter.add.f32 [tilespmem:s31], [sflag:$0x1], $0x1, s13, s15, $0xb8;
	[tilespmem:$0x9E80] =	vst v63  }
0xdf: {  	_ =	swait.ge [sflag:s3], $0x80  }
0xe0: {  	[sflag:s3] =	ssyncset.done $0x0  }
0xe1: {  	[sflag:s3] =	ssyncadd.s32 $0xFFFFFF80  }
0xe2: {  	_ =	swait.ge [sflag:s3], $0x80  }
0xe3: {  	[sflag:s3] =	ssyncset.done $0x0  }
0xe4: {  	[sflag:s3] =	ssyncadd.s32 $0xFFFFFF80  }
0xe5: {  	_ =	swait.ge [sflag:s3], $0x80  }
0xe6: {  	[sflag:s3] =	ssyncset.done $0x0  }
0xe7: {  	[sflag:s3] =	ssyncadd.s32 $0xFFFFFF80  }
0xe8: {  	_ =	swait.ge [sflag:s3], $0x80  }
0xe9: {  	s4 =	simm.s32 $0x31;
	[sflag:s3] =	ssyncset.done $0x0  }
.LBB2_3:
0xea: {  	p0 =	sne.s32 s4, $0x1;
	s4 =	sadd.s32 $0xFFFFFFFF, s4;
	[sflag:s3] =	ssyncadd.s32 $0xFFFFFF80  }
0xeb: {  	_ =	swait.ge [sflag:s3], $0x80  }
0xec: {  	[sflag:s3] =	ssyncset.done $0x0  }
0xed: {  	[sflag:s3] =	ssyncadd.s32 $0xFFFFFF80  }
0xee: {  	_ =	swait.ge [sflag:s3], $0x80  }
0xef: {  	[sflag:s3] =	ssyncset.done $0x0  }
0xf0: {  	[sflag:s3] =	ssyncadd.s32 $0xFFFFFF80  }
.Ltmp1:
0xf1: {  	_ =	swait.ge [sflag:s3], $0x80;
	(pc) =	sbr.rel @p0 .LBB2_3-.Ltmp1, $4  }
0xf2: {  	[sflag:s3] =	ssyncset.done $0x0  }
0xf3: {  	[sflag:s3] =	ssyncadd.s32 $0xFFFFFF80  }
0xf4: {  	_ =	swait.ge [sflag:s3], $0x80  }
0xf5: {  	[sflag:s3] =	ssyncset.done $0x0  }
0xf6: {  	[sflag:s3] =	ssyncadd.s32 $0xFFFFFF80  }
0xf7: {  	s28 =	simm.s32 $0x0;
	s29 =	simm.s32 $0x2;
	[bflag:$0x0] =	sbarrier.arrive $0xFFFF  }
0xf8: {  	[tilespmem:s28], [sflag:$0x2] =	stream.linear.gather [spmem:s7], $0x100, $0x38;
	[tilespmem:$0x9E80] =	vst v63  }
0xf9: {  	_ =	swait.ge [sflag:s29], $0x100  }
0xfa: {  	[sflag:s29] =	ssyncset.done $0x0  }
0xfb: {  	s4 =	simm.s32 $0x1900;
	[sflag:s29] =	ssyncadd.s32 $0xFFFFFF00  }
0xfc: {  	[tilespmem:s4], [sflag:$0x2] =	stream.linear.gather [spmem:s8], $0x100, $0x38;
	[tilespmem:$0x9E80] =	vst v63  }
0xfd: {  	_ =	swait.ge [sflag:s29], $0x100  }
0xfe: {  	[sflag:s29] =	ssyncset.done $0x0  }
0xff: {  	s30 =	simm.s32 $0x3200;
	[sflag:s29] =	ssyncadd.s32 $0xFFFFFF00  }
0x100: {  	[tilespmem:s30], [sflag:$0x2] =	stream.linear.gather [spmem:s9], $0x100, $0x38;
	[tilespmem:$0x9E80] =	vst v63  }
0x101: {  	_ =	swait.ge [sflag:s29], $0x100  }
0x102: {  	[sflag:s29] =	ssyncset.done $0x0  }
0x103: {  	s31 =	simm.s32 $0x4B00;
	[sflag:s29] =	ssyncadd.s32 $0xFFFFFF00  }
0x104: {  	[tilespmem:s31], [sflag:$0x2] =	stream.linear.gather [spmem:s10], $0x100, $0x38;
	[tilespmem:$0x9E80] =	vst v63  }
0x105: {  	_ =	swait.ge [sflag:s29], $0x100  }
0x106: {  	[sflag:s29] =	ssyncset.done $0x0  }
0x107: {  	s5 =	simm.s32 $0x0;
	[sflag:s29] =	ssyncadd.s32 $0xFFFFFF00  }
0x108: {  	v0 =	vld [tilespmem:s5+$0x4B00];
	_ =	sdelay $0x4  }
0x109: {  	(erf) = vrcp.f32 v0;
	_ =	sdelay $0x2  }
0x10a: {  	s3 =	simm.s32 $0x10  }
0x10b: {  	v0 =	vld [tilespmem:s3+$0x4B00];
	_ =	sdelay $0x1  }
0x10c: {  	v1 =	vld [tilespmem:s5+$0x0]  }
0x10d: {  	v2 =	vld [tilespmem:s5+$0x1900]  }
0x10e: {  	v3 =	vld [tilespmem:s5+$0x3200]  }
0x10f: {  	v4 =	vpop (erf);
	(erf) = vrcp.f32 v0;
	_ =	sdelay $0x1  }
0x110: {  	s4 =	simm.s32 $0x20;
	v5 =	vmul.f32 v4, v1  }
0x111: {  	v0 =	vld [tilespmem:s4+$0x4B00];
	v1 =	vmul.f32 v2, v4  }
0x112: {  	s6 =	simm.s32 $0xC0;
	v2 =	vmul.f32 v3, v4;
	[tilespmem:s5+$0x0] =	vst v5  }
.LBB2_5:
0x113: {  	p0 =	sne.s32 s6, $0x3C0;
	v3 =	vld [tilespmem:s3+$0x0];
	[tilespmem:s5+$0x1900] =	vst v1  }
0x114: {  	v1 =	vld [tilespmem:s3+$0x1900];
	[tilespmem:s5+$0x3200] =	vst v2;
	s5 =	smov.u32 s3;
	s3 =	smov.u32 s4  }
0x115: {  	v2 =	vld [tilespmem:s5+$0x3200]  }
.Ltmp2:
0x116: {  	(erf) = vrcp.f32 v0;
	(pc) =	sbr.rel @p0 .LBB2_5-.Ltmp2, $4  }
0x117: {  	v4 =	vpop (erf)  }
0x118: {  	s4 =	sshra.s32 s6, $0x2;
	v3 =	vmul.f32 v4, v3  }
0x119: {  	v0 =	vld [tilespmem:s4+$0x4B00];
	v1 =	vmul.f32 v1, v4  }
0x11a: {  	s6 =	sadd.s32 $0x40, s6;
	[tilespmem:s5+$0x0] =	vst v3;
	v2 =	vmul.f32 v2, v4  }
0x11b: {  	_ = 	snop  }
0x11c: {  	v3 =	vld [tilespmem:s3+$0x0];
	[tilespmem:s5+$0x1900] =	vst v1  }
0x11d: {  	v1 =	vld [tilespmem:s3+$0x1900];
	[tilespmem:s5+$0x3200] =	vst v2  }
0x11e: {  	v2 =	vld [tilespmem:s3+$0x3200]  }
0x11f: {  	v4 =	vpop (erf);
	(erf) = vrcp.f32 v0;
	_ =	sdelay $0x1  }
0x120: {  	v61 =	vmul.f32 v4, v3  }
0x121: {  	v1 =	vmul.f32 v1, v4  }
0x122: {  	[tilespmem:s3+$0x0] =	vst v61;
	v2 =	vmul.f32 v2, v4  }
0x123: {  	v0 =	vld [tilespmem:s4+$0x0];
	[tilespmem:s3+$0x1900] =	vst v1  }
0x124: {  	v1 =	vld [tilespmem:s4+$0x1900];
	[tilespmem:s3+$0x3200] =	vst v2  }
0x125: {  	v2 =	vld [tilespmem:s4+$0x3200];
	_ =	sdelay $0x1  }
0x126: {  	v62 =	vpop (erf)  }
0x127: {  	v0 =	vmul.f32 v62, v0  }
0x128: {  	v1 =	vmul.f32 v1, v62  }
0x129: {  	v63 =	vmul.f32 v2, v62;
	[tilespmem:s4+$0x0] =	vst v0  }
0x12a: {  	s26 =	sshll.u32 s0, $0x5;
	[tilespmem:s4+$0x1900] =	vst v1  }
0x12b: {  	s28 =	simm.s32 $0x0;
	s29 =	simm.s32 $0x2;
	s2 =	sadd.s32 s2, s26;
	[tilespmem:s4+$0x3200] =	vst v63  }
0x12c: {  	[hbm4b:s2+s28] =	stream.linear.scatter [tilespmem:s28], [sflag:$0x2], $0x100, $0x38;
	[tilespmem:$0x9E80] =	vst v63  }
0x12d: {  	_ =	swait.ge [sflag:s29], $0x100  }
0x12e: {  	[sflag:s29] =	ssyncset.done $0x0  }
0x12f: {  	s6 =	simm.s32 $0x1900;
	s30 =	sadd.s32 s12, s26;
	[sflag:s29] =	ssyncadd.s32 $0xFFFFFF00  }
0x130: {  	[hbm4b:s30+s28] =	stream.linear.scatter [tilespmem:s6], [sflag:$0x2], $0x100, $0x38;
	[tilespmem:$0x9E80] =	vst v63  }
0x131: {  	_ =	swait.ge [sflag:s29], $0x100  }
0x132: {  	[sflag:s29] =	ssyncset.done $0x0  }
0x133: {  	s31 =	simm.s32 $0x3200;
	s3 =	sadd.s32 s11, s26;
	[sflag:s29] =	ssyncadd.s32 $0xFFFFFF00  }
0x134: {  	[hbm4b:s3+s28] =	stream.linear.scatter [tilespmem:s31], [sflag:$0x2], $0x100, $0x38;
	[tilespmem:$0x9E80] =	vst v63  }
0x135: {  	_ =	swait.ge [sflag:s29], $0x100  }
0x136: {  	[sflag:s29] =	ssyncset.done $0x0  }
0x137: {  	[sflag:s29] =	ssyncadd.s32 $0xFFFFFF00  }
0x138: {  	_ =	sfence.sel $0x180000  }
0x139: {  	[bflag:$0x0] =	sbarrier.arrive $0xFFFF  }
0x13a: {  	p0 =	sne.s32 s0, $0x0;
	_ =	strace $0x90000047  }
0x13b: {  	s0 =	sadd.s32 @!p0 $0x100000, s1;
	[bflag:$0x2] =	sbarrier.arrive $0xFFFF  }
0x13c: {  	[sflag:s0] =	ssyncadd.tile.s32 @!p0 $0x1;
	_ =	shalt  }
.Lfunc_end2:
_tile_overlayer_lowered:
.L_overlay_start_2:
0x13d: {  	(tag) =	ssettag $0x2  }
0x13e: {  	s0 =	rddreg [dreg:$0x0];
	s2 =	stileid.u32  }
0x13f: {  	s1 =	rddreg [dreg:$0x1];
	p0 =	sne.s32 s2, $0x0  }
0x140: {  	s3 =	rddreg [dreg:$0x2];
	[bflag:$0x3] =	sbarrier.arrive $0xFFFF;
	s2 =	simm.s32 @!p0 $0x1C02  }
0x141: {  	[timem:s3], [sflag:s2] =	dma.local @!p0 [hbm:s0], s1  }
0x142: {  	s0 =	simm.s32 @!p0 $0x2  }
0x143: {  	_ =	swait.ge @!p0 [sflag:s0], s1  }
0x144: {  	s1 =	ssub.s32 @!p0 $0x0, s1;
	[sflag:s0] =	ssyncset.done @!p0 $0x0  }
0x145: {  	[sflag:s0] =	ssyncadd.s32 @!p0 s1  }
0x146: {  	[bflag:$0x3] =	sbarrier.arrive $0xFFFF  }
0x147: {  	_ =	shalt  }

// kernel: kernel.8.cloned.1.call-start
scs
__scs_entry_jumppad:
0x0: {  	(pc) =	sbr.rel $0x88, $3  }
0x1: {  	(tag) =	ssettag $0x0;
	lr =	simm.s32 $0x1  }
0x2: {  	[smem:$0x3F98] =	sst lr;
	_ =	strace $0xD0000000  }
0x3: {  	_ = 	snop  }
0x4: {  	_ = 	snop  }
0x5: {  	_ = 	snop  }
0x6: {  	_ = 	snop  }
0x7: {  	_ = 	snop  }
__scs_overlays_trampoline_lowered:
0x8: {  	[smem:$0x3FA7] =	sst s0  }
0x9: {  	[smem:$0x3FA8] =	sst s1  }
0xa: {  	[smem:$0x3FA9] =	sst s2  }
0xb: {  	[smem:$0x3FAA] =	sst s3  }
0xc: {  	[smem:$0x3FAB] =	sst s4  }
0xd: {  	[smem:$0x3FAC] =	sst s5  }
0xe: {  	[smem:$0x3FAD] =	sst s6  }
0xf: {  	[smem:$0x3FAE] =	sst s7  }
0x10: {  	[smem:$0x3FAF] =	sst s8  }
0x11: {  	[smem:$0x3FB0] =	sst s9;
	s0 =	simm.s32 @!p0 $0x0  }
0x12: {  	s1 =	sld [smem:$0x3F96];
	s0 =	simm.s32 @p0 $0x1  }
0x13: {  	[smem:$0x3FB1] =	sst s0;
	s0 =	simm.s32 @!p1 $0x0  }
0x14: {  	s2 =	sld [smem:$0x3F95];
	s0 =	simm.s32 @p1 $0x1  }
0x15: {  	[smem:$0x3FB2] =	sst s0;
	s0 =	simm.s32 @!p2 $0x0  }
0x16: {  	s3 =	sld [smem:$0x3FDB];
	s0 =	simm.s32 @p2 $0x1  }
0x17: {  	s4 =	simm.s32 $0x1BF5;
	[smem:$0x3FB4] =	sst s0  }
0x18: {  	s0 =	sld [smem:$0x3F97];
	_ =	swait.ge [sflag:s4], $0x0  }
0x19: {  	s7 =	sld [smem:$0x3F98]  }
0x1a: {  	s8 =	sadd.s32 $0xFFFFE003, lr  }
0x1b: {  	s9 =	sadd.s32 $0xFFFFFEF7, lr;
	s5 =	simm.s32 $0xFFFFFFFF;
	p2 =	slt.u32 s8, $0xFFFFF086  }
0x1c: {  	p1 =	slt.u32 s9, $0xF7A;
	s5 =	simm.s32 @!p2 $0x0  }
0x1d: {  	s5 =	simm.s32 @p1 $0x1;
	p0 =	seq.s32 s7, s2  }
0x1e: {  	s7 =	smul.u32 @!p0 $0xF7A, s2;
	p2 =	seq.s32 @!p0 s5, $0x0  }
0x1f: {  	s9 =	smul.u32 $0xF7A, s1;
	s8 =	simm.s32 @!p0 $0x1BF5;
	p2 =	por !p2, p0  }
0x20: {  	[sflag:s8] =	ssyncset.s32 @!p0 $0xFFFFF086;
	s6 =	sadd.s32 @!p0 s3, s7;
	s7 =	simm.s32 @!p0 $0x108  }
0x21: {  	s3 =	sadd.s32 s3, s9;
	s6 =	sadd.s32 @!p0 $0x88, s6;
	s7 =	simm.s32 @p2 $0x1082  }
0x22: {  	[simem:s7], [sflag:s8] =	dma.local @!p0 [hbm:s6], $0xF7A  }
0x23: {  	s9 =	sor.u32 $0xD0000000, s2;
	s6 =	simm.s32 $0x108;
	_ =	swait.ge @!p0 [sflag:s8], $0x0  }
0x24: {  	s3 =	sadd.s32 $0x88, s3;
	s6 =	simm.s32 @!p1 $0x1082;
	[sflag:s4] =	ssyncset.s32 $0xFFFFF086  }
0x25: {  	[simem:s6], [sflag:s4] =	dma.local [hbm:s3], $0xF7A  }
0x26: {  	[smem:$0x3F98] =	sst s1;
	(tag) =	ssettag s2;
	_ =	strace s9  }
0x27: {  	s1 =	sld [smem:$0x3FA8]  }
0x28: {  	s2 =	sld [smem:$0x3FA9]  }
0x29: {  	s4 =	sld [smem:$0x3FAB]  }
0x2a: {  	p0 =	seq.s32 s5, $0x0;
	s5 =	sld [smem:$0x3FAC]  }
0x2b: {  	s6 =	sld [smem:$0x3FAD]  }
0x2c: {  	s7 =	sld [smem:$0x3FAE]  }
0x2d: {  	s3 =	simm.s32 $0x108;
	s8 =	sld [smem:$0x3FAF]  }
0x2e: {  	s3 =	simm.s32 @!p0 $0x1082;
	s9 =	sld [smem:$0x3FB0]  }
0x2f: {  	lr =	sadd.s32 s0, s3;
	s0 =	sld [smem:$0x3FA7]  }
0x30: {  	s3 =	sld [smem:$0x3FAA]  }
0x31: {  	[smem:$0x3FB3] =	sst s10  }
0x32: {  	s10 =	sld [smem:$0x3FB1];
	_ =	sdelay $0x3  }
0x33: {  	p0 =	seq.s32 s10, $0x1;
	s10 =	sld [smem:$0x3FB3];
	_ =	sdelay $0x3  }
0x34: {  	[smem:$0x3FB3] =	sst s10  }
0x35: {  	s10 =	sld [smem:$0x3FB2];
	_ =	sdelay $0x3  }
0x36: {  	p1 =	seq.s32 s10, $0x1;
	s10 =	sld [smem:$0x3FB3];
	_ =	sdelay $0x3  }
0x37: {  	[smem:$0x3FB3] =	sst s10  }
0x38: {  	s10 =	sld [smem:$0x3FB4]  }
0x39: {  	_ = 	snop;
	(pc) =	sbr.ind lr, $3  }
0x3a: {  	_ = 	snop  }
0x3b: {  	_ = 	snop  }
0x3c: {  	p2 =	seq.s32 s10, $0x1;
	s10 =	sld [smem:$0x3FB3]  }
0x3d: {  	_ =	shalt  }
0x3e: {  	_ =	shalt  }
0x3f: {  	_ =	shalt  }
0x40: {  	_ =	shalt  }
0x41: {  	_ =	shalt  }
0x42: {  	_ =	shalt  }
0x43: {  	_ =	shalt  }
0x44: {  	_ =	shalt  }
0x45: {  	_ =	shalt  }
0x46: {  	_ =	shalt  }
0x47: {  	_ =	shalt  }
0x48: {  	_ =	shalt  }
0x49: {  	_ =	shalt  }
0x4a: {  	_ =	shalt  }
0x4b: {  	_ =	shalt  }
0x4c: {  	_ =	shalt  }
0x4d: {  	_ =	shalt  }
0x4e: {  	_ =	shalt  }
0x4f: {  	_ =	shalt  }
0x50: {  	_ =	shalt  }
0x51: {  	_ =	shalt  }
0x52: {  	_ =	shalt  }
0x53: {  	_ =	shalt  }
0x54: {  	_ =	shalt  }
0x55: {  	_ =	shalt  }
0x56: {  	_ =	shalt  }
0x57: {  	_ =	shalt  }
0x58: {  	_ =	shalt  }
0x59: {  	_ =	shalt  }
0x5a: {  	_ =	shalt  }
0x5b: {  	_ =	shalt  }
0x5c: {  	_ =	shalt  }
0x5d: {  	_ =	shalt  }
0x5e: {  	_ =	shalt  }
0x5f: {  	_ =	shalt  }
0x60: {  	_ =	shalt  }
0x61: {  	_ =	shalt  }
0x62: {  	_ =	shalt  }
0x63: {  	_ =	shalt  }
0x64: {  	_ =	shalt  }
0x65: {  	_ =	shalt  }
0x66: {  	_ =	shalt  }
0x67: {  	_ =	shalt  }
0x68: {  	_ =	shalt  }
0x69: {  	_ =	shalt  }
0x6a: {  	_ =	shalt  }
0x6b: {  	_ =	shalt  }
0x6c: {  	_ =	shalt  }
0x6d: {  	_ =	shalt  }
0x6e: {  	_ =	shalt  }
0x6f: {  	_ =	shalt  }
0x70: {  	_ =	shalt  }
0x71: {  	_ =	shalt  }
0x72: {  	_ =	shalt  }
0x73: {  	_ =	shalt  }
0x74: {  	_ =	shalt  }
0x75: {  	_ =	shalt  }
0x76: {  	_ =	shalt  }
0x77: {  	_ =	shalt  }
0x78: {  	_ =	shalt  }
0x79: {  	_ =	shalt  }
0x7a: {  	_ =	shalt  }
0x7b: {  	_ =	shalt  }
0x7c: {  	_ =	shalt  }
0x7d: {  	_ =	shalt  }
0x7e: {  	_ =	shalt  }
0x7f: {  	_ =	shalt  }
0x80: {  	_ =	shalt  }
0x81: {  	_ =	shalt  }
0x82: {  	_ =	shalt  }
0x83: {  	_ =	shalt  }
0x84: {  	_ =	shalt  }
0x85: {  	_ =	shalt  }
0x86: {  	_ =	shalt  }
0x87: {  	_ =	shalt  }
.Lfunc_end0:
.L_simem_size_0:
called_computation.1_lowered:
.L_overlay_start_0:
0x88: {  	s2 =	sld [smem:$0x3FD9]  }
0x89: {  	s3 =	sld [smem:$0x3FFE];
	_ =	sdelay $0x1  }
0x8a: {  	s1 =	srdreg.scid  }
0x8b: {  	s0 =	sand.u32 $0x1, s1  }
0x8c: {  	s17 =	sshll.u32 s0, $0xA;
	s2 =	sadd.s32 s3, s2  }
0x8d: {  	s2 =	sadd.s32 s2, s17  }
0x8e: {  	[smem:$0x3FBF] =	sst s2  }
0x8f: {  	_ = 	snop  }
0x90: {  	s2 =	sld [smem:$0x3FD0];
	(tm) =	ssettm $0x1  }
0x91: {  	s18 =	sld [smem:$0x3FFB];
	_ =	sdelay $0x3  }
0x92: {  	_ =	strace s18  }
0x93: {  	s3 =	sld [smem:$0x3FFC];
	_ =	sdelay $0x3  }
0x94: {  	_ =	strace s3  }
0x95: {  	s3 =	sld [smem:$0x3FFD];
	_ =	sdelay $0x3  }
0x96: {  	_ =	strace s3  }
0x97: {  	_ =	strace $0x8FFFFFFF  }
0x98: {  	s19 =	sld [smem:$0x3FDB];
	_ =	sdelay $0x1  }
0x99: {  	s4 =	simm.s32 $_scs_section_size  }
0x9a: {  	s5 =	simm.s32 $_size__tile_overlayer_lowered;
	s6 =	simm.s32 $_tile_overlayer_lowered  }
0x9b: {  	s22 =	simm.s32 $0x1BFF;
	s21 =	sshll.u32 s6, $0x1;
	s3 =	sadd.s32 s4, s19  }
0x9c: {  	s7 =	simm.s32 $0x0;
	s20 =	sshll.u32 s5, $0x1;
	s5 =	sadd.s32 s21, s3  }
0x9d: {  	[timem:s7], [sflag:s22] =	dma.local [hbm:s5], s20  }
0x9e: {  	_ =	swait.ge [sflag:s22], s20  }
0x9f: {  	s4 =	ssub.s32 $0x0, s20;
	[sflag:s22] =	ssyncset.done $0x0  }
0xa0: {  	[sflag:s22] =	ssyncadd.s32 s4;
	_ =	sdelay $0x1  }
0xa1: {  	s23 =	simm.s32 $0x1B8B  }
0xa2: {  	_ =	swait.ge [sflag:s23], $0x1  }
0xa3: {  	[sflag:s23] =	ssyncset.done $0x0  }
0xa4: {  	s25 =	simm.s32 $0x1B8E;
	s24 =	sld [smem:$0x3FFE];
	[sflag:s23] =	ssyncadd.s32 $0xFFFFFFFF  }
0xa5: {  	s26 =	simm.s32 $execute0_lowered;
	[smem:$0x3FD2] =	sst s25  }
0xa6: {  	s5 =	sshll.u32 s26, $0x1;
	_ =	strace $0x80000049;
	[dreg:$0x1] =	wrdreg $0xFFFFFFFF  }
0xa7: {  	s28 =	simm.s32 $_size_execute0_lowered;
	s3 =	sadd.s32 s3, s5;
	[dreg:$0x0] =	wrdreg $0x0  }
0xa8: {  	s5 =	sshll.u32 s28, $0x1;
	[dreg:$0x2] =	wrdreg s3  }
0xa9: {  	[dreg:$0x3] =	wrdreg s5  }
0xaa: {  	[dreg:$0x4] =	wrdreg $0xC0  }
0xab: {  	_ =	task [dreg:s7], $0x5FFFF  }
0xac: {  	[dreg:$0x1] =	wrdreg $0xFFFFFFFF  }
0xad: {  	[dreg:$0x0] =	wrdreg $0x60  }
0xae: {  	[dreg:$0x2] =	wrdreg s24  }
0xaf: {  	[dreg:$0x3] =	wrdreg s2  }
0xb0: {  	[dreg:$0x4] =	wrdreg $0x7F800  }
0xb1: {  	[dreg:$0x5] =	wrdreg $0x9  }
0xb2: {  	_ =	task.clear_ibuf [dreg:s7], $0x6FFFF;
	_ =	strace $0x90000049  }
0xb3: {  	s29 =	simm.s32 $0x9;
	_ =	strace $0x8000004B  }
0xb4: {  	_ =	swait.ge [sflag:s29], $0x1  }
0xb5: {  	[sflag:s29] =	ssyncadd.s32 $0xFFFFFFFF  }
0xb6: {  	_ =	strace $0x9000004B  }
0xb7: {  	_ =	sfence  }
0xb8: {  	s30 =	sld [smem:$0x0];
	_ =	sdelay $0x2  }
0xb9: {  	s31 =	sshll.u32 s1, $0xD;
	s1 =	sshrl.u32 s1, $0x2  }
0xba: {  	s3 =	sand.u32 $0x4000, s31;
	s1 =	sadd.s32 s1, s30  }
0xbb: {  	s0 =	sor.u32 s3, s0;
	s1 =	sshll.u32 s1, $0x11  }
0xbc: {  	s0 =	sor.u32 s1, s0  }
0xbd: {  	s0 =	sadd.s32 $0x8F2B, s0  }
0xbe: {  	[sflag:s0] =	ssyncadd.remote.s32 $0x1  }
0xbf: {  	_ =	sfence.sel $0xFFFF  }
0xc0: {  	[dreg:$0x0] =	wrdreg $0xFFFFFFFF;
	(pc) =	sbr.abs _section_cstart, $3  }
0xc1: {  	[dreg:$0x1] =	wrdreg $0xFFFFFFFF  }
0xc2: {  	_ =	task.clear_ibuf [dreg:s7], $0x2FFFF;
	_ =	strace $0x9FFFFFFF  }
0xc3: {  	(tm) =	ssettm $0x7FFFFFFF  }
tec
execute0_lowered:
.L_overlay_start_1:
0x0: {  	(tag) =	ssettag $0x1  }
0x1: {  	s0 =	srdreg.scid  }
0x2: {  	s1 =	rddreg [dreg:$0x0];
	s14 =	stileid.u32  }
0x3: {  	s3 =	rddreg [dreg:$0x2];
	s4 =	simm.s32 $0x0;
	s17 =	simm.s32 $0x2  }
0x4: {  	s22 =	simm.s32 $0x4200;
	s23 =	simm.s32 $0x5200;
	s24 =	simm.s32 $0x6200  }
0x5: {  	s26 =	simm.s32 $0x80;
	s28 =	simm.s32 $0x1;
	s31 =	simm.s32 $0x0  }
0x6: {  	s0 =	sand.u32 $0x1, s0;
	[smem:$0x7FF] =	sst s4;
	s11 =	sshll.u32 s14, $0x6  }
0x7: {  	s30 =	sshll.u32 s14, $0x8;
	s2 =	sshll.u32 s0, $0x4;
	s0 =	ssub.s32 $0x2, s0  }
0x8: {  	_ =	strace $0x8000004A;
	s6 =	sor.u32 s14, s2;
	s8 =	sshrl.u32 s0, $0x1  }
0x9: {  	s14 =	sadd.s32 s30, s3;
	s5 =	smul.u32 $0xC80, s6;
	s6 =	sshll.u32 s6, $0x9  }
0xa: {  	s0 =	ssub.s32 s0, s8;
	s13 =	sadd.s32 s6, s1;
	s6 =	sadd.s32 $0x10E00, s1  }
0xb: {  	s16 =	smax.u32 s0, $0x1;
	s7 =	sshrl.u32 s5, $0x3;
	s13 =	sadd.s32 $0x11200, s13  }
0xc: {  	s12 =	sadd.s32 s7, s1;
	s7 =	sadd.s32 $0x11000, s1;
	s1 =	sadd.s32 s2, s1  }
0xd: {  	s8 =	sadd.s32 $0xC00, s12;
	s9 =	sadd.s32 $0x3E00, s12;
	s1 =	sadd.s32 s11, s1  }
0xe: {  	v0 =	vimm.f32 $0.0e+00;
	s10 =	sadd.s32 $0x7000, s12;
	s12 =	sadd.s32 $0x15200, s12;
	s15 =	sadd.s32 $0xA200, s1  }
.LBB2_1:
0xf: {  	[tilespmem:s4], [sflag:$0x2] =	stream.linear.gather [hbm4b:s8+s4], $0xC80, $0x38;
	[tilespmem:$0x8080] =	vst v63  }
0x10: {  	_ =	swait.ge [sflag:s17], $0xC80  }
0x11: {  	[sflag:s17] =	ssyncset.done $0x0  }
0x12: {  	s0 =	simm.s32 $0xC80;
	[sflag:s17] =	ssyncadd.s32 $0xFFFFF380  }
0x13: {  	[tilespmem:s0], [sflag:$0x2] =	stream.linear.gather [hbm4b:s9+s4], $0xC80, $0x38;
	[tilespmem:$0x8080] =	vst v63  }
0x14: {  	_ =	swait.ge [sflag:s17], $0xC80  }
0x15: {  	[sflag:s17] =	ssyncset.done $0x0  }
0x16: {  	s29 =	simm.s32 $0x1900;
	[sflag:s17] =	ssyncadd.s32 $0xFFFFF380  }
0x17: {  	[tilespmem:s29], [sflag:$0x2] =	stream.linear.gather [hbm4b:s10+s4], $0xC80, $0x38;
	[tilespmem:$0x8080] =	vst v63  }
0x18: {  	_ =	swait.ge [sflag:s17], $0xC80  }
0x19: {  	[sflag:s17] =	ssyncset.done $0x0  }
0x1a: {  	s30 =	simm.s32 $0x2580;
	[sflag:s17] =	ssyncadd.s32 $0xFFFFF380  }
0x1b: {  	[tilespmem:s30], [sflag:$0x2] =	stream.linear.gather [hbm4b:s12+s4], $0xC80, $0x38;
	[tilespmem:$0x8080] =	vst v63  }
0x1c: {  	_ =	swait.ge [sflag:s17], $0xC80  }
0x1d: {  	[sflag:s17] =	ssyncset.done $0x0  }
0x1e: {  	s1 =	simm.s32 $0x3200;
	[sflag:s17] =	ssyncadd.s32 $0xFFFFF380  }
0x1f: {  	[tilespmem:s1], [sflag:$0x2] =	stream.linear.gather [hbm4b:s13+s4], $0xC80, $0x38;
	[tilespmem:$0x8080] =	vst v63  }
0x20: {  	_ =	swait.ge [sflag:s17], $0xC80  }
0x21: {  	[sflag:s17] =	ssyncset.done $0x0  }
0x22: {  	[sflag:s17] =	ssyncadd.s32 $0xFFFFF380  }
0x23: {  	s2 =	rddreg [dreg:$0x1]  }
0x24: {  	[tilespmem:s22], [sflag:$0x2] =	stream.linear.gather [hbm4b:s2+s4], $0x1000, $0x38;
	[tilespmem:$0x8080] =	vst v63  }
0x25: {  	_ =	swait.ge [sflag:s17], $0x1000  }
0x26: {  	[sflag:s17] =	ssyncset.done $0x0  }
0x27: {  	[sflag:s17] =	ssyncadd.s32 $0xFFFFF000  }
0x28: {  	[tilespmem:s23], [sflag:$0x2] =	stream.linear.gather [hbm4b:s6+s4], $0x1000, $0x38;
	[tilespmem:$0x8080] =	vst v63  }
0x29: {  	_ =	swait.ge [sflag:s17], $0x1000  }
0x2a: {  	[sflag:s17] =	ssyncset.done $0x0  }
0x2b: {  	[sflag:s17] =	ssyncadd.s32 $0xFFFFF000  }
0x2c: {  	[tilespmem:s24], [sflag:$0x2] =	stream.linear.gather [hbm4b:s7+s4], $0x1000, $0x38;
	[tilespmem:$0x8080] =	vst v63  }
0x2d: {  	_ =	swait.ge [sflag:s17], $0x1000  }
0x2e: {  	[sflag:s17] =	ssyncset.done $0x0  }
0x2f: {  	[sflag:s17] =	ssyncadd.s32 $0xFFFFF000  }
0x30: {  	[tilespmem:$0x7E80] =	vst v0  }
0x31: {  	[tilespmem:$0x7E90] =	vst v0  }
0x32: {  	[tilespmem:$0x7EA0] =	vst v0  }
0x33: {  	[tilespmem:$0x7EB0] =	vst v0  }
0x34: {  	[tilespmem:$0x7EC0] =	vst v0  }
0x35: {  	[tilespmem:$0x7ED0] =	vst v0  }
0x36: {  	[tilespmem:$0x7EE0] =	vst v0  }
0x37: {  	[tilespmem:$0x7EF0] =	vst v0  }
0x38: {  	[tilespmem:$0x7F00] =	vst v0  }
0x39: {  	[tilespmem:$0x7F10] =	vst v0  }
0x3a: {  	[tilespmem:$0x7F20] =	vst v0  }
0x3b: {  	[tilespmem:$0x7F30] =	vst v0  }
0x3c: {  	[tilespmem:$0x7F40] =	vst v0  }
0x3d: {  	[tilespmem:$0x7F50] =	vst v0  }
0x3e: {  	[tilespmem:$0x7F60] =	vst v0  }
0x3f: {  	s18 =	simm.s32 $0x7E80;
	[tilespmem:$0x7F70] =	vst v0  }
0x40: {  	[spmem:s14] =	stream.linear.scatter [tilespmem:s18], [sflag:$0x2], $0x100, $0x38;
	[tilespmem:$0x8080] =	vst v63  }
0x41: {  	_ =	swait.ge [sflag:s17], $0x100  }
0x42: {  	[sflag:s17] =	ssyncset.done $0x0  }
0x43: {  	[sflag:s17] =	ssyncadd.s32 $0xFFFFFF00  }
0x44: {  	s1 =	simm.s32 $0x0;
	[bflag:$0x0] =	sbarrier.arrive $0xFFFF  }
0x45: {  	v1 =	vld [tilespmem:s1+$0x3200];
	_ =	sdelay $0x5  }
0x46: {  	v2 =	vld [tilespmem:s1+$0x0]  }
0x47: {  	v5 =	vld [tilespmem:s1+$0xC80]  }
0x48: {  	v3 =	vld.idx.msk [tilespmem:v1+s22+$0x0], $0xffff  }
0x49: {  	v4 =	vld.idx.msk [tilespmem:v1+s23+$0x0], $0xffff  }
0x4a: {  	v6 =	vld [tilespmem:s1+$0x1900]  }
0x4b: {  	v1 =	vld.idx.msk [tilespmem:v1+s24+$0x0], $0xffff;
	_ =	sdelay $0x2  }
0x4c: {  	v2 =	vsub.f32 v2, v3;
	v3 =	vsub.f32 v5, v4;
	_ =	sdelay $0x1  }
0x4d: {  	v1 =	vsub.f32 v6, v1;
	v2 =	vmul.f32 v2, v2;
	v3 =	vmul.f32 v3, v3  }
0x4e: {  	v4 =	vld [tilespmem:s1+$0x2580]  }
0x4f: {  	v1 =	vmul.f32 v1, v1;
	v2 =	vadd.f32 v3, v2;
	v3 =	vld [tilespmem:s1+$0x3210];
	_ =	sdelay $0x1  }
0x50: {  	v1 =	vadd.f32 v1, v2  }
0x51: {  	s0 =	sadd.s32 $0x70, s5  }
0x52: {  	s2 =	sadd.s32 $0xFFFFFF90, s0;
	v1 =	vmul.f32 v1, v4  }
0x53: {  	p0 =	slt.u32 s2, $0x186A0  }
0x54: {  	v5 =	vld [tilespmem:s1+$0xC90];
	v1 =	vpsel !p0, $0x0, v1  }
0x55: {  	[tilespmem:s1+$0x7200] =	vst v1;
	v1 =	vld [tilespmem:s1+$0x10]  }
0x56: {  	v2 =	vld.idx.msk [tilespmem:v3+s22+$0x0], $0xffff  }
0x57: {  	v4 =	vld.idx.msk [tilespmem:v3+s23+$0x0], $0xffff  }
0x58: {  	v6 =	vld [tilespmem:s1+$0x1910]  }
0x59: {  	v3 =	vld.idx.msk [tilespmem:v3+s24+$0x0], $0xffff;
	_ =	sdelay $0x2  }
0x5a: {  	v1 =	vsub.f32 v1, v2;
	v2 =	vsub.f32 v5, v4;
	_ =	sdelay $0x1  }
0x5b: {  	v3 =	vsub.f32 v6, v3;
	v1 =	vmul.f32 v1, v1;
	v2 =	vmul.f32 v2, v2  }
0x5c: {  	v4 =	vld [tilespmem:s1+$0x2590]  }
0x5d: {  	v1 =	vadd.f32 v2, v1;
	v2 =	vmul.f32 v3, v3;
	v3 =	vld [tilespmem:s1+$0x3220];
	_ =	sdelay $0x1  }
0x5e: {  	v1 =	vadd.f32 v2, v1;
	_ =	sdelay $0x1  }
0x5f: {  	s19 =	sadd.s32 $0xFFFFFFA0, s0;
	v1 =	vmul.f32 v1, v4  }
0x60: {  	p1 =	slt.u32 s19, $0x186A0  }
0x61: {  	v5 =	vld [tilespmem:s1+$0xCA0];
	v1 =	vpsel !p1, $0x0, v1  }
0x62: {  	[tilespmem:s1+$0x7210] =	vst v1;
	v1 =	vld [tilespmem:s1+$0x20]  }
0x63: {  	v2 =	vld.idx.msk [tilespmem:v3+s22+$0x0], $0xffff  }
0x64: {  	v4 =	vld.idx.msk [tilespmem:v3+s23+$0x0], $0xffff  }
0x65: {  	v6 =	vld [tilespmem:s1+$0x1920]  }
0x66: {  	v3 =	vld.idx.msk [tilespmem:v3+s24+$0x0], $0xffff;
	_ =	sdelay $0x2  }
0x67: {  	v1 =	vsub.f32 v1, v2;
	v2 =	vsub.f32 v5, v4;
	_ =	sdelay $0x1  }
0x68: {  	v3 =	vsub.f32 v6, v3;
	v1 =	vmul.f32 v1, v1;
	v2 =	vmul.f32 v2, v2  }
0x69: {  	v4 =	vld [tilespmem:s1+$0x25A0]  }
0x6a: {  	v1 =	vadd.f32 v2, v1;
	v2 =	vmul.f32 v3, v3;
	v3 =	vld [tilespmem:s1+$0x3230];
	_ =	sdelay $0x1  }
0x6b: {  	v1 =	vadd.f32 v2, v1;
	_ =	sdelay $0x1  }
0x6c: {  	s20 =	sadd.s32 $0xFFFFFFB0, s0;
	v1 =	vmul.f32 v1, v4  }
0x6d: {  	p2 =	slt.u32 s20, $0x186A0  }
0x6e: {  	v5 =	vld [tilespmem:s1+$0xCB0];
	v1 =	vpsel !p2, $0x0, v1  }
0x6f: {  	[tilespmem:s1+$0x7220] =	vst v1;
	v1 =	vld [tilespmem:s1+$0x30]  }
0x70: {  	v2 =	vld.idx.msk [tilespmem:v3+s22+$0x0], $0xffff  }
0x71: {  	v4 =	vld.idx.msk [tilespmem:v3+s23+$0x0], $0xffff  }
0x72: {  	v6 =	vld [tilespmem:s1+$0x1930]  }
0x73: {  	v3 =	vld.idx.msk [tilespmem:v3+s24+$0x0], $0xffff;
	_ =	sdelay $0x2  }
0x74: {  	v1 =	vsub.f32 v1, v2;
	v2 =	vsub.f32 v5, v4;
	_ =	sdelay $0x1  }
0x75: {  	v3 =	vsub.f32 v6, v3;
	v1 =	vmul.f32 v1, v1;
	v2 =	vmul.f32 v2, v2  }
0x76: {  	v4 =	vld [tilespmem:s1+$0x25B0]  }
0x77: {  	v1 =	vadd.f32 v2, v1;
	v2 =	vmul.f32 v3, v3;
	v3 =	vld [tilespmem:s1+$0x3240];
	_ =	sdelay $0x1  }
0x78: {  	v1 =	vadd.f32 v2, v1;
	_ =	sdelay $0x1  }
0x79: {  	s21 =	sadd.s32 $0xFFFFFFC0, s0;
	v1 =	vmul.f32 v1, v4  }
0x7a: {  	p3 =	slt.u32 s21, $0x186A0  }
0x7b: {  	v5 =	vld [tilespmem:s1+$0x40];
	v1 =	vpsel !p3, $0x0, v1  }
0x7c: {  	[tilespmem:s1+$0x7230] =	vst v1;
	v1 =	vld [tilespmem:s1+$0xCC0]  }
0x7d: {  	v2 =	vld.idx.msk [tilespmem:v3+s22+$0x0], $0xffff  }
0x7e: {  	v4 =	vld.idx.msk [tilespmem:v3+s23+$0x0], $0xffff  }
0x7f: {  	v6 =	vld [tilespmem:s1+$0x1940]  }
0x80: {  	v3 =	vld.idx.msk [tilespmem:v3+s24+$0x0], $0xffff;
	_ =	sdelay $0x2  }
0x81: {  	v2 =	vsub.f32 v5, v2;
	v1 =	vsub.f32 v1, v4;
	_ =	sdelay $0x1  }
0x82: {  	v3 =	vsub.f32 v6, v3;
	v2 =	vmul.f32 v2, v2;
	v1 =	vmul.f32 v1, v1  }
0x83: {  	v4 =	vld [tilespmem:s1+$0x25C0]  }
0x84: {  	v1 =	vadd.f32 v1, v2;
	v2 =	vmul.f32 v3, v3;
	v3 =	vld [tilespmem:s1+$0x3250];
	_ =	sdelay $0x1  }
0x85: {  	v1 =	vadd.f32 v2, v1;
	_ =	sdelay $0x1  }
0x86: {  	s25 =	sadd.s32 $0xFFFFFFD0, s0;
	v1 =	vmul.f32 v1, v4  }
0x87: {  	p4 =	slt.u32 s25, $0x186A0  }
0x88: {  	v2 =	vld [tilespmem:s1+$0xCD0];
	v1 =	vpsel !p4, $0x0, v1  }
0x89: {  	[tilespmem:s1+$0x7240] =	vst v1;
	v1 =	vld [tilespmem:s1+$0x50]  }
0x8a: {  	v4 =	vld.idx.msk [tilespmem:v3+s22+$0x0], $0xffff  }
0x8b: {  	v5 =	vld.idx.msk [tilespmem:v3+s23+$0x0], $0xffff  }
0x8c: {  	v6 =	vld [tilespmem:s1+$0x1950]  }
0x8d: {  	v3 =	vld.idx.msk [tilespmem:v3+s24+$0x0], $0xffff;
	_ =	sdelay $0x2  }
0x8e: {  	v1 =	vsub.f32 v1, v4;
	v2 =	vsub.f32 v2, v5;
	_ =	sdelay $0x1  }
0x8f: {  	v3 =	vsub.f32 v6, v3;
	v1 =	vmul.f32 v1, v1;
	v2 =	vmul.f32 v2, v2  }
0x90: {  	v4 =	vld [tilespmem:s1+$0x25D0]  }
0x91: {  	v1 =	vadd.f32 v2, v1;
	v2 =	vmul.f32 v3, v3;
	v3 =	vld [tilespmem:s1+$0x3260];
	_ =	sdelay $0x1  }
0x92: {  	v1 =	vadd.f32 v2, v1;
	_ =	sdelay $0x1  }
0x93: {  	s29 =	sadd.s32 $0xFFFFFFE0, s0;
	v1 =	vmul.f32 v1, v4  }
0x94: {  	p5 =	slt.u32 s29, $0x186A0  }
0x95: {  	v2 =	vld [tilespmem:s1+$0xCE0];
	v1 =	vpsel !p5, $0x0, v1  }
0x96: {  	[tilespmem:s1+$0x7250] =	vst v1;
	v1 =	vld [tilespmem:s1+$0x60]  }
0x97: {  	v4 =	vld.idx.msk [tilespmem:v3+s22+$0x0], $0xffff  }
0x98: {  	v5 =	vld.idx.msk [tilespmem:v3+s23+$0x0], $0xffff  }
0x99: {  	v6 =	vld [tilespmem:s1+$0x1960]  }
0x9a: {  	v3 =	vld.idx.msk [tilespmem:v3+s24+$0x0], $0xffff;
	_ =	sdelay $0x2  }
0x9b: {  	v1 =	vsub.f32 v1, v4;
	v2 =	vsub.f32 v2, v5;
	_ =	sdelay $0x1  }
0x9c: {  	v3 =	vsub.f32 v6, v3;
	v1 =	vmul.f32 v1, v1;
	v2 =	vmul.f32 v2, v2  }
0x9d: {  	v4 =	vld [tilespmem:s1+$0x25E0]  }
0x9e: {  	v1 =	vadd.f32 v2, v1;
	v2 =	vmul.f32 v3, v3;
	v3 =	vld [tilespmem:s1+$0x3270];
	_ =	sdelay $0x1  }
0x9f: {  	v1 =	vadd.f32 v2, v1;
	_ =	sdelay $0x1  }
0xa0: {  	s30 =	sadd.s32 $0xFFFFFFF0, s0;
	v1 =	vmul.f32 v1, v4  }
0xa1: {  	p6 =	slt.u32 s30, $0x186A0  }
0xa2: {  	v2 =	vld [tilespmem:s1+$0xCF0];
	v1 =	vpsel !p6, $0x0, v1  }
0xa3: {  	[tilespmem:s1+$0x7260] =	vst v1;
	v1 =	vld [tilespmem:s1+$0x70]  }
0xa4: {  	v4 =	vld.idx.msk [tilespmem:v3+s22+$0x0], $0xffff  }
0xa5: {  	v5 =	vld.idx.msk [tilespmem:v3+s23+$0x0], $0xffff  }
0xa6: {  	v6 =	vld [tilespmem:s1+$0x1970]  }
0xa7: {  	v3 =	vld.idx.msk [tilespmem:v3+s24+$0x0], $0xffff;
	_ =	sdelay $0x2  }
0xa8: {  	v1 =	vsub.f32 v1, v4;
	v5 =	vsub.f32 v2, v5;
	_ =	sdelay $0x1  }
0xa9: {  	s2 =	simm.s32 $0xF0;
	s18 =	simm.s32 $0x0;
	v4 =	vsub.f32 v6, v3;
	v2 =	vmul.f32 v1, v1;
	v3 =	vmul.f32 v5, v5;
	v1 =	vld [tilespmem:s1+$0x25F0]  }
.LBB2_2:
0xaa: {  	p0 =	sne.s32 s2, $0xC70  }
0xab: {  	v4 =	vmul.f32 v4, v4;
	s18 =	sadd.s32 $0x200, s18;
	s19 =	smov.u32 s2;
	s2 =	sadd.s32 $0x80, s2  }
0xac: {  	v2 =	vadd.f32 v3, v2;
	_ =	sdelay $0x1  }
0xad: {  	v2 =	vadd.f32 v4, v2;
	_ =	sdelay $0x1  }
0xae: {  	p1 =	slt.u32 s0, $0x186A0;
	v1 =	vmul.f32 v2, v1;
	_ =	sdelay $0x1  }
0xaf: {  	s0 =	sadd.s32 $0x3200, s1;
	s20 =	sadd.s32 $0x7200, s1;
	v1 =	vpsel !p1, $0x0, v1  }
0xb0: {  	[tilespmem:s1+$0x7270] =	vst v1;
	s1 =	sshra.s32 s18, $0x2  }
0xb1: {  	[spmem:s3] =	stream.indirect.scatter.add.f32 [tilespmem:s20], [sflag:$0x1], $0x1, s0, s26, $0xb8;
	[tilespmem:$0x8080] =	vst v63  }
0xb2: {  	v1 =	vld [tilespmem:s1+$0x3200];
	_ =	sdelay $0x6  }
0xb3: {  	v2 =	vld [tilespmem:s1+$0x0]  }
0xb4: {  	v3 =	vld.idx.msk [tilespmem:v1+s22+$0x0], $0xffff  }
0xb5: {  	v4 =	vld.idx.msk [tilespmem:v1+s23+$0x0], $0xffff  }
0xb6: {  	v5 =	vld [tilespmem:s1+$0xC80]  }
0xb7: {  	v1 =	vld.idx.msk [tilespmem:v1+s24+$0x0], $0xffff  }
0xb8: {  	v6 =	vld [tilespmem:s1+$0x1900];
	_ =	sdelay $0x1  }
0xb9: {  	v2 =	vsub.f32 v2, v3  }
0xba: {  	v3 =	vsub.f32 v5, v4;
	_ =	sdelay $0x1  }
0xbb: {  	v2 =	vmul.f32 v2, v2;
	v1 =	vsub.f32 v6, v1;
	v3 =	vmul.f32 v3, v3  }
0xbc: {  	v4 =	vld [tilespmem:s1+$0x2580]  }
0xbd: {  	v2 =	vadd.f32 v3, v2;
	v1 =	vmul.f32 v1, v1;
	v3 =	vld [tilespmem:s1+$0x3210];
	_ =	sdelay $0x1  }
0xbe: {  	v1 =	vadd.f32 v1, v2  }
0xbf: {  	s0 =	sadd.s32 s19, s5  }
0xc0: {  	s19 =	sadd.s32 $0xFFFFFF90, s0;
	s30 =	sadd.s32 $0xFFFFFFA0, s0;
	s29 =	sadd.s32 $0xFFFFFFB0, s0;
	v1 =	vmul.f32 v1, v4  }
0xc1: {  	s25 =	sadd.s32 $0xFFFFFFC0, s0;
	s21 =	sadd.s32 $0xFFFFFFD0, s0;
	p1 =	slt.u32 s19, $0x186A0  }
0xc2: {  	s20 =	sadd.s32 $0xFFFFFFE0, s0;
	s19 =	sadd.s32 $0xFFFFFFF0, s0;
	v1 =	vpsel !p1, $0x0, v1  }
0xc3: {  	[tilespmem:s1+$0x7200] =	vst v1;
	v1 =	vld [tilespmem:s1+$0x10]  }
0xc4: {  	v2 =	vld.idx.msk [tilespmem:v3+s22+$0x0], $0xffff  }
0xc5: {  	v4 =	vld.idx.msk [tilespmem:v3+s23+$0x0], $0xffff  }
0xc6: {  	v5 =	vld [tilespmem:s1+$0xC90]  }
0xc7: {  	v3 =	vld.idx.msk [tilespmem:v3+s24+$0x0], $0xffff  }
0xc8: {  	v6 =	vld [tilespmem:s1+$0x1910];
	_ =	sdelay $0x1  }
0xc9: {  	v1 =	vsub.f32 v1, v2  }
0xca: {  	v2 =	vsub.f32 v5, v4;
	_ =	sdelay $0x1  }
0xcb: {  	v1 =	vmul.f32 v1, v1;
	v3 =	vsub.f32 v6, v3;
	v2 =	vmul.f32 v2, v2  }
0xcc: {  	v4 =	vld [tilespmem:s1+$0x2590]  }
0xcd: {  	v1 =	vadd.f32 v2, v1;
	v2 =	vmul.f32 v3, v3;
	v3 =	vld [tilespmem:s1+$0x3220];
	_ =	sdelay $0x1  }
0xce: {  	v1 =	vadd.f32 v2, v1;
	_ =	sdelay $0x1  }
0xcf: {  	v1 =	vmul.f32 v1, v4  }
0xd0: {  	p1 =	slt.u32 s30, $0x186A0  }
0xd1: {  	v1 =	vpsel !p1, $0x0, v1  }
0xd2: {  	[tilespmem:s1+$0x7210] =	vst v1;
	v1 =	vld [tilespmem:s1+$0x20]  }
0xd3: {  	v2 =	vld.idx.msk [tilespmem:v3+s22+$0x0], $0xffff  }
0xd4: {  	v4 =	vld.idx.msk [tilespmem:v3+s23+$0x0], $0xffff  }
0xd5: {  	v5 =	vld [tilespmem:s1+$0xCA0]  }
0xd6: {  	v3 =	vld.idx.msk [tilespmem:v3+s24+$0x0], $0xffff  }
0xd7: {  	v6 =	vld [tilespmem:s1+$0x1920];
	_ =	sdelay $0x1  }
0xd8: {  	v1 =	vsub.f32 v1, v2  }
0xd9: {  	v2 =	vsub.f32 v5, v4  }
0xda: {  	v1 =	vmul.f32 v1, v1  }
0xdb: {  	v3 =	vsub.f32 v6, v3;
	v2 =	vmul.f32 v2, v2  }
0xdc: {  	v4 =	vld [tilespmem:s1+$0x25A0]  }
0xdd: {  	v1 =	vadd.f32 v2, v1;
	v2 =	vmul.f32 v3, v3;
	v3 =	vld [tilespmem:s1+$0x3230];
	_ =	sdelay $0x1  }
0xde: {  	v1 =	vadd.f32 v2, v1;
	_ =	sdelay $0x1  }
0xdf: {  	v1 =	vmul.f32 v1, v4  }
0xe0: {  	p1 =	slt.u32 s29, $0x186A0  }
0xe1: {  	v1 =	vpsel !p1, $0x0, v1  }
0xe2: {  	[tilespmem:s1+$0x7220] =	vst v1;
	v1 =	vld [tilespmem:s1+$0x30]  }
0xe3: {  	v2 =	vld.idx.msk [tilespmem:v3+s22+$0x0], $0xffff  }
0xe4: {  	v4 =	vld.idx.msk [tilespmem:v3+s23+$0x0], $0xffff  }
0xe5: {  	v5 =	vld [tilespmem:s1+$0xCB0]  }
0xe6: {  	v3 =	vld.idx.msk [tilespmem:v3+s24+$0x0], $0xffff  }
0xe7: {  	v6 =	vld [tilespmem:s1+$0x1930];
	_ =	sdelay $0x1  }
0xe8: {  	v1 =	vsub.f32 v1, v2  }
0xe9: {  	v2 =	vsub.f32 v5, v4;
	_ =	sdelay $0x1  }
0xea: {  	v1 =	vmul.f32 v1, v1;
	v3 =	vsub.f32 v6, v3;
	v2 =	vmul.f32 v2, v2  }
0xeb: {  	v4 =	vld [tilespmem:s1+$0x25B0]  }
0xec: {  	v1 =	vadd.f32 v2, v1;
	v2 =	vmul.f32 v3, v3;
	v3 =	vld [tilespmem:s1+$0x3240];
	_ =	sdelay $0x1  }
0xed: {  	v1 =	vadd.f32 v2, v1;
	_ =	sdelay $0x1  }
0xee: {  	v1 =	vmul.f32 v1, v4  }
0xef: {  	p1 =	slt.u32 s25, $0x186A0  }
0xf0: {  	v1 =	vpsel !p1, $0x0, v1  }
0xf1: {  	[tilespmem:s1+$0x7230] =	vst v1;
	v1 =	vld [tilespmem:s1+$0xCC0]  }
0xf2: {  	v2 =	vld.idx.msk [tilespmem:v3+s22+$0x0], $0xffff  }
0xf3: {  	v4 =	vld.idx.msk [tilespmem:v3+s23+$0x0], $0xffff  }
0xf4: {  	v5 =	vld [tilespmem:s1+$0x40]  }
0xf5: {  	v3 =	vld.idx.msk [tilespmem:v3+s24+$0x0], $0xffff  }
0xf6: {  	v6 =	vld [tilespmem:s1+$0x1940];
	_ =	sdelay $0x2  }
0xf7: {  	v1 =	vsub.f32 v1, v4;
	v2 =	vsub.f32 v5, v2;
	_ =	sdelay $0x1  }
0xf8: {  	v1 =	vmul.f32 v1, v1;
	v3 =	vsub.f32 v6, v3;
	v2 =	vmul.f32 v2, v2  }
0xf9: {  	v4 =	vld [tilespmem:s1+$0x25C0]  }
0xfa: {  	v1 =	vadd.f32 v1, v2;
	v2 =	vmul.f32 v3, v3;
	v3 =	vld [tilespmem:s1+$0x3250];
	_ =	sdelay $0x1  }
0xfb: {  	v1 =	vadd.f32 v2, v1;
	_ =	sdelay $0x1  }
0xfc: {  	v1 =	vmul.f32 v1, v4  }
0xfd: {  	p1 =	slt.u32 s21, $0x186A0  }
0xfe: {  	v1 =	vpsel !p1, $0x0, v1;
	v2 =	vld [tilespmem:s1+$0xCD0]  }
0xff: {  	[tilespmem:s1+$0x7240] =	vst v1;
	v1 =	vld [tilespmem:s1+$0x50]  }
0x100: {  	v4 =	vld.idx.msk [tilespmem:v3+s22+$0x0], $0xffff  }
0x101: {  	v5 =	vld.idx.msk [tilespmem:v3+s23+$0x0], $0xffff  }
0x102: {  	v3 =	vld.idx.msk [tilespmem:v3+s24+$0x0], $0xffff  }
0x103: {  	v6 =	vld [tilespmem:s1+$0x1950];
	_ =	sdelay $0x2  }
0x104: {  	v1 =	vsub.f32 v1, v4  }
0x105: {  	v2 =	vsub.f32 v2, v5  }
0x106: {  	v1 =	vmul.f32 v1, v1;
	v3 =	vsub.f32 v6, v3  }
0x107: {  	v2 =	vmul.f32 v2, v2  }
0x108: {  	v4 =	vld [tilespmem:s1+$0x25D0]  }
0x109: {  	v1 =	vadd.f32 v2, v1;
	v2 =	vmul.f32 v3, v3;
	v3 =	vld [tilespmem:s1+$0x3260];
	_ =	sdelay $0x1  }
0x10a: {  	v1 =	vadd.f32 v2, v1;
	_ =	sdelay $0x1  }
0x10b: {  	v1 =	vmul.f32 v1, v4  }
0x10c: {  	p1 =	slt.u32 s20, $0x186A0  }
0x10d: {  	v1 =	vpsel !p1, $0x0, v1;
	v2 =	vld [tilespmem:s1+$0xCE0]  }
0x10e: {  	[tilespmem:s1+$0x7250] =	vst v1;
	v1 =	vld [tilespmem:s1+$0x60]  }
0x10f: {  	v4 =	vld.idx.msk [tilespmem:v3+s22+$0x0], $0xffff  }
0x110: {  	v5 =	vld.idx.msk [tilespmem:v3+s23+$0x0], $0xffff  }
0x111: {  	v3 =	vld.idx.msk [tilespmem:v3+s24+$0x0], $0xffff  }
0x112: {  	v6 =	vld [tilespmem:s1+$0x1960];
	_ =	sdelay $0x2  }
0x113: {  	v1 =	vsub.f32 v1, v4  }
0x114: {  	v2 =	vsub.f32 v2, v5  }
0x115: {  	v1 =	vmul.f32 v1, v1;
	v3 =	vsub.f32 v6, v3  }
0x116: {  	v2 =	vmul.f32 v2, v2  }
0x117: {  	v4 =	vld [tilespmem:s1+$0x25E0]  }
0x118: {  	v1 =	vadd.f32 v2, v1;
	v2 =	vmul.f32 v3, v3;
	v3 =	vld [tilespmem:s1+$0x3270];
	_ =	sdelay $0x1  }
0x119: {  	v1 =	vadd.f32 v2, v1;
	_ =	sdelay $0x1  }
0x11a: {  	v1 =	vmul.f32 v1, v4  }
0x11b: {  	p1 =	slt.u32 s19, $0x186A0  }
0x11c: {  	v1 =	vpsel !p1, $0x0, v1;
	v2 =	vld [tilespmem:s1+$0xCF0]  }
0x11d: {  	[tilespmem:s1+$0x7260] =	vst v1;
	v1 =	vld [tilespmem:s1+$0x70]  }
0x11e: {  	v4 =	vld.idx.msk [tilespmem:v3+s22+$0x0], $0xffff  }
0x11f: {  	v5 =	vld.idx.msk [tilespmem:v3+s23+$0x0], $0xffff  }
0x120: {  	v3 =	vld.idx.msk [tilespmem:v3+s24+$0x0], $0xffff  }
0x121: {  	v6 =	vld [tilespmem:s1+$0x1970];
	_ =	sdelay $0x1  }
.Ltmp0:
0x122: {  	(pc) =	sbr.rel @p0 .LBB2_2-.Ltmp0, $4  }
0x123: {  	v1 =	vsub.f32 v1, v4  }
0x124: {  	v5 =	vsub.f32 v2, v5  }
0x125: {  	v2 =	vmul.f32 v1, v1;
	v4 =	vsub.f32 v6, v3  }
0x126: {  	v3 =	vmul.f32 v5, v5;
	v1 =	vld [tilespmem:s1+$0x25F0]  }
0x127: {  	_ = 	snop  }
0x128: {  	v4 =	vmul.f32 v4, v4;
	v2 =	vadd.f32 v3, v2;
	_ =	sdelay $0x1  }
0x129: {  	v2 =	vadd.f32 v4, v2;
	_ =	sdelay $0x1  }
0x12a: {  	v1 =	vmul.f32 v2, v1  }
0x12b: {  	p0 =	slt.u32 s0, $0x186A0  }
0x12c: {  	v1 =	vpsel !p0, $0x0, v1  }
0x12d: {  	s21 =	sadd.s32 $0x3200, s1;
	s2 =	sadd.s32 $0x7200, s1;
	[tilespmem:s1+$0x7270] =	vst v1  }
0x12e: {  	[spmem:s3] =	stream.indirect.scatter.add.f32 [tilespmem:s2], [sflag:$0x1], $0x1, s21, s26, $0xb8;
	[tilespmem:$0x8080] =	vst v63  }
0x12f: {  	_ =	swait.ge [sflag:s28], $0x80  }
0x130: {  	[sflag:s28] =	ssyncset.done $0x0  }
0x131: {  	[sflag:s28] =	ssyncadd.s32 $0xFFFFFF80  }
0x132: {  	_ =	swait.ge [sflag:s28], $0x80  }
0x133: {  	[sflag:s28] =	ssyncset.done $0x0  }
0x134: {  	[sflag:s28] =	ssyncadd.s32 $0xFFFFFF80  }
0x135: {  	_ =	swait.ge [sflag:s28], $0x80  }
0x136: {  	[sflag:s28] =	ssyncset.done $0x0  }
0x137: {  	[sflag:s28] =	ssyncadd.s32 $0xFFFFFF80  }
0x138: {  	_ =	swait.ge [sflag:s28], $0x80  }
0x139: {  	[sflag:s28] =	ssyncset.done $0x0  }
0x13a: {  	[sflag:s28] =	ssyncadd.s32 $0xFFFFFF80  }
0x13b: {  	_ =	swait.ge [sflag:s28], $0x80  }
0x13c: {  	[sflag:s28] =	ssyncset.done $0x0  }
0x13d: {  	[sflag:s28] =	ssyncadd.s32 $0xFFFFFF80  }
0x13e: {  	_ =	swait.ge [sflag:s28], $0x80  }
0x13f: {  	[sflag:s28] =	ssyncset.done $0x0  }
0x140: {  	[sflag:s28] =	ssyncadd.s32 $0xFFFFFF80  }
0x141: {  	_ =	swait.ge [sflag:s28], $0x80  }
0x142: {  	[sflag:s28] =	ssyncset.done $0x0  }
0x143: {  	[sflag:s28] =	ssyncadd.s32 $0xFFFFFF80  }
0x144: {  	_ =	swait.ge [sflag:s28], $0x80  }
0x145: {  	[sflag:s28] =	ssyncset.done $0x0  }
0x146: {  	[sflag:s28] =	ssyncadd.s32 $0xFFFFFF80  }
0x147: {  	_ =	swait.ge [sflag:s28], $0x80  }
0x148: {  	[sflag:s28] =	ssyncset.done $0x0  }
0x149: {  	[sflag:s28] =	ssyncadd.s32 $0xFFFFFF80  }
0x14a: {  	_ =	swait.ge [sflag:s28], $0x80  }
0x14b: {  	[sflag:s28] =	ssyncset.done $0x0  }
0x14c: {  	[sflag:s28] =	ssyncadd.s32 $0xFFFFFF80  }
0x14d: {  	_ =	swait.ge [sflag:s28], $0x80  }
0x14e: {  	[sflag:s28] =	ssyncset.done $0x0  }
0x14f: {  	[sflag:s28] =	ssyncadd.s32 $0xFFFFFF80  }
0x150: {  	_ =	swait.ge [sflag:s28], $0x80  }
0x151: {  	[sflag:s28] =	ssyncset.done $0x0  }
0x152: {  	[sflag:s28] =	ssyncadd.s32 $0xFFFFFF80  }
0x153: {  	_ =	swait.ge [sflag:s28], $0x80  }
0x154: {  	[sflag:s28] =	ssyncset.done $0x0  }
0x155: {  	[sflag:s28] =	ssyncadd.s32 $0xFFFFFF80  }
0x156: {  	_ =	swait.ge [sflag:s28], $0x80  }
0x157: {  	[sflag:s28] =	ssyncset.done $0x0  }
0x158: {  	[sflag:s28] =	ssyncadd.s32 $0xFFFFFF80  }
0x159: {  	_ =	swait.ge [sflag:s28], $0x80  }
0x15a: {  	[sflag:s28] =	ssyncset.done $0x0  }
0x15b: {  	[sflag:s28] =	ssyncadd.s32 $0xFFFFFF80  }
0x15c: {  	_ =	swait.ge [sflag:s28], $0x80  }
0x15d: {  	[sflag:s28] =	ssyncset.done $0x0  }
0x15e: {  	[sflag:s28] =	ssyncadd.s32 $0xFFFFFF80  }
0x15f: {  	_ =	swait.ge [sflag:s28], $0x80  }
0x160: {  	[sflag:s28] =	ssyncset.done $0x0  }
0x161: {  	[sflag:s28] =	ssyncadd.s32 $0xFFFFFF80  }
0x162: {  	_ =	swait.ge [sflag:s28], $0x80  }
0x163: {  	[sflag:s28] =	ssyncset.done $0x0  }
0x164: {  	[sflag:s28] =	ssyncadd.s32 $0xFFFFFF80  }
0x165: {  	_ =	swait.ge [sflag:s28], $0x80  }
0x166: {  	[sflag:s28] =	ssyncset.done $0x0  }
0x167: {  	[sflag:s28] =	ssyncadd.s32 $0xFFFFFF80  }
0x168: {  	_ =	swait.ge [sflag:s28], $0x80  }
0x169: {  	[sflag:s28] =	ssyncset.done $0x0  }
0x16a: {  	[sflag:s28] =	ssyncadd.s32 $0xFFFFFF80  }
0x16b: {  	_ =	swait.ge [sflag:s28], $0x80  }
0x16c: {  	[sflag:s28] =	ssyncset.done $0x0  }
0x16d: {  	[sflag:s28] =	ssyncadd.s32 $0xFFFFFF80  }
0x16e: {  	_ =	swait.ge [sflag:s28], $0x80  }
0x16f: {  	[sflag:s28] =	ssyncset.done $0x0  }
0x170: {  	[sflag:s28] =	ssyncadd.s32 $0xFFFFFF80  }
0x171: {  	_ =	swait.ge [sflag:s28], $0x80  }
0x172: {  	[sflag:s28] =	ssyncset.done $0x0  }
0x173: {  	[sflag:s28] =	ssyncadd.s32 $0xFFFFFF80  }
0x174: {  	_ =	swait.ge [sflag:s28], $0x80  }
0x175: {  	[sflag:s28] =	ssyncset.done $0x0  }
0x176: {  	[sflag:s28] =	ssyncadd.s32 $0xFFFFFF80  }
0x177: {  	s25 =	sor.u32 $0x1C02, s11;
	_ =	swait.ge [sflag:s28], $0x80  }
0x178: {  	s29 =	sshrl.u32 s14, $0x3;
	s31 =	sadd.s32 $0x1, s31;
	[sflag:s28] =	ssyncset.done $0x0  }
0x179: {  	s30 =	simm.s32 $0x20;
	p0 =	sne.s32 s31, s16;
	[sflag:s28] =	ssyncadd.s32 $0xFFFFFF80  }
.Ltmp1:
0x17a: {  	s18 =	simm.s32 $0x10;
	[bflag:$0x0] =	sbarrier.arrive $0xFFFF;
	(pc) =	sbr.rel @p0 .LBB2_1-.Ltmp1, $4  }
0x17b: {  	[hbm:s15@s30], [sflag:s25] =	dma.strided [spmem:s29@s18], $0x20, s28, $0x10   }
0x17c: {  	_ =	swait.ge [sflag:s17], $0x20  }
0x17d: {  	[sflag:s17] =	ssyncset.done $0x0  }
0x17e: {  	[sflag:s17] =	ssyncadd.s32 $0xFFFFFFE0  }
0x17f: {  	_ =	sfence.sel $0x180000  }
0x180: {  	[bflag:$0x0] =	sbarrier.arrive $0xFFFF  }
0x181: {  	_ =	strace $0x9000004A  }
0x182: {  	s0 =	stileid.u32;
	[bflag:$0x2] =	sbarrier.arrive $0xFFFF  }
0x183: {  	p0 =	sne.s32 s0, $0x0;
	s0 =	rddreg [dreg:$0x3]  }
0x184: {  	s0 =	sadd.s32 @!p0 $0x100000, s0  }
0x185: {  	[sflag:s0] =	ssyncadd.tile.s32 @!p0 $0x1;
	_ =	shalt  }
.Lfunc_end2:
_tile_overlayer_lowered:
.L_overlay_start_2:
0x186: {  	(tag) =	ssettag $0x2  }
0x187: {  	s0 =	rddreg [dreg:$0x0];
	s2 =	stileid.u32  }
0x188: {  	s1 =	rddreg [dreg:$0x1];
	p0 =	sne.s32 s2, $0x0  }
0x189: {  	s3 =	rddreg [dreg:$0x2];
	[bflag:$0x3] =	sbarrier.arrive $0xFFFF;
	s2 =	simm.s32 @!p0 $0x1C02  }
0x18a: {  	[timem:s3], [sflag:s2] =	dma.local @!p0 [hbm:s0], s1  }
0x18b: {  	s0 =	simm.s32 @!p0 $0x2  }
0x18c: {  	_ =	swait.ge @!p0 [sflag:s0], s1  }
0x18d: {  	s1 =	ssub.s32 @!p0 $0x0, s1;
	[sflag:s0] =	ssyncset.done @!p0 $0x0  }
0x18e: {  	[sflag:s0] =	ssyncadd.s32 @!p0 s1  }
0x18f: {  	[bflag:$0x3] =	sbarrier.arrive $0xFFFF  }
0x190: {  	_ =	shalt  }

</sc_bundles>
